<compile_context>
chip_gen: v7x
topology: tpu7x:2x2x1
jax: 0.10.2.dev20260603
libtpu: 0.0.44.dev20260713+nightly
codegen_flags: <defaults>
</compile_context>

<pallas_src>
import functools

import jax
import jax.numpy as jnp
from jax import lax
from jax.experimental import pallas as pl
from jax.experimental.pallas import tpu as pltpu
from jax.experimental.pallas import tpu_sc as plsc

_N = 16384
_K = 50
_EMB = 64

_NC = 2
_NS = 16
_NW = _NC * _NS
_ROWS_W = _N // _NW
_E_W = _ROWS_W * _K
_M_ROWS = 8
_M_E = _M_ROWS * _K
_N_M = _ROWS_W // _M_ROWS
_L = 16

_TC_B = 25600
_NB = _N * _K // _TC_B


def _bucket(d):
    b = jnp.minimum(jnp.maximum(d - 1, 0), 1)
    for thr in (2, 3, 4, 7, 15, 31, 63):
        b = b + jnp.minimum(jnp.maximum(d - thr, 0), 1)
    return b


def _sc_index_body(top_hbm, idx_hbm, t2_v, b_v):
    wid = lax.axis_index("s") * _NC + lax.axis_index("c")
    r0 = wid * _ROWS_W
    pltpu.sync_copy(top_hbm.at[pl.ds(r0, _ROWS_W), :], t2_v)

    def macro(m, carry):
        for r in range(_M_ROWS):
            i = r0 + m * _M_ROWS + r
            for off in (0, 16, 32, _K - _L):
                t = t2_v[m * _M_ROWS + r, pl.ds(off, _L)]
                d = jnp.maximum(i - t, 1)
                b_v[pl.ds((m * _M_ROWS + r) * _K + off, _L)] = _bucket(d)
        return carry

    lax.fori_loop(0, _N_M, macro, 0)
    pltpu.sync_copy(b_v, idx_hbm.at[pl.ds(r0 * _K, _E_W)])


def _tc_expand_body(idx_ref, tab_ref, out_ref):
    b = idx_ref[0, 0, :]
    oh = (b[:, None] == lax.broadcasted_iota(jnp.int32, (1, 16), 1))
    out_ref[...] = jnp.dot(oh.astype(jnp.float32), tab_ref[...],
                           preferred_element_type=jnp.float32)


@functools.partial(jax.jit)
def _run(top_2d, distance_emb):
    mesh = plsc.VectorSubcoreMesh(core_axis_name="c", subcore_axis_name="s")
    sc_index = pl.kernel(
        _sc_index_body,
        mesh=mesh,
        out_type=jax.ShapeDtypeStruct((_N * _K,), jnp.int32),
        scratch_types=[
            pltpu.VMEM((_ROWS_W, _K), jnp.int32),
            pltpu.VMEM((_E_W,), jnp.int32),
        ],
    )
    idx = sc_index(top_2d)
    tab16 = jnp.zeros((16, _EMB), jnp.float32).at[:9].set(distance_emb)
    out = pl.pallas_call(
        _tc_expand_body,
        grid=(_NB,),
        in_specs=[
            pl.BlockSpec((1, 1, _TC_B), lambda i: (i, 0, 0)),
            pl.BlockSpec((16, _EMB), lambda i: (0, 0)),
        ],
        out_specs=pl.BlockSpec((_TC_B, _EMB), lambda i: (i, 0)),
        out_shape=jax.ShapeDtypeStruct((_N * _K, _EMB), jnp.float32),
    )(idx.reshape(_NB, 1, _TC_B), tab16)
    return out


def kernel(top_indices, distance_emb):
    out = _run(top_indices, distance_emb)
    return out.reshape(_N, _K, _EMB)

# --- scband reference (transcript-rebuilt; emitter-appended) ---
"""Pipeline reference for scband-distance-pairwise-encoder-51840255262834 (READ-ONLY COPY).

The authoritative reference and input builder live on the scoring server;
editing this copy changes nothing except your own understanding.
"""

import jax, jax.numpy as jnp
import numpy as np

N = 16384
K = 50
EMB = 64

def setup_inputs(seed: int = 0) -> dict:
    key = jax.random.key(seed)
    k1, k2 = jax.random.split(key)
    top_indices = jax.random.randint(k1, (N, K), 0, N, dtype=jnp.int32)
    distance_emb = jax.random.normal(k2, (9, EMB), dtype=jnp.float32)
    return {"top_indices": top_indices, "distance_emb": distance_emb}

def reference(top_indices, distance_emb):
    n = top_indices.shape[0]
    word_ids = jnp.arange(n, dtype=jnp.int32)
    # distance[i, j] = i - word_ids[top_indices[i, j]], clamped to >= 1
    distance = jnp.clip(word_ids[:, None] - word_ids[top_indices], 1, None)
    log_distance = jnp.floor(jnp.log2(distance.astype(jnp.float32)))
    log_distance = jnp.clip(log_distance, None, 6.0).astype(jnp.int32)
    bucket = jnp.where(distance < 5, distance - 1, log_distance + 2)
    out = jnp.take(distance_emb, bucket, axis=0)
    # dropout_rate = 0.0 -> identity
    return out

if __name__ == "__main__":
    import jax
    _d = setup_inputs()
    print(jax.jit(kernel)(*tuple(_d.values())))

</pallas_src>

<mosaic_0001>
#map = affine_map<(d0, d1) -> (0, 0)>
#map1 = affine_map<(d0, d1) -> (0)>
module attributes {stable_mosaic.version = 14 : i64} {
  func.func @_sc_index_body(%arg0: i32, %arg1: i32, %arg2: memref<16384x50xi32, #tpu.memory_space<hbm>>, %arg3: memref<819200xi32, #tpu.memory_space<hbm>>, %arg4: memref<512x50xi32, #tpu.memory_space<vmem>>, %arg5: memref<25600xi32, #tpu.memory_space<vmem>>) attributes {dimension_semantics = [#tpu.dimension_semantics<core_parallel>, #tpu.dimension_semantics<subcore_parallel>], iteration_bounds = array<i64: 2, 16>, scalar_prefetch = 0 : i64, scratch_operands = 2 : i64, tpu.core_type = #tpu.core_type<sc_vector_subcore>, window_params = [{transform_indices = #map}, {transform_indices = #map1}]} {
    %mul3A = arith.constant 2 : i32
    %mul3A_0 = arith.muli %arg1, %mul3A : i32
    %add3A = arith.addi %mul3A_0, %arg0 : i32
    %mul3A_1 = arith.constant 512 : i32
    %mul3A_2 = arith.muli %add3A, %mul3A_1 : i32
    "tpu.region"() ({
      %run_scoped3A = tpu.sem_alloc : memref<!tpu.dma_semaphore, #tpu.memory_space<semaphore_mem>>
      %dma_start3A = arith.constant 0 : i32
      %dma_start3A_10 = tpu.memref_slice %arg2[%mul3A_2, %dma_start3A] : memref<16384x50xi32, #tpu.memory_space<hbm>> -> memref<512x50xi32, #tpu.memory_space<hbm>>
      %dma_start3A_11 = arith.constant 0 : i32
      %dma_start3A_12 = tpu.memref_slice %arg2[%mul3A_2, %dma_start3A_11] : memref<16384x50xi32, #tpu.memory_space<hbm>> -> memref<512x50xi32, #tpu.memory_space<hbm>>
      tpu.enqueue_dma source(%dma_start3A_12 : memref<512x50xi32, #tpu.memory_space<hbm>>) target(%arg4 : memref<512x50xi32, #tpu.memory_space<vmem>>) target_semaphore(%run_scoped3A : memref<!tpu.dma_semaphore, #tpu.memory_space<semaphore_mem>>)
      %dma_wait3A = arith.constant 0 : i32
      %dma_wait3A_13 = tpu.memref_slice %arg2[%mul3A_2, %dma_wait3A] : memref<16384x50xi32, #tpu.memory_space<hbm>> -> memref<512x50xi32, #tpu.memory_space<hbm>>
      %dma_wait3A_14 = arith.constant 0 : i32
      %dma_wait3A_15 = tpu.memref_slice %arg2[%mul3A_2, %dma_wait3A_14] : memref<16384x50xi32, #tpu.memory_space<hbm>> -> memref<512x50xi32, #tpu.memory_space<hbm>>
      tpu.wait_dma2 semaphore(%run_scoped3A : memref<!tpu.dma_semaphore, #tpu.memory_space<semaphore_mem>>) src(%dma_wait3A_15 : memref<512x50xi32, #tpu.memory_space<hbm>>) dst(%arg4 : memref<512x50xi32, #tpu.memory_space<vmem>>)
      tpu.yield
    }) : () -> ()
    %scan3A = arith.constant 0 : i32
    %scan3A_3 = arith.constant 0 : i32
    %scan3A_4 = arith.constant 64 : i32
    %scan3A_5 = arith.addi %scan3A_3, %scan3A_4 : i32
    %scan3A_6 = arith.constant 1 : i32
    scf.for %scan3A_10 = %scan3A_3 to %scan3A_5 step %scan3A_6  : i32 {
      %mul3A_11 = arith.constant 8 : i32
      %mul3A_12 = arith.muli %scan3A_10, %mul3A_11 : i32
      %add3A_13 = arith.addi %mul3A_2, %mul3A_12 : i32
      %add3A_14 = arith.constant 0 : i32
      %add3A_15 = arith.addi %add3A_13, %add3A_14 : i32
      %mul3A_16 = arith.constant 8 : i32
      %mul3A_17 = arith.muli %scan3A_10, %mul3A_16 : i32
      %add3A_18 = arith.constant 0 : i32
      %add3A_19 = arith.addi %mul3A_17, %add3A_18 : i32
      %get3A = arith.index_cast %add3A_19 : i32 to index
      %get3A_20 = arith.constant 0 : index
      %get3A_21 = tpu.vector_load %arg4[%get3A, %get3A_20] {strides = array<i32>} : memref<512x50xi32, #tpu.memory_space<vmem>>, vector<1x16xi32>,
      %get3A_22 = vector.shape_cast %get3A_21 : vector<1x16xi32> to vector<16xi32>
      %sub3A = vector.broadcast %add3A_15 : i32 to vector<16xi32>
      %sub3A_23 = arith.subi %sub3A, %get3A_22 : vector<16xi32>
      %max3A = arith.constant 1 : i32
      %max3A_24 = vector.broadcast %max3A : i32 to vector<16xi32>
      %max3A_25 = arith.maxsi %sub3A_23, %max3A_24 : vector<16xi32>
      %sub3A_26 = arith.constant 1 : i32
      %sub3A_27 = vector.broadcast %sub3A_26 : i32 to vector<16xi32>
      %sub3A_28 = arith.subi %max3A_25, %sub3A_27 : vector<16xi32>
      %max3A_29 = arith.constant 0 : i32
      %max3A_30 = vector.broadcast %max3A_29 : i32 to vector<16xi32>
      %max3A_31 = arith.maxsi %sub3A_28, %max3A_30 : vector<16xi32>
      %min3A = arith.constant 1 : i32
      %min3A_32 = vector.broadcast %min3A : i32 to vector<16xi32>
      %min3A_33 = arith.minsi %max3A_31, %min3A_32 : vector<16xi32>
      %sub3A_34 = arith.constant 2 : i32
      %sub3A_35 = vector.broadcast %sub3A_34 : i32 to vector<16xi32>
      %sub3A_36 = arith.subi %max3A_25, %sub3A_35 : vector<16xi32>
      %max3A_37 = arith.constant 0 : i32
      %max3A_38 = vector.broadcast %max3A_37 : i32 to vector<16xi32>
      %max3A_39 = arith.maxsi %sub3A_36, %max3A_38 : vector<16xi32>
      %min3A_40 = arith.constant 1 : i32
      %min3A_41 = vector.broadcast %min3A_40 : i32 to vector<16xi32>
      %min3A_42 = arith.minsi %max3A_39, %min3A_41 : vector<16xi32>
      %add3A_43 = arith.addi %min3A_33, %min3A_42 : vector<16xi32>
      %sub3A_44 = arith.constant 3 : i32
      %sub3A_45 = vector.broadcast %sub3A_44 : i32 to vector<16xi32>
      %sub3A_46 = arith.subi %max3A_25, %sub3A_45 : vector<16xi32>
      %max3A_47 = arith.constant 0 : i32
      %max3A_48 = vector.broadcast %max3A_47 : i32 to vector<16xi32>
      %max3A_49 = arith.maxsi %sub3A_46, %max3A_48 : vector<16xi32>
      %min3A_50 = arith.constant 1 : i32
      %min3A_51 = vector.broadcast %min3A_50 : i32 to vector<16xi32>
      %min3A_52 = arith.minsi %max3A_49, %min3A_51 : vector<16xi32>
      %add3A_53 = arith.addi %add3A_43, %min3A_52 : vector<16xi32>
      %sub3A_54 = arith.constant 4 : i32
      %sub3A_55 = vector.broadcast %sub3A_54 : i32 to vector<16xi32>
      %sub3A_56 = arith.subi %max3A_25, %sub3A_55 : vector<16xi32>
      %max3A_57 = arith.constant 0 : i32
      %max3A_58 = vector.broadcast %max3A_57 : i32 to vector<16xi32>
      %max3A_59 = arith.maxsi %sub3A_56, %max3A_58 : vector<16xi32>
      %min3A_60 = arith.constant 1 : i32
      %min3A_61 = vector.broadcast %min3A_60 : i32 to vector<16xi32>
      %min3A_62 = arith.minsi %max3A_59, %min3A_61 : vector<16xi32>
      %add3A_63 = arith.addi %add3A_53, %min3A_62 : vector<16xi32>
      %sub3A_64 = arith.constant 7 : i32
      %sub3A_65 = vector.broadcast %sub3A_64 : i32 to vector<16xi32>
      %sub3A_66 = arith.subi %max3A_25, %sub3A_65 : vector<16xi32>
      %max3A_67 = arith.constant 0 : i32
      %max3A_68 = vector.broadcast %max3A_67 : i32 to vector<16xi32>
      %max3A_69 = arith.maxsi %sub3A_66, %max3A_68 : vector<16xi32>
      %min3A_70 = arith.constant 1 : i32
      %min3A_71 = vector.broadcast %min3A_70 : i32 to vector<16xi32>
      %min3A_72 = arith.minsi %max3A_69, %min3A_71 : vector<16xi32>
      %add3A_73 = arith.addi %add3A_63, %min3A_72 : vector<16xi32>
      %sub3A_74 = arith.constant 15 : i32
      %sub3A_75 = vector.broadcast %sub3A_74 : i32 to vector<16xi32>
      %sub3A_76 = arith.subi %max3A_25, %sub3A_75 : vector<16xi32>
      %max3A_77 = arith.constant 0 : i32
      %max3A_78 = vector.broadcast %max3A_77 : i32 to vector<16xi32>
      %max3A_79 = arith.maxsi %sub3A_76, %max3A_78 : vector<16xi32>
      %min3A_80 = arith.constant 1 : i32
      %min3A_81 = vector.broadcast %min3A_80 : i32 to vector<16xi32>
      %min3A_82 = arith.minsi %max3A_79, %min3A_81 : vector<16xi32>
      %add3A_83 = arith.addi %add3A_73, %min3A_82 : vector<16xi32>
      %sub3A_84 = arith.constant 31 : i32
      %sub3A_85 = vector.broadcast %sub3A_84 : i32 to vector<16xi32>
      %sub3A_86 = arith.subi %max3A_25, %sub3A_85 : vector<16xi32>
      %max3A_87 = arith.constant 0 : i32
      %max3A_88 = vector.broadcast %max3A_87 : i32 to vector<16xi32>
      %max3A_89 = arith.maxsi %sub3A_86, %max3A_88 : vector<16xi32>
      %min3A_90 = arith.constant 1 : i32
      %min3A_91 = vector.broadcast %min3A_90 : i32 to vector<16xi32>
      %min3A_92 = arith.minsi %max3A_89, %min3A_91 : vector<16xi32>
      %add3A_93 = arith.addi %add3A_83, %min3A_92 : vector<16xi32>
      %sub3A_94 = arith.constant 63 : i32
      %sub3A_95 = vector.broadcast %sub3A_94 : i32 to vector<16xi32>
      %sub3A_96 = arith.subi %max3A_25, %sub3A_95 : vector<16xi32>
      %max3A_97 = arith.constant 0 : i32
      %max3A_98 = vector.broadcast %max3A_97 : i32 to vector<16xi32>
      %max3A_99 = arith.maxsi %sub3A_96, %max3A_98 : vector<16xi32>
      %min3A_100 = arith.constant 1 : i32
      %min3A_101 = vector.broadcast %min3A_100 : i32 to vector<16xi32>
      %min3A_102 = arith.minsi %max3A_99, %min3A_101 : vector<16xi32>
      %add3A_103 = arith.addi %add3A_93, %min3A_102 : vector<16xi32>
      %mul3A_104 = arith.constant 8 : i32
      %mul3A_105 = arith.muli %scan3A_10, %mul3A_104 : i32
      %add3A_106 = arith.constant 0 : i32
      %add3A_107 = arith.addi %mul3A_105, %add3A_106 : i32
      %mul3A_108 = arith.constant 50 : i32
      %mul3A_109 = arith.muli %add3A_107, %mul3A_108 : i32
      %add3A_110 = arith.constant 0 : i32
      %add3A_111 = arith.addi %mul3A_109, %add3A_110 : i32
      %swap3A = arith.index_cast %add3A_111 : i32 to index
      %swap3A_112 = tpu.vector_load %arg5[%swap3A] {strides = array<i32>} : memref<25600xi32, #tpu.memory_space<vmem>>, vector<16xi32>,
      %swap3A_113 = vector.shape_cast %swap3A_112 : vector<16xi32> to vector<16xi32>
      %swap3A_114 = vector.shape_cast %add3A_103 : vector<16xi32> to vector<16xi32>
      tpu.vector_store %arg5[%swap3A], %swap3A_114 {strides = array<i32>} : memref<25600xi32, #tpu.memory_space<vmem>>, vector<16xi32>,
      %mul3A_115 = arith.constant 8 : i32
      %mul3A_116 = arith.muli %scan3A_10, %mul3A_115 : i32
      %add3A_117 = arith.constant 0 : i32
      %add3A_118 = arith.addi %mul3A_116, %add3A_117 : i32
      %get3A_119 = arith.index_cast %add3A_118 : i32 to index
      %get3A_120 = arith.constant 16 : index
      %get3A_121 = tpu.vector_load %arg4[%get3A_119, %get3A_120] {strides = array<i32>} : memref<512x50xi32, #tpu.memory_space<vmem>>, vector<1x16xi32>,
      %get3A_122 = vector.shape_cast %get3A_121 : vector<1x16xi32> to vector<16xi32>
      %sub3A_123 = vector.broadcast %add3A_15 : i32 to vector<16xi32>
      %sub3A_124 = arith.subi %sub3A_123, %get3A_122 : vector<16xi32>
      %max3A_125 = arith.constant 1 : i32
      %max3A_126 = vector.broadcast %max3A_125 : i32 to vector<16xi32>
      %max3A_127 = arith.maxsi %sub3A_124, %max3A_126 : vector<16xi32>
      %sub3A_128 = arith.constant 1 : i32
      %sub3A_129 = vector.broadcast %sub3A_128 : i32 to vector<16xi32>
      %sub3A_130 = arith.subi %max3A_127, %sub3A_129 : vector<16xi32>
      %max3A_131 = arith.constant 0 : i32
      %max3A_132 = vector.broadcast %max3A_131 : i32 to vector<16xi32>
      %max3A_133 = arith.maxsi %sub3A_130, %max3A_132 : vector<16xi32>
      %min3A_134 = arith.constant 1 : i32
      %min3A_135 = vector.broadcast %min3A_134 : i32 to vector<16xi32>
      %min3A_136 = arith.minsi %max3A_133, %min3A_135 : vector<16xi32>
      %sub3A_137 = arith.constant 2 : i32
      %sub3A_138 = vector.broadcast %sub3A_137 : i32 to vector<16xi32>
      %sub3A_139 = arith.subi %max3A_127, %sub3A_138 : vector<16xi32>
      %max3A_140 = arith.constant 0 : i32
      %max3A_141 = vector.broadcast %max3A_140 : i32 to vector<16xi32>
      %max3A_142 = arith.maxsi %sub3A_139, %max3A_141 : vector<16xi32>
      %min3A_143 = arith.constant 1 : i32
      %min3A_144 = vector.broadcast %min3A_143 : i32 to vector<16xi32>
      %min3A_145 = arith.minsi %max3A_142, %min3A_144 : vector<16xi32>
      %add3A_146 = arith.addi %min3A_136, %min3A_145 : vector<16xi32>
      %sub3A_147 = arith.constant 3 : i32
      %sub3A_148 = vector.broadcast %sub3A_147 : i32 to vector<16xi32>
      %sub3A_149 = arith.subi %max3A_127, %sub3A_148 : vector<16xi32>
      %max3A_150 = arith.constant 0 : i32
      %max3A_151 = vector.broadcast %max3A_150 : i32 to vector<16xi32>
      %max3A_152 = arith.maxsi %sub3A_149, %max3A_151 : vector<16xi32>
      %min3A_153 = arith.constant 1 : i32
      %min3A_154 = vector.broadcast %min3A_153 : i32 to vector<16xi32>
      %min3A_155 = arith.minsi %max3A_152, %min3A_154 : vector<16xi32>
      %add3A_156 = arith.addi %add3A_146, %min3A_155 : vector<16xi32>
      %sub3A_157 = arith.constant 4 : i32
      %sub3A_158 = vector.broadcast %sub3A_157 : i32 to vector<16xi32>
      %sub3A_159 = arith.subi %max3A_127, %sub3A_158 : vector<16xi32>
      %max3A_160 = arith.constant 0 : i32
      %max3A_161 = vector.broadcast %max3A_160 : i32 to vector<16xi32>
      %max3A_162 = arith.maxsi %sub3A_159, %max3A_161 : vector<16xi32>
      %min3A_163 = arith.constant 1 : i32
      %min3A_164 = vector.broadcast %min3A_163 : i32 to vector<16xi32>
      %min3A_165 = arith.minsi %max3A_162, %min3A_164 : vector<16xi32>
      %add3A_166 = arith.addi %add3A_156, %min3A_165 : vector<16xi32>
      %sub3A_167 = arith.constant 7 : i32
      %sub3A_168 = vector.broadcast %sub3A_167 : i32 to vector<16xi32>
      %sub3A_169 = arith.subi %max3A_127, %sub3A_168 : vector<16xi32>
      %max3A_170 = arith.constant 0 : i32
      %max3A_171 = vector.broadcast %max3A_170 : i32 to vector<16xi32>
      %max3A_172 = arith.maxsi %sub3A_169, %max3A_171 : vector<16xi32>
      %min3A_173 = arith.constant 1 : i32
      %min3A_174 = vector.broadcast %min3A_173 : i32 to vector<16xi32>
      %min3A_175 = arith.minsi %max3A_172, %min3A_174 : vector<16xi32>
      %add3A_176 = arith.addi %add3A_166, %min3A_175 : vector<16xi32>
      %sub3A_177 = arith.constant 15 : i32
      %sub3A_178 = vector.broadcast %sub3A_177 : i32 to vector<16xi32>
      %sub3A_179 = arith.subi %max3A_127, %sub3A_178 : vector<16xi32>
      %max3A_180 = arith.constant 0 : i32
      %max3A_181 = vector.broadcast %max3A_180 : i32 to vector<16xi32>
      %max3A_182 = arith.maxsi %sub3A_179, %max3A_181 : vector<16xi32>
      %min3A_183 = arith.constant 1 : i32
      %min3A_184 = vector.broadcast %min3A_183 : i32 to vector<16xi32>
      %min3A_185 = arith.minsi %max3A_182, %min3A_184 : vector<16xi32>
      %add3A_186 = arith.addi %add3A_176, %min3A_185 : vector<16xi32>
      %sub3A_187 = arith.constant 31 : i32
      %sub3A_188 = vector.broadcast %sub3A_187 : i32 to vector<16xi32>
      %sub3A_189 = arith.subi %max3A_127, %sub3A_188 : vector<16xi32>
      %max3A_190 = arith.constant 0 : i32
      %max3A_191 = vector.broadcast %max3A_190 : i32 to vector<16xi32>
      %max3A_192 = arith.maxsi %sub3A_189, %max3A_191 : vector<16xi32>
      %min3A_193 = arith.constant 1 : i32
      %min3A_194 = vector.broadcast %min3A_193 : i32 to vector<16xi32>
      %min3A_195 = arith.minsi %max3A_192, %min3A_194 : vector<16xi32>
      %add3A_196 = arith.addi %add3A_186, %min3A_195 : vector<16xi32>
      %sub3A_197 = arith.constant 63 : i32
      %sub3A_198 = vector.broadcast %sub3A_197 : i32 to vector<16xi32>
      %sub3A_199 = arith.subi %max3A_127, %sub3A_198 : vector<16xi32>
      %max3A_200 = arith.constant 0 : i32
      %max3A_201 = vector.broadcast %max3A_200 : i32 to vector<16xi32>
      %max3A_202 = arith.maxsi %sub3A_199, %max3A_201 : vector<16xi32>
      %min3A_203 = arith.constant 1 : i32
      %min3A_204 = vector.broadcast %min3A_203 : i32 to vector<16xi32>
      %min3A_205 = arith.minsi %max3A_202, %min3A_204 : vector<16xi32>
      %add3A_206 = arith.addi %add3A_196, %min3A_205 : vector<16xi32>
      %mul3A_207 = arith.constant 8 : i32
      %mul3A_208 = arith.muli %scan3A_10, %mul3A_207 : i32
      %add3A_209 = arith.constant 0 : i32
      %add3A_210 = arith.addi %mul3A_208, %add3A_209 : i32
      %mul3A_211 = arith.constant 50 : i32
      %mul3A_212 = arith.muli %add3A_210, %mul3A_211 : i32
      %add3A_213 = arith.constant 16 : i32
      %add3A_214 = arith.addi %mul3A_212, %add3A_213 : i32
      %swap3A_215 = arith.index_cast %add3A_214 : i32 to index
      %swap3A_216 = tpu.vector_load %arg5[%swap3A_215] {strides = array<i32>} : memref<25600xi32, #tpu.memory_space<vmem>>, vector<16xi32>,
      %swap3A_217 = vector.shape_cast %swap3A_216 : vector<16xi32> to vector<16xi32>
      %swap3A_218 = vector.shape_cast %add3A_206 : vector<16xi32> to vector<16xi32>
      tpu.vector_store %arg5[%swap3A_215], %swap3A_218 {strides = array<i32>} : memref<25600xi32, #tpu.memory_space<vmem>>, vector<16xi32>,
      %mul3A_219 = arith.constant 8 : i32
      %mul3A_220 = arith.muli %scan3A_10, %mul3A_219 : i32
      %add3A_221 = arith.constant 0 : i32
      %add3A_222 = arith.addi %mul3A_220, %add3A_221 : i32
      %get3A_223 = arith.index_cast %add3A_222 : i32 to index
      %get3A_224 = arith.constant 32 : index
      %get3A_225 = tpu.vector_load %arg4[%get3A_223, %get3A_224] {strides = array<i32>} : memref<512x50xi32, #tpu.memory_space<vmem>>, vector<1x16xi32>,
      %get3A_226 = vector.shape_cast %get3A_225 : vector<1x16xi32> to vector<16xi32>
      %sub3A_227 = vector.broadcast %add3A_15 : i32 to vector<16xi32>
      %sub3A_228 = arith.subi %sub3A_227, %get3A_226 : vector<16xi32>
      %max3A_229 = arith.constant 1 : i32
      %max3A_230 = vector.broadcast %max3A_229 : i32 to vector<16xi32>
      %max3A_231 = arith.maxsi %sub3A_228, %max3A_230 : vector<16xi32>
      %sub3A_232 = arith.constant 1 : i32
      %sub3A_233 = vector.broadcast %sub3A_232 : i32 to vector<16xi32>
      %sub3A_234 = arith.subi %max3A_231, %sub3A_233 : vector<16xi32>
      %max3A_235 = arith.constant 0 : i32
      %max3A_236 = vector.broadcast %max3A_235 : i32 to vector<16xi32>
      %max3A_237 = arith.maxsi %sub3A_234, %max3A_236 : vector<16xi32>
      %min3A_238 = arith.constant 1 : i32
      %min3A_239 = vector.broadcast %min3A_238 : i32 to vector<16xi32>
      %min3A_240 = arith.minsi %max3A_237, %min3A_239 : vector<16xi32>
      %sub3A_241 = arith.constant 2 : i32
      %sub3A_242 = vector.broadcast %sub3A_241 : i32 to vector<16xi32>
      %sub3A_243 = arith.subi %max3A_231, %sub3A_242 : vector<16xi32>
      %max3A_244 = arith.constant 0 : i32
      %max3A_245 = vector.broadcast %max3A_244 : i32 to vector<16xi32>
      %max3A_246 = arith.maxsi %sub3A_243, %max3A_245 : vector<16xi32>
      %min3A_247 = arith.constant 1 : i32
      %min3A_248 = vector.broadcast %min3A_247 : i32 to vector<16xi32>
      %min3A_249 = arith.minsi %max3A_246, %min3A_248 : vector<16xi32>
      %add3A_250 = arith.addi %min3A_240, %min3A_249 : vector<16xi32>
      %sub3A_251 = arith.constant 3 : i32
      %sub3A_252 = vector.broadcast %sub3A_251 : i32 to vector<16xi32>
      %sub3A_253 = arith.subi %max3A_231, %sub3A_252 : vector<16xi32>
      %max3A_254 = arith.constant 0 : i32
      %max3A_255 = vector.broadcast %max3A_254 : i32 to vector<16xi32>
      %max3A_256 = arith.maxsi %sub3A_253, %max3A_255 : vector<16xi32>
      %min3A_257 = arith.constant 1 : i32
      %min3A_258 = vector.broadcast %min3A_257 : i32 to vector<16xi32>
      %min3A_259 = arith.minsi %max3A_256, %min3A_258 : vector<16xi32>
      %add3A_260 = arith.addi %add3A_250, %min3A_259 : vector<16xi32>
      %sub3A_261 = arith.constant 4 : i32
      %sub3A_262 = vector.broadcast %sub3A_261 : i32 to vector<16xi32>
      %sub3A_263 = arith.subi %max3A_231, %sub3A_262 : vector<16xi32>
      %max3A_264 = arith.constant 0 : i32
      %max3A_265 = vector.broadcast %max3A_264 : i32 to vector<16xi32>
      %max3A_266 = arith.maxsi %sub3A_263, %max3A_265 : vector<16xi32>
      %min3A_267 = arith.constant 1 : i32
      %min3A_268 = vector.broadcast %min3A_267 : i32 to vector<16xi32>
      %min3A_269 = arith.minsi %max3A_266, %min3A_268 : vector<16xi32>
      %add3A_270 = arith.addi %add3A_260, %min3A_269 : vector<16xi32>
      %sub3A_271 = arith.constant 7 : i32
      %sub3A_272 = vector.broadcast %sub3A_271 : i32 to vector<16xi32>
      %sub3A_273 = arith.subi %max3A_231, %sub3A_272 : vector<16xi32>
      %max3A_274 = arith.constant 0 : i32
      %max3A_275 = vector.broadcast %max3A_274 : i32 to vector<16xi32>
      %max3A_276 = arith.maxsi %sub3A_273, %max3A_275 : vector<16xi32>
      %min3A_277 = arith.constant 1 : i32
      %min3A_278 = vector.broadcast %min3A_277 : i32 to vector<16xi32>
      %min3A_279 = arith.minsi %max3A_276, %min3A_278 : vector<16xi32>
      %add3A_280 = arith.addi %add3A_270, %min3A_279 : vector<16xi32>
      %sub3A_281 = arith.constant 15 : i32
      %sub3A_282 = vector.broadcast %sub3A_281 : i32 to vector<16xi32>
      %sub3A_283 = arith.subi %max3A_231, %sub3A_282 : vector<16xi32>
      %max3A_284 = arith.constant 0 : i32
      %max3A_285 = vector.broadcast %max3A_284 : i32 to vector<16xi32>
      %max3A_286 = arith.maxsi %sub3A_283, %max3A_285 : vector<16xi32>
      %min3A_287 = arith.constant 1 : i32
      %min3A_288 = vector.broadcast %min3A_287 : i32 to vector<16xi32>
      %min3A_289 = arith.minsi %max3A_286, %min3A_288 : vector<16xi32>
      %add3A_290 = arith.addi %add3A_280, %min3A_289 : vector<16xi32>
      %sub3A_291 = arith.constant 31 : i32
      %sub3A_292 = vector.broadcast %sub3A_291 : i32 to vector<16xi32>
      %sub3A_293 = arith.subi %max3A_231, %sub3A_292 : vector<16xi32>
      %max3A_294 = arith.constant 0 : i32
      %max3A_295 = vector.broadcast %max3A_294 : i32 to vector<16xi32>
      %max3A_296 = arith.maxsi %sub3A_293, %max3A_295 : vector<16xi32>
      %min3A_297 = arith.constant 1 : i32
      %min3A_298 = vector.broadcast %min3A_297 : i32 to vector<16xi32>
      %min3A_299 = arith.minsi %max3A_296, %min3A_298 : vector<16xi32>
      %add3A_300 = arith.addi %add3A_290, %min3A_299 : vector<16xi32>
      %sub3A_301 = arith.constant 63 : i32
      %sub3A_302 = vector.broadcast %sub3A_301 : i32 to vector<16xi32>
      %sub3A_303 = arith.subi %max3A_231, %sub3A_302 : vector<16xi32>
      %max3A_304 = arith.constant 0 : i32
      %max3A_305 = vector.broadcast %max3A_304 : i32 to vector<16xi32>
      %max3A_306 = arith.maxsi %sub3A_303, %max3A_305 : vector<16xi32>
      %min3A_307 = arith.constant 1 : i32
      %min3A_308 = vector.broadcast %min3A_307 : i32 to vector<16xi32>
      %min3A_309 = arith.minsi %max3A_306, %min3A_308 : vector<16xi32>
      %add3A_310 = arith.addi %add3A_300, %min3A_309 : vector<16xi32>
      %mul3A_311 = arith.constant 8 : i32
      %mul3A_312 = arith.muli %scan3A_10, %mul3A_311 : i32
      %add3A_313 = arith.constant 0 : i32
      %add3A_314 = arith.addi %mul3A_312, %add3A_313 : i32
      %mul3A_315 = arith.constant 50 : i32
      %mul3A_316 = arith.muli %add3A_314, %mul3A_315 : i32
      %add3A_317 = arith.constant 32 : i32
      %add3A_318 = arith.addi %mul3A_316, %add3A_317 : i32
      %swap3A_319 = arith.index_cast %add3A_318 : i32 to index
      %swap3A_320 = tpu.vector_load %arg5[%swap3A_319] {strides = array<i32>} : memref<25600xi32, #tpu.memory_space<vmem>>, vector<16xi32>,
      %swap3A_321 = vector.shape_cast %swap3A_320 : vector<16xi32> to vector<16xi32>
      %swap3A_322 = vector.shape_cast %add3A_310 : vector<16xi32> to vector<16xi32>
      tpu.vector_store %arg5[%swap3A_319], %swap3A_322 {strides = array<i32>} : memref<25600xi32, #tpu.memory_space<vmem>>, vector<16xi32>,
      %mul3A_323 = arith.constant 8 : i32
      %mul3A_324 = arith.muli %scan3A_10, %mul3A_323 : i32
      %add3A_325 = arith.constant 0 : i32
      %add3A_326 = arith.addi %mul3A_324, %add3A_325 : i32
      %get3A_327 = arith.index_cast %add3A_326 : i32 to index
      %get3A_328 = arith.constant 34 : index
      %get3A_329 = tpu.vector_load %arg4[%get3A_327, %get3A_328] {strides = array<i32>} : memref<512x50xi32, #tpu.memory_space<vmem>>, vector<1x16xi32>,
      %get3A_330 = vector.shape_cast %get3A_329 : vector<1x16xi32> to vector<16xi32>
      %sub3A_331 = vector.broadcast %add3A_15 : i32 to vector<16xi32>
      %sub3A_332 = arith.subi %sub3A_331, %get3A_330 : vector<16xi32>
      %max3A_333 = arith.constant 1 : i32
      %max3A_334 = vector.broadcast %max3A_333 : i32 to vector<16xi32>
      %max3A_335 = arith.maxsi %sub3A_332, %max3A_334 : vector<16xi32>
      %sub3A_336 = arith.constant 1 : i32
      %sub3A_337 = vector.broadcast %sub3A_336 : i32 to vector<16xi32>
      %sub3A_338 = arith.subi %max3A_335, %sub3A_337 : vector<16xi32>
      %max3A_339 = arith.constant 0 : i32
      %max3A_340 = vector.broadcast %max3A_339 : i32 to vector<16xi32>
      %max3A_341 = arith.maxsi %sub3A_338, %max3A_340 : vector<16xi32>
      %min3A_342 = arith.constant 1 : i32
      %min3A_343 = vector.broadcast %min3A_342 : i32 to vector<16xi32>
      %min3A_344 = arith.minsi %max3A_341, %min3A_343 : vector<16xi32>
      %sub3A_345 = arith.constant 2 : i32
      %sub3A_346 = vector.broadcast %sub3A_345 : i32 to vector<16xi32>
      %sub3A_347 = arith.subi %max3A_335, %sub3A_346 : vector<16xi32>
      %max3A_348 = arith.constant 0 : i32
      %max3A_349 = vector.broadcast %max3A_348 : i32 to vector<16xi32>
      %max3A_350 = arith.maxsi %sub3A_347, %max3A_349 : vector<16xi32>
      %min3A_351 = arith.constant 1 : i32
      %min3A_352 = vector.broadcast %min3A_351 : i32 to vector<16xi32>
      %min3A_353 = arith.minsi %max3A_350, %min3A_352 : vector<16xi32>
      %add3A_354 = arith.addi %min3A_344, %min3A_353 : vector<16xi32>
      %sub3A_355 = arith.constant 3 : i32
      %sub3A_356 = vector.broadcast %sub3A_355 : i32 to vector<16xi32>
      %sub3A_357 = arith.subi %max3A_335, %sub3A_356 : vector<16xi32>
      %max3A_358 = arith.constant 0 : i32
      %max3A_359 = vector.broadcast %max3A_358 : i32 to vector<16xi32>
      %max3A_360 = arith.maxsi %sub3A_357, %max3A_359 : vector<16xi32>
      %min3A_361 = arith.constant 1 : i32
      %min3A_362 = vector.broadcast %min3A_361 : i32 to vector<16xi32>
      %min3A_363 = arith.minsi %max3A_360, %min3A_362 : vector<16xi32>
      %add3A_364 = arith.addi %add3A_354, %min3A_363 : vector<16xi32>
      %sub3A_365 = arith.constant 4 : i32
      %sub3A_366 = vector.broadcast %sub3A_365 : i32 to vector<16xi32>
      %sub3A_367 = arith.subi %max3A_335, %sub3A_366 : vector<16xi32>
      %max3A_368 = arith.constant 0 : i32
      %max3A_369 = vector.broadcast %max3A_368 : i32 to vector<16xi32>
      %max3A_370 = arith.maxsi %sub3A_367, %max3A_369 : vector<16xi32>
      %min3A_371 = arith.constant 1 : i32
      %min3A_372 = vector.broadcast %min3A_371 : i32 to vector<16xi32>
      %min3A_373 = arith.minsi %max3A_370, %min3A_372 : vector<16xi32>
      %add3A_374 = arith.addi %add3A_364, %min3A_373 : vector<16xi32>
      %sub3A_375 = arith.constant 7 : i32
      %sub3A_376 = vector.broadcast %sub3A_375 : i32 to vector<16xi32>
      %sub3A_377 = arith.subi %max3A_335, %sub3A_376 : vector<16xi32>
      %max3A_378 = arith.constant 0 : i32
      %max3A_379 = vector.broadcast %max3A_378 : i32 to vector<16xi32>
      %max3A_380 = arith.maxsi %sub3A_377, %max3A_379 : vector<16xi32>
      %min3A_381 = arith.constant 1 : i32
      %min3A_382 = vector.broadcast %min3A_381 : i32 to vector<16xi32>
      %min3A_383 = arith.minsi %max3A_380, %min3A_382 : vector<16xi32>
      %add3A_384 = arith.addi %add3A_374, %min3A_383 : vector<16xi32>
      %sub3A_385 = arith.constant 15 : i32
      %sub3A_386 = vector.broadcast %sub3A_385 : i32 to vector<16xi32>
      %sub3A_387 = arith.subi %max3A_335, %sub3A_386 : vector<16xi32>
      %max3A_388 = arith.constant 0 : i32
      %max3A_389 = vector.broadcast %max3A_388 : i32 to vector<16xi32>
      %max3A_390 = arith.maxsi %sub3A_387, %max3A_389 : vector<16xi32>
      %min3A_391 = arith.constant 1 : i32
      %min3A_392 = vector.broadcast %min3A_391 : i32 to vector<16xi32>
      %min3A_393 = arith.minsi %max3A_390, %min3A_392 : vector<16xi32>
      %add3A_394 = arith.addi %add3A_384, %min3A_393 : vector<16xi32>
      %sub3A_395 = arith.constant 31 : i32
      %sub3A_396 = vector.broadcast %sub3A_395 : i32 to vector<16xi32>
      %sub3A_397 = arith.subi %max3A_335, %sub3A_396 : vector<16xi32>
      %max3A_398 = arith.constant 0 : i32
      %max3A_399 = vector.broadcast %max3A_398 : i32 to vector<16xi32>
      %max3A_400 = arith.maxsi %sub3A_397, %max3A_399 : vector<16xi32>
      %min3A_401 = arith.constant 1 : i32
      %min3A_402 = vector.broadcast %min3A_401 : i32 to vector<16xi32>
      %min3A_403 = arith.minsi %max3A_400, %min3A_402 : vector<16xi32>
      %add3A_404 = arith.addi %add3A_394, %min3A_403 : vector<16xi32>
      %sub3A_405 = arith.constant 63 : i32
      %sub3A_406 = vector.broadcast %sub3A_405 : i32 to vector<16xi32>
      %sub3A_407 = arith.subi %max3A_335, %sub3A_406 : vector<16xi32>
      %max3A_408 = arith.constant 0 : i32
      %max3A_409 = vector.broadcast %max3A_408 : i32 to vector<16xi32>
      %max3A_410 = arith.maxsi %sub3A_407, %max3A_409 : vector<16xi32>
      %min3A_411 = arith.constant 1 : i32
      %min3A_412 = vector.broadcast %min3A_411 : i32 to vector<16xi32>
      %min3A_413 = arith.minsi %max3A_410, %min3A_412 : vector<16xi32>
      %add3A_414 = arith.addi %add3A_404, %min3A_413 : vector<16xi32>
      %mul3A_415 = arith.constant 8 : i32
      %mul3A_416 = arith.muli %scan3A_10, %mul3A_415 : i32
      %add3A_417 = arith.constant 0 : i32
      %add3A_418 = arith.addi %mul3A_416, %add3A_417 : i32
      %mul3A_419 = arith.constant 50 : i32
      %mul3A_420 = arith.muli %add3A_418, %mul3A_419 : i32
      %add3A_421 = arith.constant 34 : i32
      %add3A_422 = arith.addi %mul3A_420, %add3A_421 : i32
      %swap3A_423 = arith.index_cast %add3A_422 : i32 to index
      %swap3A_424 = tpu.vector_load %arg5[%swap3A_423] {strides = array<i32>} : memref<25600xi32, #tpu.memory_space<vmem>>, vector<16xi32>,
      %swap3A_425 = vector.shape_cast %swap3A_424 : vector<16xi32> to vector<16xi32>
      %swap3A_426 = vector.shape_cast %add3A_414 : vector<16xi32> to vector<16xi32>
      tpu.vector_store %arg5[%swap3A_423], %swap3A_426 {strides = array<i32>} : memref<25600xi32, #tpu.memory_space<vmem>>, vector<16xi32>,
      %mul3A_427 = arith.constant 8 : i32
      %mul3A_428 = arith.muli %scan3A_10, %mul3A_427 : i32
      %add3A_429 = arith.addi %mul3A_2, %mul3A_428 : i32
      %add3A_430 = arith.constant 1 : i32
      %add3A_431 = arith.addi %add3A_429, %add3A_430 : i32
      %mul3A_432 = arith.constant 8 : i32
      %mul3A_433 = arith.muli %scan3A_10, %mul3A_432 : i32
      %add3A_434 = arith.constant 1 : i32
      %add3A_435 = arith.addi %mul3A_433, %add3A_434 : i32
      %get3A_436 = arith.index_cast %add3A_435 : i32 to index
      %get3A_437 = arith.constant 0 : index
      %get3A_438 = tpu.vector_load %arg4[%get3A_436, %get3A_437] {strides = array<i32>} : memref<512x50xi32, #tpu.memory_space<vmem>>, vector<1x16xi32>,
      %get3A_439 = vector.shape_cast %get3A_438 : vector<1x16xi32> to vector<16xi32>
      %sub3A_440 = vector.broadcast %add3A_431 : i32 to vector<16xi32>
      %sub3A_441 = arith.subi %sub3A_440, %get3A_439 : vector<16xi32>
      %max3A_442 = arith.constant 1 : i32
      %max3A_443 = vector.broadcast %max3A_442 : i32 to vector<16xi32>
      %max3A_444 = arith.maxsi %sub3A_441, %max3A_443 : vector<16xi32>
      %sub3A_445 = arith.constant 1 : i32
      %sub3A_446 = vector.broadcast %sub3A_445 : i32 to vector<16xi32>
      %sub3A_447 = arith.subi %max3A_444, %sub3A_446 : vector<16xi32>
      %max3A_448 = arith.constant 0 : i32
      %max3A_449 = vector.broadcast %max3A_448 : i32 to vector<16xi32>
      %max3A_450 = arith.maxsi %sub3A_447, %max3A_449 : vector<16xi32>
      %min3A_451 = arith.constant 1 : i32
      %min3A_452 = vector.broadcast %min3A_451 : i32 to vector<16xi32>
      %min3A_453 = arith.minsi %max3A_450, %min3A_452 : vector<16xi32>
      %sub3A_454 = arith.constant 2 : i32
      %sub3A_455 = vector.broadcast %sub3A_454 : i32 to vector<16xi32>
      %sub3A_456 = arith.subi %max3A_444, %sub3A_455 : vector<16xi32>
      %max3A_457 = arith.constant 0 : i32
      %max3A_458 = vector.broadcast %max3A_457 : i32 to vector<16xi32>
      %max3A_459 = arith.maxsi %sub3A_456, %max3A_458 : vector<16xi32>
      %min3A_460 = arith.constant 1 : i32
      %min3A_461 = vector.broadcast %min3A_460 : i32 to vector<16xi32>
      %min3A_462 = arith.minsi %max3A_459, %min3A_461 : vector<16xi32>
      %add3A_463 = arith.addi %min3A_453, %min3A_462 : vector<16xi32>
      %sub3A_464 = arith.constant 3 : i32
      %sub3A_465 = vector.broadcast %sub3A_464 : i32 to vector<16xi32>
      %sub3A_466 = arith.subi %max3A_444, %sub3A_465 : vector<16xi32>
      %max3A_467 = arith.constant 0 : i32
      %max3A_468 = vector.broadcast %max3A_467 : i32 to vector<16xi32>
      %max3A_469 = arith.maxsi %sub3A_466, %max3A_468 : vector<16xi32>
      %min3A_470 = arith.constant 1 : i32
      %min3A_471 = vector.broadcast %min3A_470 : i32 to vector<16xi32>
      %min3A_472 = arith.minsi %max3A_469, %min3A_471 : vector<16xi32>
      %add3A_473 = arith.addi %add3A_463, %min3A_472 : vector<16xi32>
      %sub3A_474 = arith.constant 4 : i32
      %sub3A_475 = vector.broadcast %sub3A_474 : i32 to vector<16xi32>
      %sub3A_476 = arith.subi %max3A_444, %sub3A_475 : vector<16xi32>
      %max3A_477 = arith.constant 0 : i32
      %max3A_478 = vector.broadcast %max3A_477 : i32 to vector<16xi32>
      %max3A_479 = arith.maxsi %sub3A_476, %max3A_478 : vector<16xi32>
      %min3A_480 = arith.constant 1 : i32
      %min3A_481 = vector.broadcast %min3A_480 : i32 to vector<16xi32>
      %min3A_482 = arith.minsi %max3A_479, %min3A_481 : vector<16xi32>
      %add3A_483 = arith.addi %add3A_473, %min3A_482 : vector<16xi32>
      %sub3A_484 = arith.constant 7 : i32
      %sub3A_485 = vector.broadcast %sub3A_484 : i32 to vector<16xi32>
      %sub3A_486 = arith.subi %max3A_444, %sub3A_485 : vector<16xi32>
      %max3A_487 = arith.constant 0 : i32
      %max3A_488 = vector.broadcast %max3A_487 : i32 to vector<16xi32>
      %max3A_489 = arith.maxsi %sub3A_486, %max3A_488 : vector<16xi32>
      %min3A_490 = arith.constant 1 : i32
      %min3A_491 = vector.broadcast %min3A_490 : i32 to vector<16xi32>
      %min3A_492 = arith.minsi %max3A_489, %min3A_491 : vector<16xi32>
      %add3A_493 = arith.addi %add3A_483, %min3A_492 : vector<16xi32>
      %sub3A_494 = arith.constant 15 : i32
      %sub3A_495 = vector.broadcast %sub3A_494 : i32 to vector<16xi32>
      %sub3A_496 = arith.subi %max3A_444, %sub3A_495 : vector<16xi32>
      %max3A_497 = arith.constant 0 : i32
      %max3A_498 = vector.broadcast %max3A_497 : i32 to vector<16xi32>
      %max3A_499 = arith.maxsi %sub3A_496, %max3A_498 : vector<16xi32>
      %min3A_500 = arith.constant 1 : i32
      %min3A_501 = vector.broadcast %min3A_500 : i32 to vector<16xi32>
      %min3A_502 = arith.minsi %max3A_499, %min3A_501 : vector<16xi32>
      %add3A_503 = arith.addi %add3A_493, %min3A_502 : vector<16xi32>
      %sub3A_504 = arith.constant 31 : i32
      %sub3A_505 = vector.broadcast %sub3A_504 : i32 to vector<16xi32>
      %sub3A_506 = arith.subi %max3A_444, %sub3A_505 : vector<16xi32>
      %max3A_507 = arith.constant 0 : i32
      %max3A_508 = vector.broadcast %max3A_507 : i32 to vector<16xi32>
      %max3A_509 = arith.maxsi %sub3A_506, %max3A_508 : vector<16xi32>
      %min3A_510 = arith.constant 1 : i32
      %min3A_511 = vector.broadcast %min3A_510 : i32 to vector<16xi32>
      %min3A_512 = arith.minsi %max3A_509, %min3A_511 : vector<16xi32>
      %add3A_513 = arith.addi %add3A_503, %min3A_512 : vector<16xi32>
      %sub3A_514 = arith.constant 63 : i32
      %sub3A_515 = vector.broadcast %sub3A_514 : i32 to vector<16xi32>
      %sub3A_516 = arith.subi %max3A_444, %sub3A_515 : vector<16xi32>
      %max3A_517 = arith.constant 0 : i32
      %max3A_518 = vector.broadcast %max3A_517 : i32 to vector<16xi32>
      %max3A_519 = arith.maxsi %sub3A_516, %max3A_518 : vector<16xi32>
      %min3A_520 = arith.constant 1 : i32
      %min3A_521 = vector.broadcast %min3A_520 : i32 to vector<16xi32>
      %min3A_522 = arith.minsi %max3A_519, %min3A_521 : vector<16xi32>
      %add3A_523 = arith.addi %add3A_513, %min3A_522 : vector<16xi32>
      %mul3A_524 = arith.constant 8 : i32
      %mul3A_525 = arith.muli %scan3A_10, %mul3A_524 : i32
      %add3A_526 = arith.constant 1 : i32
      %add3A_527 = arith.addi %mul3A_525, %add3A_526 : i32
      %mul3A_528 = arith.constant 50 : i32
      %mul3A_529 = arith.muli %add3A_527, %mul3A_528 : i32
      %add3A_530 = arith.constant 0 : i32
      %add3A_531 = arith.addi %mul3A_529, %add3A_530 : i32
      %swap3A_532 = arith.index_cast %add3A_531 : i32 to index
      %swap3A_533 = tpu.vector_load %arg5[%swap3A_532] {strides = array<i32>} : memref<25600xi32, #tpu.memory_space<vmem>>, vector<16xi32>,
      %swap3A_534 = vector.shape_cast %swap3A_533 : vector<16xi32> to vector<16xi32>
      %swap3A_535 = vector.shape_cast %add3A_523 : vector<16xi32> to vector<16xi32>
      tpu.vector_store %arg5[%swap3A_532], %swap3A_535 {strides = array<i32>} : memref<25600xi32, #tpu.memory_space<vmem>>, vector<16xi32>,
      %mul3A_536 = arith.constant 8 : i32
      %mul3A_537 = arith.muli %scan3A_10, %mul3A_536 : i32
      %add3A_538 = arith.constant 1 : i32
      %add3A_539 = arith.addi %mul3A_537, %add3A_538 : i32
      %get3A_540 = arith.index_cast %add3A_539 : i32 to index
      %get3A_541 = arith.constant 16 : index
      %get3A_542 = tpu.vector_load %arg4[%get3A_540, %get3A_541] {strides = array<i32>} : memref<512x50xi32, #tpu.memory_space<vmem>>, vector<1x16xi32>,
      %get3A_543 = vector.shape_cast %get3A_542 : vector<1x16xi32> to vector<16xi32>
      %sub3A_544 = vector.broadcast %add3A_431 : i32 to vector<16xi32>
      %sub3A_545 = arith.subi %sub3A_544, %get3A_543 : vector<16xi32>
      %max3A_546 = arith.constant 1 : i32
      %max3A_547 = vector.broadcast %max3A_546 : i32 to vector<16xi32>
      %max3A_548 = arith.maxsi %sub3A_545, %max3A_547 : vector<16xi32>
      %sub3A_549 = arith.constant 1 : i32
      %sub3A_550 = vector.broadcast %sub3A_549 : i32 to vector<16xi32>
      %sub3A_551 = arith.subi %max3A_548, %sub3A_550 : vector<16xi32>
      %max3A_552 = arith.constant 0 : i32
      %max3A_553 = vector.broadcast %max3A_552 : i32 to vector<16xi32>
      %max3A_554 = arith.maxsi %sub3A_551, %max3A_553 : vector<16xi32>
      %min3A_555 = arith.constant 1 : i32
      %min3A_556 = vector.broadcast %min3A_555 : i32 to vector<16xi32>
      %min3A_557 = arith.minsi %max3A_554, %min3A_556 : vector<16xi32>
      %sub3A_558 = arith.constant 2 : i32
      %sub3A_559 = vector.broadcast %sub3A_558 : i32 to vector<16xi32>
      %sub3A_560 = arith.subi %max3A_548, %sub3A_559 : vector<16xi32>
      %max3A_561 = arith.constant 0 : i32
      %max3A_562 = vector.broadcast %max3A_561 : i32 to vector<16xi32>
      %max3A_563 = arith.maxsi %sub3A_560, %max3A_562 : vector<16xi32>
      %min3A_564 = arith.constant 1 : i32
      %min3A_565 = vector.broadcast %min3A_564 : i32 to vector<16xi32>
      %min3A_566 = arith.minsi %max3A_563, %min3A_565 : vector<16xi32>
      %add3A_567 = arith.addi %min3A_557, %min3A_566 : vector<16xi32>
      %sub3A_568 = arith.constant 3 : i32
      %sub3A_569 = vector.broadcast %sub3A_568 : i32 to vector<16xi32>
      %sub3A_570 = arith.subi %max3A_548, %sub3A_569 : vector<16xi32>
      %max3A_571 = arith.constant 0 : i32
      %max3A_572 = vector.broadcast %max3A_571 : i32 to vector<16xi32>
      %max3A_573 = arith.maxsi %sub3A_570, %max3A_572 : vector<16xi32>
      %min3A_574 = arith.constant 1 : i32
      %min3A_575 = vector.broadcast %min3A_574 : i32 to vector<16xi32>
      %min3A_576 = arith.minsi %max3A_573, %min3A_575 : vector<16xi32>
      %add3A_577 = arith.addi %add3A_567, %min3A_576 : vector<16xi32>
      %sub3A_578 = arith.constant 4 : i32
      %sub3A_579 = vector.broadcast %sub3A_578 : i32 to vector<16xi32>
      %sub3A_580 = arith.subi %max3A_548, %sub3A_579 : vector<16xi32>
      %max3A_581 = arith.constant 0 : i32
      %max3A_582 = vector.broadcast %max3A_581 : i32 to vector<16xi32>
      %max3A_583 = arith.maxsi %sub3A_580, %max3A_582 : vector<16xi32>
      %min3A_584 = arith.constant 1 : i32
      %min3A_585 = vector.broadcast %min3A_584 : i32 to vector<16xi32>
      %min3A_586 = arith.minsi %max3A_583, %min3A_585 : vector<16xi32>
      %add3A_587 = arith.addi %add3A_577, %min3A_586 : vector<16xi32>
      %sub3A_588 = arith.constant 7 : i32
      %sub3A_589 = vector.broadcast %sub3A_588 : i32 to vector<16xi32>
      %sub3A_590 = arith.subi %max3A_548, %sub3A_589 : vector<16xi32>
      %max3A_591 = arith.constant 0 : i32
      %max3A_592 = vector.broadcast %max3A_591 : i32 to vector<16xi32>
      %max3A_593 = arith.maxsi %sub3A_590, %max3A_592 : vector<16xi32>
      %min3A_594 = arith.constant 1 : i32
      %min3A_595 = vector.broadcast %min3A_594 : i32 to vector<16xi32>
      %min3A_596 = arith.minsi %max3A_593, %min3A_595 : vector<16xi32>
      %add3A_597 = arith.addi %add3A_587, %min3A_596 : vector<16xi32>
      %sub3A_598 = arith.constant 15 : i32
      %sub3A_599 = vector.broadcast %sub3A_598 : i32 to vector<16xi32>
      %sub3A_600 = arith.subi %max3A_548, %sub3A_599 : vector<16xi32>
      %max3A_601 = arith.constant 0 : i32
      %max3A_602 = vector.broadcast %max3A_601 : i32 to vector<16xi32>
      %max3A_603 = arith.maxsi %sub3A_600, %max3A_602 : vector<16xi32>
      %min3A_604 = arith.constant 1 : i32
      %min3A_605 = vector.broadcast %min3A_604 : i32 to vector<16xi32>
      %min3A_606 = arith.minsi %max3A_603, %min3A_605 : vector<16xi32>
      %add3A_607 = arith.addi %add3A_597, %min3A_606 : vector<16xi32>
      %sub3A_608 = arith.constant 31 : i32
      %sub3A_609 = vector.broadcast %sub3A_608 : i32 to vector<16xi32>
      %sub3A_610 = arith.subi %max3A_548, %sub3A_609 : vector<16xi32>
      %max3A_611 = arith.constant 0 : i32
      %max3A_612 = vector.broadcast %max3A_611 : i32 to vector<16xi32>
      %max3A_613 = arith.maxsi %sub3A_610, %max3A_612 : vector<16xi32>
      %min3A_614 = arith.constant 1 : i32
      %min3A_615 = vector.broadcast %min3A_614 : i32 to vector<16xi32>
      %min3A_616 = arith.minsi %max3A_613, %min3A_615 : vector<16xi32>
      %add3A_617 = arith.addi %add3A_607, %min3A_616 : vector<16xi32>
      %sub3A_618 = arith.constant 63 : i32
      %sub3A_619 = vector.broadcast %sub3A_618 : i32 to vector<16xi32>
      %sub3A_620 = arith.subi %max3A_548, %sub3A_619 : vector<16xi32>
      %max3A_621 = arith.constant 0 : i32
      %max3A_622 = vector.broadcast %max3A_621 : i32 to vector<16xi32>
      %max3A_623 = arith.maxsi %sub3A_620, %max3A_622 : vector<16xi32>
      %min3A_624 = arith.constant 1 : i32
      %min3A_625 = vector.broadcast %min3A_624 : i32 to vector<16xi32>
      %min3A_626 = arith.minsi %max3A_623, %min3A_625 : vector<16xi32>
      %add3A_627 = arith.addi %add3A_617, %min3A_626 : vector<16xi32>
      %mul3A_628 = arith.constant 8 : i32
      %mul3A_629 = arith.muli %scan3A_10, %mul3A_628 : i32
      %add3A_630 = arith.constant 1 : i32
      %add3A_631 = arith.addi %mul3A_629, %add3A_630 : i32
      %mul3A_632 = arith.constant 50 : i32
      %mul3A_633 = arith.muli %add3A_631, %mul3A_632 : i32
      %add3A_634 = arith.constant 16 : i32
      %add3A_635 = arith.addi %mul3A_633, %add3A_634 : i32
      %swap3A_636 = arith.index_cast %add3A_635 : i32 to index
      %swap3A_637 = tpu.vector_load %arg5[%swap3A_636] {strides = array<i32>} : memref<25600xi32, #tpu.memory_space<vmem>>, vector<16xi32>,
      %swap3A_638 = vector.shape_cast %swap3A_637 : vector<16xi32> to vector<16xi32>
      %swap3A_639 = vector.shape_cast %add3A_627 : vector<16xi32> to vector<16xi32>
      tpu.vector_store %arg5[%swap3A_636], %swap3A_639 {strides = array<i32>} : memref<25600xi32, #tpu.memory_space<vmem>>, vector<16xi32>,
      %mul3A_640 = arith.constant 8 : i32
      %mul3A_641 = arith.muli %scan3A_10, %mul3A_640 : i32
      %add3A_642 = arith.constant 1 : i32
      %add3A_643 = arith.addi %mul3A_641, %add3A_642 : i32
      %get3A_644 = arith.index_cast %add3A_643 : i32 to index
      %get3A_645 = arith.constant 32 : index
      %get3A_646 = tpu.vector_load %arg4[%get3A_644, %get3A_645] {strides = array<i32>} : memref<512x50xi32, #tpu.memory_space<vmem>>, vector<1x16xi32>,
      %get3A_647 = vector.shape_cast %get3A_646 : vector<1x16xi32> to vector<16xi32>
      %sub3A_648 = vector.broadcast %add3A_431 : i32 to vector<16xi32>
      %sub3A_649 = arith.subi %sub3A_648, %get3A_647 : vector<16xi32>
      %max3A_650 = arith.constant 1 : i32
      %max3A_651 = vector.broadcast %max3A_650 : i32 to vector<16xi32>
      %max3A_652 = arith.maxsi %sub3A_649, %max3A_651 : vector<16xi32>
      %sub3A_653 = arith.constant 1 : i32
      %sub3A_654 = vector.broadcast %sub3A_653 : i32 to vector<16xi32>
      %sub3A_655 = arith.subi %max3A_652, %sub3A_654 : vector<16xi32>
      %max3A_656 = arith.constant 0 : i32
      %max3A_657 = vector.broadcast %max3A_656 : i32 to vector<16xi32>
      %max3A_658 = arith.maxsi %sub3A_655, %max3A_657 : vector<16xi32>
      %min3A_659 = arith.constant 1 : i32
      %min3A_660 = vector.broadcast %min3A_659 : i32 to vector<16xi32>
      %min3A_661 = arith.minsi %max3A_658, %min3A_660 : vector<16xi32>
      %sub3A_662 = arith.constant 2 : i32
      %sub3A_663 = vector.broadcast %sub3A_662 : i32 to vector<16xi32>
      %sub3A_664 = arith.subi %max3A_652, %sub3A_663 : vector<16xi32>
      %max3A_665 = arith.constant 0 : i32
      %max3A_666 = vector.broadcast %max3A_665 : i32 to vector<16xi32>
      %max3A_667 = arith.maxsi %sub3A_664, %max3A_666 : vector<16xi32>
      %min3A_668 = arith.constant 1 : i32
      %min3A_669 = vector.broadcast %min3A_668 : i32 to vector<16xi32>
      %min3A_670 = arith.minsi %max3A_667, %min3A_669 : vector<16xi32>
      %add3A_671 = arith.addi %min3A_661, %min3A_670 : vector<16xi32>
      %sub3A_672 = arith.constant 3 : i32
      %sub3A_673 = vector.broadcast %sub3A_672 : i32 to vector<16xi32>
      %sub3A_674 = arith.subi %max3A_652, %sub3A_673 : vector<16xi32>
      %max3A_675 = arith.constant 0 : i32
      %max3A_676 = vector.broadcast %max3A_675 : i32 to vector<16xi32>
      %max3A_677 = arith.maxsi %sub3A_674, %max3A_676 : vector<16xi32>
      %min3A_678 = arith.constant 1 : i32
      %min3A_679 = vector.broadcast %min3A_678 : i32 to vector<16xi32>
      %min3A_680 = arith.minsi %max3A_677, %min3A_679 : vector<16xi32>
      %add3A_681 = arith.addi %add3A_671, %min3A_680 : vector<16xi32>
      %sub3A_682 = arith.constant 4 : i32
      %sub3A_683 = vector.broadcast %sub3A_682 : i32 to vector<16xi32>
      %sub3A_684 = arith.subi %max3A_652, %sub3A_683 : vector<16xi32>
      %max3A_685 = arith.constant 0 : i32
      %max3A_686 = vector.broadcast %max3A_685 : i32 to vector<16xi32>
      %max3A_687 = arith.maxsi %sub3A_684, %max3A_686 : vector<16xi32>
      %min3A_688 = arith.constant 1 : i32
      %min3A_689 = vector.broadcast %min3A_688 : i32 to vector<16xi32>
      %min3A_690 = arith.minsi %max3A_687, %min3A_689 : vector<16xi32>
      %add3A_691 = arith.addi %add3A_681, %min3A_690 : vector<16xi32>
      %sub3A_692 = arith.constant 7 : i32
      %sub3A_693 = vector.broadcast %sub3A_692 : i32 to vector<16xi32>
      %sub3A_694 = arith.subi %max3A_652, %sub3A_693 : vector<16xi32>
      %max3A_695 = arith.constant 0 : i32
      %max3A_696 = vector.broadcast %max3A_695 : i32 to vector<16xi32>
      %max3A_697 = arith.maxsi %sub3A_694, %max3A_696 : vector<16xi32>
      %min3A_698 = arith.constant 1 : i32
      %min3A_699 = vector.broadcast %min3A_698 : i32 to vector<16xi32>
      %min3A_700 = arith.minsi %max3A_697, %min3A_699 : vector<16xi32>
      %add3A_701 = arith.addi %add3A_691, %min3A_700 : vector<16xi32>
      %sub3A_702 = arith.constant 15 : i32
      %sub3A_703 = vector.broadcast %sub3A_702 : i32 to vector<16xi32>
      %sub3A_704 = arith.subi %max3A_652, %sub3A_703 : vector<16xi32>
      %max3A_705 = arith.constant 0 : i32
      %max3A_706 = vector.broadcast %max3A_705 : i32 to vector<16xi32>
      %max3A_707 = arith.maxsi %sub3A_704, %max3A_706 : vector<16xi32>
      %min3A_708 = arith.constant 1 : i32
      %min3A_709 = vector.broadcast %min3A_708 : i32 to vector<16xi32>
      %min3A_710 = arith.minsi %max3A_707, %min3A_709 : vector<16xi32>
      %add3A_711 = arith.addi %add3A_701, %min3A_710 : vector<16xi32>
      %sub3A_712 = arith.constant 31 : i32
      %sub3A_713 = vector.broadcast %sub3A_712 : i32 to vector<16xi32>
      %sub3A_714 = arith.subi %max3A_652, %sub3A_713 : vector<16xi32>
      %max3A_715 = arith.constant 0 : i32
      %max3A_716 = vector.broadcast %max3A_715 : i32 to vector<16xi32>
      %max3A_717 = arith.maxsi %sub3A_714, %max3A_716 : vector<16xi32>
      %min3A_718 = arith.constant 1 : i32
      %min3A_719 = vector.broadcast %min3A_718 : i32 to vector<16xi32>
      %min3A_720 = arith.minsi %max3A_717, %min3A_719 : vector<16xi32>
      %add3A_721 = arith.addi %add3A_711, %min3A_720 : vector<16xi32>
      %sub3A_722 = arith.constant 63 : i32
      %sub3A_723 = vector.broadcast %sub3A_722 : i32 to vector<16xi32>
      %sub3A_724 = arith.subi %max3A_652, %sub3A_723 : vector<16xi32>
      %max3A_725 = arith.constant 0 : i32
      %max3A_726 = vector.broadcast %max3A_725 : i32 to vector<16xi32>
      %max3A_727 = arith.maxsi %sub3A_724, %max3A_726 : vector<16xi32>
      %min3A_728 = arith.constant 1 : i32
      %min3A_729 = vector.broadcast %min3A_728 : i32 to vector<16xi32>
      %min3A_730 = arith.minsi %max3A_727, %min3A_729 : vector<16xi32>
      %add3A_731 = arith.addi %add3A_721, %min3A_730 : vector<16xi32>
      %mul3A_732 = arith.constant 8 : i32
      %mul3A_733 = arith.muli %scan3A_10, %mul3A_732 : i32
      %add3A_734 = arith.constant 1 : i32
      %add3A_735 = arith.addi %mul3A_733, %add3A_734 : i32
      %mul3A_736 = arith.constant 50 : i32
      %mul3A_737 = arith.muli %add3A_735, %mul3A_736 : i32
      %add3A_738 = arith.constant 32 : i32
      %add3A_739 = arith.addi %mul3A_737, %add3A_738 : i32
      %swap3A_740 = arith.index_cast %add3A_739 : i32 to index
      %swap3A_741 = tpu.vector_load %arg5[%swap3A_740] {strides = array<i32>} : memref<25600xi32, #tpu.memory_space<vmem>>, vector<16xi32>,
      %swap3A_742 = vector.shape_cast %swap3A_741 : vector<16xi32> to vector<16xi32>
      %swap3A_743 = vector.shape_cast %add3A_731 : vector<16xi32> to vector<16xi32>
      tpu.vector_store %arg5[%swap3A_740], %swap3A_743 {strides = array<i32>} : memref<25600xi32, #tpu.memory_space<vmem>>, vector<16xi32>,
      %mul3A_744 = arith.constant 8 : i32
      %mul3A_745 = arith.muli %scan3A_10, %mul3A_744 : i32
      %add3A_746 = arith.constant 1 : i32
      %add3A_747 = arith.addi %mul3A_745, %add3A_746 : i32
      %get3A_748 = arith.index_cast %add3A_747 : i32 to index
      %get3A_749 = arith.constant 34 : index
      %get3A_750 = tpu.vector_load %arg4[%get3A_748, %get3A_749] {strides = array<i32>} : memref<512x50xi32, #tpu.memory_space<vmem>>, vector<1x16xi32>,
      %get3A_751 = vector.shape_cast %get3A_750 : vector<1x16xi32> to vector<16xi32>
      %sub3A_752 = vector.broadcast %add3A_431 : i32 to vector<16xi32>
      %sub3A_753 = arith.subi %sub3A_752, %get3A_751 : vector<16xi32>
      %max3A_754 = arith.constant 1 : i32
      %max3A_755 = vector.broadcast %max3A_754 : i32 to vector<16xi32>
      %max3A_756 = arith.maxsi %sub3A_753, %max3A_755 : vector<16xi32>
      %sub3A_757 = arith.constant 1 : i32
      %sub3A_758 = vector.broadcast %sub3A_757 : i32 to vector<16xi32>
      %sub3A_759 = arith.subi %max3A_756, %sub3A_758 : vector<16xi32>
      %max3A_760 = arith.constant 0 : i32
      %max3A_761 = vector.broadcast %max3A_760 : i32 to vector<16xi32>
      %max3A_762 = arith.maxsi %sub3A_759, %max3A_761 : vector<16xi32>
      %min3A_763 = arith.constant 1 : i32
      %min3A_764 = vector.broadcast %min3A_763 : i32 to vector<16xi32>
      %min3A_765 = arith.minsi %max3A_762, %min3A_764 : vector<16xi32>
      %sub3A_766 = arith.constant 2 : i32
      %sub3A_767 = vector.broadcast %sub3A_766 : i32 to vector<16xi32>
      %sub3A_768 = arith.subi %max3A_756, %sub3A_767 : vector<16xi32>
      %max3A_769 = arith.constant 0 : i32
      %max3A_770 = vector.broadcast %max3A_769 : i32 to vector<16xi32>
      %max3A_771 = arith.maxsi %sub3A_768, %max3A_770 : vector<16xi32>
      %min3A_772 = arith.constant 1 : i32
      %min3A_773 = vector.broadcast %min3A_772 : i32 to vector<16xi32>
      %min3A_774 = arith.minsi %max3A_771, %min3A_773 : vector<16xi32>
      %add3A_775 = arith.addi %min3A_765, %min3A_774 : vector<16xi32>
      %sub3A_776 = arith.constant 3 : i32
      %sub3A_777 = vector.broadcast %sub3A_776 : i32 to vector<16xi32>
      %sub3A_778 = arith.subi %max3A_756, %sub3A_777 : vector<16xi32>
      %max3A_779 = arith.constant 0 : i32
      %max3A_780 = vector.broadcast %max3A_779 : i32 to vector<16xi32>
      %max3A_781 = arith.maxsi %sub3A_778, %max3A_780 : vector<16xi32>
      %min3A_782 = arith.constant 1 : i32
      %min3A_783 = vector.broadcast %min3A_782 : i32 to vector<16xi32>
      %min3A_784 = arith.minsi %max3A_781, %min3A_783 : vector<16xi32>
      %add3A_785 = arith.addi %add3A_775, %min3A_784 : vector<16xi32>
      %sub3A_786 = arith.constant 4 : i32
      %sub3A_787 = vector.broadcast %sub3A_786 : i32 to vector<16xi32>
      %sub3A_788 = arith.subi %max3A_756, %sub3A_787 : vector<16xi32>
      %max3A_789 = arith.constant 0 : i32
      %max3A_790 = vector.broadcast %max3A_789 : i32 to vector<16xi32>
      %max3A_791 = arith.maxsi %sub3A_788, %max3A_790 : vector<16xi32>
      %min3A_792 = arith.constant 1 : i32
      %min3A_793 = vector.broadcast %min3A_792 : i32 to vector<16xi32>
      %min3A_794 = arith.minsi %max3A_791, %min3A_793 : vector<16xi32>
      %add3A_795 = arith.addi %add3A_785, %min3A_794 : vector<16xi32>
      %sub3A_796 = arith.constant 7 : i32
      %sub3A_797 = vector.broadcast %sub3A_796 : i32 to vector<16xi32>
      %sub3A_798 = arith.subi %max3A_756, %sub3A_797 : vector<16xi32>
      %max3A_799 = arith.constant 0 : i32
      %max3A_800 = vector.broadcast %max3A_799 : i32 to vector<16xi32>
      %max3A_801 = arith.maxsi %sub3A_798, %max3A_800 : vector<16xi32>
      %min3A_802 = arith.constant 1 : i32
      %min3A_803 = vector.broadcast %min3A_802 : i32 to vector<16xi32>
      %min3A_804 = arith.minsi %max3A_801, %min3A_803 : vector<16xi32>
      %add3A_805 = arith.addi %add3A_795, %min3A_804 : vector<16xi32>
      %sub3A_806 = arith.constant 15 : i32
      %sub3A_807 = vector.broadcast %sub3A_806 : i32 to vector<16xi32>
      %sub3A_808 = arith.subi %max3A_756, %sub3A_807 : vector<16xi32>
      %max3A_809 = arith.constant 0 : i32
      %max3A_810 = vector.broadcast %max3A_809 : i32 to vector<16xi32>
      %max3A_811 = arith.maxsi %sub3A_808, %max3A_810 : vector<16xi32>
      %min3A_812 = arith.constant 1 : i32
      %min3A_813 = vector.broadcast %min3A_812 : i32 to vector<16xi32>
      %min3A_814 = arith.minsi %max3A_811, %min3A_813 : vector<16xi32>
      %add3A_815 = arith.addi %add3A_805, %min3A_814 : vector<16xi32>
      %sub3A_816 = arith.constant 31 : i32
      %sub3A_817 = vector.broadcast %sub3A_816 : i32 to vector<16xi32>
      %sub3A_818 = arith.subi %max3A_756, %sub3A_817 : vector<16xi32>
      %max3A_819 = arith.constant 0 : i32
      %max3A_820 = vector.broadcast %max3A_819 : i32 to vector<16xi32>
      %max3A_821 = arith.maxsi %sub3A_818, %max3A_820 : vector<16xi32>
      %min3A_822 = arith.constant 1 : i32
      %min3A_823 = vector.broadcast %min3A_822 : i32 to vector<16xi32>
      %min3A_824 = arith.minsi %max3A_821, %min3A_823 : vector<16xi32>
      %add3A_825 = arith.addi %add3A_815, %min3A_824 : vector<16xi32>
      %sub3A_826 = arith.constant 63 : i32
      %sub3A_827 = vector.broadcast %sub3A_826 : i32 to vector<16xi32>
      %sub3A_828 = arith.subi %max3A_756, %sub3A_827 : vector<16xi32>
      %max3A_829 = arith.constant 0 : i32
      %max3A_830 = vector.broadcast %max3A_829 : i32 to vector<16xi32>
      %max3A_831 = arith.maxsi %sub3A_828, %max3A_830 : vector<16xi32>
      %min3A_832 = arith.constant 1 : i32
      %min3A_833 = vector.broadcast %min3A_832 : i32 to vector<16xi32>
      %min3A_834 = arith.minsi %max3A_831, %min3A_833 : vector<16xi32>
      %add3A_835 = arith.addi %add3A_825, %min3A_834 : vector<16xi32>
      %mul3A_836 = arith.constant 8 : i32
      %mul3A_837 = arith.muli %scan3A_10, %mul3A_836 : i32
      %add3A_838 = arith.constant 1 : i32
      %add3A_839 = arith.addi %mul3A_837, %add3A_838 : i32
      %mul3A_840 = arith.constant 50 : i32
      %mul3A_841 = arith.muli %add3A_839, %mul3A_840 : i32
      %add3A_842 = arith.constant 34 : i32
      %add3A_843 = arith.addi %mul3A_841, %add3A_842 : i32
      %swap3A_844 = arith.index_cast %add3A_843 : i32 to index
      %swap3A_845 = tpu.vector_load %arg5[%swap3A_844] {strides = array<i32>} : memref<25600xi32, #tpu.memory_space<vmem>>, vector<16xi32>,
      %swap3A_846 = vector.shape_cast %swap3A_845 : vector<16xi32> to vector<16xi32>
      %swap3A_847 = vector.shape_cast %add3A_835 : vector<16xi32> to vector<16xi32>
      tpu.vector_store %arg5[%swap3A_844], %swap3A_847 {strides = array<i32>} : memref<25600xi32, #tpu.memory_space<vmem>>, vector<16xi32>,
      %mul3A_848 = arith.constant 8 : i32
      %mul3A_849 = arith.muli %scan3A_10, %mul3A_848 : i32
      %add3A_850 = arith.addi %mul3A_2, %mul3A_849 : i32
      %add3A_851 = arith.constant 2 : i32
      %add3A_852 = arith.addi %add3A_850, %add3A_851 : i32
      %mul3A_853 = arith.constant 8 : i32
      %mul3A_854 = arith.muli %scan3A_10, %mul3A_853 : i32
      %add3A_855 = arith.constant 2 : i32
      %add3A_856 = arith.addi %mul3A_854, %add3A_855 : i32
      %get3A_857 = arith.index_cast %add3A_856 : i32 to index
      %get3A_858 = arith.constant 0 : index
      %get3A_859 = tpu.vector_load %arg4[%get3A_857, %get3A_858] {strides = array<i32>} : memref<512x50xi32, #tpu.memory_space<vmem>>, vector<1x16xi32>,
      %get3A_860 = vector.shape_cast %get3A_859 : vector<1x16xi32> to vector<16xi32>
      %sub3A_861 = vector.broadcast %add3A_852 : i32 to vector<16xi32>
      %sub3A_862 = arith.subi %sub3A_861, %get3A_860 : vector<16xi32>
      %max3A_863 = arith.constant 1 : i32
      %max3A_864 = vector.broadcast %max3A_863 : i32 to vector<16xi32>
      %max3A_865 = arith.maxsi %sub3A_862, %max3A_864 : vector<16xi32>
      %sub3A_866 = arith.constant 1 : i32
      %sub3A_867 = vector.broadcast %sub3A_866 : i32 to vector<16xi32>
      %sub3A_868 = arith.subi %max3A_865, %sub3A_867 : vector<16xi32>
      %max3A_869 = arith.constant 0 : i32
      %max3A_870 = vector.broadcast %max3A_869 : i32 to vector<16xi32>
      %max3A_871 = arith.maxsi %sub3A_868, %max3A_870 : vector<16xi32>
      %min3A_872 = arith.constant 1 : i32
      %min3A_873 = vector.broadcast %min3A_872 : i32 to vector<16xi32>
      %min3A_874 = arith.minsi %max3A_871, %min3A_873 : vector<16xi32>
      %sub3A_875 = arith.constant 2 : i32
      %sub3A_876 = vector.broadcast %sub3A_875 : i32 to vector<16xi32>
      %sub3A_877 = arith.subi %max3A_865, %sub3A_876 : vector<16xi32>
      %max3A_878 = arith.constant 0 : i32
      %max3A_879 = vector.broadcast %max3A_878 : i32 to vector<16xi32>
      %max3A_880 = arith.maxsi %sub3A_877, %max3A_879 : vector<16xi32>
      %min3A_881 = arith.constant 1 : i32
      %min3A_882 = vector.broadcast %min3A_881 : i32 to vector<16xi32>
      %min3A_883 = arith.minsi %max3A_880, %min3A_882 : vector<16xi32>
      %add3A_884 = arith.addi %min3A_874, %min3A_883 : vector<16xi32>
      %sub3A_885 = arith.constant 3 : i32
      %sub3A_886 = vector.broadcast %sub3A_885 : i32 to vector<16xi32>
      %sub3A_887 = arith.subi %max3A_865, %sub3A_886 : vector<16xi32>
      %max3A_888 = arith.constant 0 : i32
      %max3A_889 = vector.broadcast %max3A_888 : i32 to vector<16xi32>
      %max3A_890 = arith.maxsi %sub3A_887, %max3A_889 : vector<16xi32>
      %min3A_891 = arith.constant 1 : i32
      %min3A_892 = vector.broadcast %min3A_891 : i32 to vector<16xi32>
      %min3A_893 = arith.minsi %max3A_890, %min3A_892 : vector<16xi32>
      %add3A_894 = arith.addi %add3A_884, %min3A_893 : vector<16xi32>
      %sub3A_895 = arith.constant 4 : i32
      %sub3A_896 = vector.broadcast %sub3A_895 : i32 to vector<16xi32>
      %sub3A_897 = arith.subi %max3A_865, %sub3A_896 : vector<16xi32>
      %max3A_898 = arith.constant 0 : i32
      %max3A_899 = vector.broadcast %max3A_898 : i32 to vector<16xi32>
      %max3A_900 = arith.maxsi %sub3A_897, %max3A_899 : vector<16xi32>
      %min3A_901 = arith.constant 1 : i32
      %min3A_902 = vector.broadcast %min3A_901 : i32 to vector<16xi32>
      %min3A_903 = arith.minsi %max3A_900, %min3A_902 : vector<16xi32>
      %add3A_904 = arith.addi %add3A_894, %min3A_903 : vector<16xi32>
      %sub3A_905 = arith.constant 7 : i32
      %sub3A_906 = vector.broadcast %sub3A_905 : i32 to vector<16xi32>
      %sub3A_907 = arith.subi %max3A_865, %sub3A_906 : vector<16xi32>
      %max3A_908 = arith.constant 0 : i32
      %max3A_909 = vector.broadcast %max3A_908 : i32 to vector<16xi32>
      %max3A_910 = arith.maxsi %sub3A_907, %max3A_909 : vector<16xi32>
      %min3A_911 = arith.constant 1 : i32
      %min3A_912 = vector.broadcast %min3A_911 : i32 to vector<16xi32>
      %min3A_913 = arith.minsi %max3A_910, %min3A_912 : vector<16xi32>
      %add3A_914 = arith.addi %add3A_904, %min3A_913 : vector<16xi32>
      %sub3A_915 = arith.constant 15 : i32
      %sub3A_916 = vector.broadcast %sub3A_915 : i32 to vector<16xi32>
      %sub3A_917 = arith.subi %max3A_865, %sub3A_916 : vector<16xi32>
      %max3A_918 = arith.constant 0 : i32
      %max3A_919 = vector.broadcast %max3A_918 : i32 to vector<16xi32>
      %max3A_920 = arith.maxsi %sub3A_917, %max3A_919 : vector<16xi32>
      %min3A_921 = arith.constant 1 : i32
      %min3A_922 = vector.broadcast %min3A_921 : i32 to vector<16xi32>
      %min3A_923 = arith.minsi %max3A_920, %min3A_922 : vector<16xi32>
      %add3A_924 = arith.addi %add3A_914, %min3A_923 : vector<16xi32>
      %sub3A_925 = arith.constant 31 : i32
      %sub3A_926 = vector.broadcast %sub3A_925 : i32 to vector<16xi32>
      %sub3A_927 = arith.subi %max3A_865, %sub3A_926 : vector<16xi32>
      %max3A_928 = arith.constant 0 : i32
      %max3A_929 = vector.broadcast %max3A_928 : i32 to vector<16xi32>
      %max3A_930 = arith.maxsi %sub3A_927, %max3A_929 : vector<16xi32>
      %min3A_931 = arith.constant 1 : i32
      %min3A_932 = vector.broadcast %min3A_931 : i32 to vector<16xi32>
      %min3A_933 = arith.minsi %max3A_930, %min3A_932 : vector<16xi32>
      %add3A_934 = arith.addi %add3A_924, %min3A_933 : vector<16xi32>
      %sub3A_935 = arith.constant 63 : i32
      %sub3A_936 = vector.broadcast %sub3A_935 : i32 to vector<16xi32>
      %sub3A_937 = arith.subi %max3A_865, %sub3A_936 : vector<16xi32>
      %max3A_938 = arith.constant 0 : i32
      %max3A_939 = vector.broadcast %max3A_938 : i32 to vector<16xi32>
      %max3A_940 = arith.maxsi %sub3A_937, %max3A_939 : vector<16xi32>
      %min3A_941 = arith.constant 1 : i32
      %min3A_942 = vector.broadcast %min3A_941 : i32 to vector<16xi32>
      %min3A_943 = arith.minsi %max3A_940, %min3A_942 : vector<16xi32>
      %add3A_944 = arith.addi %add3A_934, %min3A_943 : vector<16xi32>
      %mul3A_945 = arith.constant 8 : i32
      %mul3A_946 = arith.muli %scan3A_10, %mul3A_945 : i32
      %add3A_947 = arith.constant 2 : i32
      %add3A_948 = arith.addi %mul3A_946, %add3A_947 : i32
      %mul3A_949 = arith.constant 50 : i32
      %mul3A_950 = arith.muli %add3A_948, %mul3A_949 : i32
      %add3A_951 = arith.constant 0 : i32
      %add3A_952 = arith.addi %mul3A_950, %add3A_951 : i32
      %swap3A_953 = arith.index_cast %add3A_952 : i32 to index
      %swap3A_954 = tpu.vector_load %arg5[%swap3A_953] {strides = array<i32>} : memref<25600xi32, #tpu.memory_space<vmem>>, vector<16xi32>,
      %swap3A_955 = vector.shape_cast %swap3A_954 : vector<16xi32> to vector<16xi32>
      %swap3A_956 = vector.shape_cast %add3A_944 : vector<16xi32> to vector<16xi32>
      tpu.vector_store %arg5[%swap3A_953], %swap3A_956 {strides = array<i32>} : memref<25600xi32, #tpu.memory_space<vmem>>, vector<16xi32>,
      %mul3A_957 = arith.constant 8 : i32
      %mul3A_958 = arith.muli %scan3A_10, %mul3A_957 : i32
      %add3A_959 = arith.constant 2 : i32
      %add3A_960 = arith.addi %mul3A_958, %add3A_959 : i32
      %get3A_961 = arith.index_cast %add3A_960 : i32 to index
      %get3A_962 = arith.constant 16 : index
      %get3A_963 = tpu.vector_load %arg4[%get3A_961, %get3A_962] {strides = array<i32>} : memref<512x50xi32, #tpu.memory_space<vmem>>, vector<1x16xi32>,
      %get3A_964 = vector.shape_cast %get3A_963 : vector<1x16xi32> to vector<16xi32>
      %sub3A_965 = vector.broadcast %add3A_852 : i32 to vector<16xi32>
      %sub3A_966 = arith.subi %sub3A_965, %get3A_964 : vector<16xi32>
      %max3A_967 = arith.constant 1 : i32
      %max3A_968 = vector.broadcast %max3A_967 : i32 to vector<16xi32>
      %max3A_969 = arith.maxsi %sub3A_966, %max3A_968 : vector<16xi32>
      %sub3A_970 = arith.constant 1 : i32
      %sub3A_971 = vector.broadcast %sub3A_970 : i32 to vector<16xi32>
      %sub3A_972 = arith.subi %max3A_969, %sub3A_971 : vector<16xi32>
      %max3A_973 = arith.constant 0 : i32
      %max3A_974 = vector.broadcast %max3A_973 : i32 to vector<16xi32>
      %max3A_975 = arith.maxsi %sub3A_972, %max3A_974 : vector<16xi32>
      %min3A_976 = arith.constant 1 : i32
      %min3A_977 = vector.broadcast %min3A_976 : i32 to vector<16xi32>
      %min3A_978 = arith.minsi %max3A_975, %min3A_977 : vector<16xi32>
      %sub3A_979 = arith.constant 2 : i32
      %sub3A_980 = vector.broadcast %sub3A_979 : i32 to vector<16xi32>
      %sub3A_981 = arith.subi %max3A_969, %sub3A_980 : vector<16xi32>
      %max3A_982 = arith.constant 0 : i32
      %max3A_983 = vector.broadcast %max3A_982 : i32 to vector<16xi32>
      %max3A_984 = arith.maxsi %sub3A_981, %max3A_983 : vector<16xi32>
      %min3A_985 = arith.constant 1 : i32
      %min3A_986 = vector.broadcast %min3A_985 : i32 to vector<16xi32>
      %min3A_987 = arith.minsi %max3A_984, %min3A_986 : vector<16xi32>
      %add3A_988 = arith.addi %min3A_978, %min3A_987 : vector<16xi32>
      %sub3A_989 = arith.constant 3 : i32
      %sub3A_990 = vector.broadcast %sub3A_989 : i32 to vector<16xi32>
      %sub3A_991 = arith.subi %max3A_969, %sub3A_990 : vector<16xi32>
      %max3A_992 = arith.constant 0 : i32
      %max3A_993 = vector.broadcast %max3A_992 : i32 to vector<16xi32>
      %max3A_994 = arith.maxsi %sub3A_991, %max3A_993 : vector<16xi32>
      %min3A_995 = arith.constant 1 : i32
      %min3A_996 = vector.broadcast %min3A_995 : i32 to vector<16xi32>
      %min3A_997 = arith.minsi %max3A_994, %min3A_996 : vector<16xi32>
      %add3A_998 = arith.addi %add3A_988, %min3A_997 : vector<16xi32>
      %sub3A_999 = arith.constant 4 : i32
      %sub3A_1000 = vector.broadcast %sub3A_999 : i32 to vector<16xi32>
      %sub3A_1001 = arith.subi %max3A_969, %sub3A_1000 : vector<16xi32>
      %max3A_1002 = arith.constant 0 : i32
      %max3A_1003 = vector.broadcast %max3A_1002 : i32 to vector<16xi32>
      %max3A_1004 = arith.maxsi %sub3A_1001, %max3A_1003 : vector<16xi32>
      %min3A_1005 = arith.constant 1 : i32
      %min3A_1006 = vector.broadcast %min3A_1005 : i32 to vector<16xi32>
      %min3A_1007 = arith.minsi %max3A_1004, %min3A_1006 : vector<16xi32>
      %add3A_1008 = arith.addi %add3A_998, %min3A_1007 : vector<16xi32>
      %sub3A_1009 = arith.constant 7 : i32
      %sub3A_1010 = vector.broadcast %sub3A_1009 : i32 to vector<16xi32>
      %sub3A_1011 = arith.subi %max3A_969, %sub3A_1010 : vector<16xi32>
      %max3A_1012 = arith.constant 0 : i32
      %max3A_1013 = vector.broadcast %max3A_1012 : i32 to vector<16xi32>
      %max3A_1014 = arith.maxsi %sub3A_1011, %max3A_1013 : vector<16xi32>
      %min3A_1015 = arith.constant 1 : i32
      %min3A_1016 = vector.broadcast %min3A_1015 : i32 to vector<16xi32>
      %min3A_1017 = arith.minsi %max3A_1014, %min3A_1016 : vector<16xi32>
      %add3A_1018 = arith.addi %add3A_1008, %min3A_1017 : vector<16xi32>
      %sub3A_1019 = arith.constant 15 : i32
      %sub3A_1020 = vector.broadcast %sub3A_1019 : i32 to vector<16xi32>
      %sub3A_1021 = arith.subi %max3A_969, %sub3A_1020 : vector<16xi32>
      %max3A_1022 = arith.constant 0 : i32
      %max3A_1023 = vector.broadcast %max3A_1022 : i32 to vector<16xi32>
      %max3A_1024 = arith.maxsi %sub3A_1021, %max3A_1023 : vector<16xi32>
      %min3A_1025 = arith.constant 1 : i32
      %min3A_1026 = vector.broadcast %min3A_1025 : i32 to vector<16xi32>
      %min3A_1027 = arith.minsi %max3A_1024, %min3A_1026 : vector<16xi32>
      %add3A_1028 = arith.addi %add3A_1018, %min3A_1027 : vector<16xi32>
      %sub3A_1029 = arith.constant 31 : i32
      %sub3A_1030 = vector.broadcast %sub3A_1029 : i32 to vector<16xi32>
      %sub3A_1031 = arith.subi %max3A_969, %sub3A_1030 : vector<16xi32>
      %max3A_1032 = arith.constant 0 : i32
      %max3A_1033 = vector.broadcast %max3A_1032 : i32 to vector<16xi32>
      %max3A_1034 = arith.maxsi %sub3A_1031, %max3A_1033 : vector<16xi32>
      %min3A_1035 = arith.constant 1 : i32
      %min3A_1036 = vector.broadcast %min3A_1035 : i32 to vector<16xi32>
      %min3A_1037 = arith.minsi %max3A_1034, %min3A_1036 : vector<16xi32>
      %add3A_1038 = arith.addi %add3A_1028, %min3A_1037 : vector<16xi32>
      %sub3A_1039 = arith.constant 63 : i32
      %sub3A_1040 = vector.broadcast %sub3A_1039 : i32 to vector<16xi32>
      %sub3A_1041 = arith.subi %max3A_969, %sub3A_1040 : vector<16xi32>
      %max3A_1042 = arith.constant 0 : i32
      %max3A_1043 = vector.broadcast %max3A_1042 : i32 to vector<16xi32>
      %max3A_1044 = arith.maxsi %sub3A_1041, %max3A_1043 : vector<16xi32>
      %min3A_1045 = arith.constant 1 : i32
      %min3A_1046 = vector.broadcast %min3A_1045 : i32 to vector<16xi32>
      %min3A_1047 = arith.minsi %max3A_1044, %min3A_1046 : vector<16xi32>
      %add3A_1048 = arith.addi %add3A_1038, %min3A_1047 : vector<16xi32>
      %mul3A_1049 = arith.constant 8 : i32
      %mul3A_1050 = arith.muli %scan3A_10, %mul3A_1049 : i32
      %add3A_1051 = arith.constant 2 : i32
      %add3A_1052 = arith.addi %mul3A_1050, %add3A_1051 : i32
      %mul3A_1053 = arith.constant 50 : i32
      %mul3A_1054 = arith.muli %add3A_1052, %mul3A_1053 : i32
      %add3A_1055 = arith.constant 16 : i32
      %add3A_1056 = arith.addi %mul3A_1054, %add3A_1055 : i32
      %swap3A_1057 = arith.index_cast %add3A_1056 : i32 to index
      %swap3A_1058 = tpu.vector_load %arg5[%swap3A_1057] {strides = array<i32>} : memref<25600xi32, #tpu.memory_space<vmem>>, vector<16xi32>,
      %swap3A_1059 = vector.shape_cast %swap3A_1058 : vector<16xi32> to vector<16xi32>
      %swap3A_1060 = vector.shape_cast %add3A_1048 : vector<16xi32> to vector<16xi32>
      tpu.vector_store %arg5[%swap3A_1057], %swap3A_1060 {strides = array<i32>} : memref<25600xi32, #tpu.memory_space<vmem>>, vector<16xi32>,
      %mul3A_1061 = arith.constant 8 : i32
      %mul3A_1062 = arith.muli %scan3A_10, %mul3A_1061 : i32
      %add3A_1063 = arith.constant 2 : i32
      %add3A_1064 = arith.addi %mul3A_1062, %add3A_1063 : i32
      %get3A_1065 = arith.index_cast %add3A_1064 : i32 to index
      %get3A_1066 = arith.constant 32 : index
      %get3A_1067 = tpu.vector_load %arg4[%get3A_1065, %get3A_1066] {strides = array<i32>} : memref<512x50xi32, #tpu.memory_space<vmem>>, vector<1x16xi32>,
      %get3A_1068 = vector.shape_cast %get3A_1067 : vector<1x16xi32> to vector<16xi32>
      %sub3A_1069 = vector.broadcast %add3A_852 : i32 to vector<16xi32>
      %sub3A_1070 = arith.subi %sub3A_1069, %get3A_1068 : vector<16xi32>
      %max3A_1071 = arith.constant 1 : i32
      %max3A_1072 = vector.broadcast %max3A_1071 : i32 to vector<16xi32>
      %max3A_1073 = arith.maxsi %sub3A_1070, %max3A_1072 : vector<16xi32>
      %sub3A_1074 = arith.constant 1 : i32
      %sub3A_1075 = vector.broadcast %sub3A_1074 : i32 to vector<16xi32>
      %sub3A_1076 = arith.subi %max3A_1073, %sub3A_1075 : vector<16xi32>
      %max3A_1077 = arith.constant 0 : i32
      %max3A_1078 = vector.broadcast %max3A_1077 : i32 to vector<16xi32>
      %max3A_1079 = arith.maxsi %sub3A_1076, %max3A_1078 : vector<16xi32>
      %min3A_1080 = arith.constant 1 : i32
      %min3A_1081 = vector.broadcast %min3A_1080 : i32 to vector<16xi32>
      %min3A_1082 = arith.minsi %max3A_1079, %min3A_1081 : vector<16xi32>
      %sub3A_1083 = arith.constant 2 : i32
      %sub3A_1084 = vector.broadcast %sub3A_1083 : i32 to vector<16xi32>
      %sub3A_1085 = arith.subi %max3A_1073, %sub3A_1084 : vector<16xi32>
      %max3A_1086 = arith.constant 0 : i32
      %max3A_1087 = vector.broadcast %max3A_1086 : i32 to vector<16xi32>
      %max3A_1088 = arith.maxsi %sub3A_1085, %max3A_1087 : vector<16xi32>
      %min3A_1089 = arith.constant 1 : i32
      %min3A_1090 = vector.broadcast %min3A_1089 : i32 to vector<16xi32>
      %min3A_1091 = arith.minsi %max3A_1088, %min3A_1090 : vector<16xi32>
      %add3A_1092 = arith.addi %min3A_1082, %min3A_1091 : vector<16xi32>
      %sub3A_1093 = arith.constant 3 : i32
      %sub3A_1094 = vector.broadcast %sub3A_1093 : i32 to vector<16xi32>
      %sub3A_1095 = arith.subi %max3A_1073, %sub3A_1094 : vector<16xi32>
      %max3A_1096 = arith.constant 0 : i32
      %max3A_1097 = vector.broadcast %max3A_1096 : i32 to vector<16xi32>
      %max3A_1098 = arith.maxsi %sub3A_1095, %max3A_1097 : vector<16xi32>
      %min3A_1099 = arith.constant 1 : i32
      %min3A_1100 = vector.broadcast %min3A_1099 : i32 to vector<16xi32>
      %min3A_1101 = arith.minsi %max3A_1098, %min3A_1100 : vector<16xi32>
      %add3A_1102 = arith.addi %add3A_1092, %min3A_1101 : vector<16xi32>
      %sub3A_1103 = arith.constant 4 : i32
      %sub3A_1104 = vector.broadcast %sub3A_1103 : i32 to vector<16xi32>
      %sub3A_1105 = arith.subi %max3A_1073, %sub3A_1104 : vector<16xi32>
      %max3A_1106 = arith.constant 0 : i32
      %max3A_1107 = vector.broadcast %max3A_1106 : i32 to vector<16xi32>
      %max3A_1108 = arith.maxsi %sub3A_1105, %max3A_1107 : vector<16xi32>
      %min3A_1109 = arith.constant 1 : i32
      %min3A_1110 = vector.broadcast %min3A_1109 : i32 to vector<16xi32>
      %min3A_1111 = arith.minsi %max3A_1108, %min3A_1110 : vector<16xi32>
      %add3A_1112 = arith.addi %add3A_1102, %min3A_1111 : vector<16xi32>
      %sub3A_1113 = arith.constant 7 : i32
      %sub3A_1114 = vector.broadcast %sub3A_1113 : i32 to vector<16xi32>
      %sub3A_1115 = arith.subi %max3A_1073, %sub3A_1114 : vector<16xi32>
      %max3A_1116 = arith.constant 0 : i32
      %max3A_1117 = vector.broadcast %max3A_1116 : i32 to vector<16xi32>
      %max3A_1118 = arith.maxsi %sub3A_1115, %max3A_1117 : vector<16xi32>
      %min3A_1119 = arith.constant 1 : i32
      %min3A_1120 = vector.broadcast %min3A_1119 : i32 to vector<16xi32>
      %min3A_1121 = arith.minsi %max3A_1118, %min3A_1120 : vector<16xi32>
      %add3A_1122 = arith.addi %add3A_1112, %min3A_1121 : vector<16xi32>
      %sub3A_1123 = arith.constant 15 : i32
      %sub3A_1124 = vector.broadcast %sub3A_1123 : i32 to vector<16xi32>
      %sub3A_1125 = arith.subi %max3A_1073, %sub3A_1124 : vector<16xi32>
      %max3A_1126 = arith.constant 0 : i32
      %max3A_1127 = vector.broadcast %max3A_1126 : i32 to vector<16xi32>
      %max3A_1128 = arith.maxsi %sub3A_1125, %max3A_1127 : vector<16xi32>
      %min3A_1129 = arith.constant 1 : i32
      %min3A_1130 = vector.broadcast %min3A_1129 : i32 to vector<16xi32>
      %min3A_1131 = arith.minsi %max3A_1128, %min3A_1130 : vector<16xi32>
      %add3A_1132 = arith.addi %add3A_1122, %min3A_1131 : vector<16xi32>
      %sub3A_1133 = arith.constant 31 : i32
      %sub3A_1134 = vector.broadcast %sub3A_1133 : i32 to vector<16xi32>
      %sub3A_1135 = arith.subi %max3A_1073, %sub3A_1134 : vector<16xi32>
      %max3A_1136 = arith.constant 0 : i32
      %max3A_1137 = vector.broadcast %max3A_1136 : i32 to vector<16xi32>
      %max3A_1138 = arith.maxsi %sub3A_1135, %max3A_1137 : vector<16xi32>
      %min3A_1139 = arith.constant 1 : i32
      %min3A_1140 = vector.broadcast %min3A_1139 : i32 to vector<16xi32>
      %min3A_1141 = arith.minsi %max3A_1138, %min3A_1140 : vector<16xi32>
      %add3A_1142 = arith.addi %add3A_1132, %min3A_1141 : vector<16xi32>
      %sub3A_1143 = arith.constant 63 : i32
      %sub3A_1144 = vector.broadcast %sub3A_1143 : i32 to vector<16xi32>
      %sub3A_1145 = arith.subi %max3A_1073, %sub3A_1144 : vector<16xi32>
      %max3A_1146 = arith.constant 0 : i32
      %max3A_1147 = vector.broadcast %max3A_1146 : i32 to vector<16xi32>
      %max3A_1148 = arith.maxsi %sub3A_1145, %max3A_1147 : vector<16xi32>
      %min3A_1149 = arith.constant 1 : i32
      %min3A_1150 = vector.broadcast %min3A_1149 : i32 to vector<16xi32>
      %min3A_1151 = arith.minsi %max3A_1148, %min3A_1150 : vector<16xi32>
      %add3A_1152 = arith.addi %add3A_1142, %min3A_1151 : vector<16xi32>
      %mul3A_1153 = arith.constant 8 : i32
      %mul3A_1154 = arith.muli %scan3A_10, %mul3A_1153 : i32
      %add3A_1155 = arith.constant 2 : i32
      %add3A_1156 = arith.addi %mul3A_1154, %add3A_1155 : i32
      %mul3A_1157 = arith.constant 50 : i32
      %mul3A_1158 = arith.muli %add3A_1156, %mul3A_1157 : i32
      %add3A_1159 = arith.constant 32 : i32
      %add3A_1160 = arith.addi %mul3A_1158, %add3A_1159 : i32
      %swap3A_1161 = arith.index_cast %add3A_1160 : i32 to index
      %swap3A_1162 = tpu.vector_load %arg5[%swap3A_1161] {strides = array<i32>} : memref<25600xi32, #tpu.memory_space<vmem>>, vector<16xi32>,
      %swap3A_1163 = vector.shape_cast %swap3A_1162 : vector<16xi32> to vector<16xi32>
      %swap3A_1164 = vector.shape_cast %add3A_1152 : vector<16xi32> to vector<16xi32>
      tpu.vector_store %arg5[%swap3A_1161], %swap3A_1164 {strides = array<i32>} : memref<25600xi32, #tpu.memory_space<vmem>>, vector<16xi32>,
      %mul3A_1165 = arith.constant 8 : i32
      %mul3A_1166 = arith.muli %scan3A_10, %mul3A_1165 : i32
      %add3A_1167 = arith.constant 2 : i32
      %add3A_1168 = arith.addi %mul3A_1166, %add3A_1167 : i32
      %get3A_1169 = arith.index_cast %add3A_1168 : i32 to index
      %get3A_1170 = arith.constant 34 : index
      %get3A_1171 = tpu.vector_load %arg4[%get3A_1169, %get3A_1170] {strides = array<i32>} : memref<512x50xi32, #tpu.memory_space<vmem>>, vector<1x16xi32>,
      %get3A_1172 = vector.shape_cast %get3A_1171 : vector<1x16xi32> to vector<16xi32>
      %sub3A_1173 = vector.broadcast %add3A_852 : i32 to vector<16xi32>
      %sub3A_1174 = arith.subi %sub3A_1173, %get3A_1172 : vector<16xi32>
      %max3A_1175 = arith.constant 1 : i32
      %max3A_1176 = vector.broadcast %max3A_1175 : i32 to vector<16xi32>
      %max3A_1177 = arith.maxsi %sub3A_1174, %max3A_1176 : vector<16xi32>
      %sub3A_1178 = arith.constant 1 : i32
      %sub3A_1179 = vector.broadcast %sub3A_1178 : i32 to vector<16xi32>
      %sub3A_1180 = arith.subi %max3A_1177, %sub3A_1179 : vector<16xi32>
      %max3A_1181 = arith.constant 0 : i32
      %max3A_1182 = vector.broadcast %max3A_1181 : i32 to vector<16xi32>
      %max3A_1183 = arith.maxsi %sub3A_1180, %max3A_1182 : vector<16xi32>
      %min3A_1184 = arith.constant 1 : i32
      %min3A_1185 = vector.broadcast %min3A_1184 : i32 to vector<16xi32>
      %min3A_1186 = arith.minsi %max3A_1183, %min3A_1185 : vector<16xi32>
      %sub3A_1187 = arith.constant 2 : i32
      %sub3A_1188 = vector.broadcast %sub3A_1187 : i32 to vector<16xi32>
      %sub3A_1189 = arith.subi %max3A_1177, %sub3A_1188 : vector<16xi32>
      %max3A_1190 = arith.constant 0 : i32
      %max3A_1191 = vector.broadcast %max3A_1190 : i32 to vector<16xi32>
      %max3A_1192 = arith.maxsi %sub3A_1189, %max3A_1191 : vector<16xi32>
      %min3A_1193 = arith.constant 1 : i32
      %min3A_1194 = vector.broadcast %min3A_1193 : i32 to vector<16xi32>
      %min3A_1195 = arith.minsi %max3A_1192, %min3A_1194 : vector<16xi32>
      %add3A_1196 = arith.addi %min3A_1186, %min3A_1195 : vector<16xi32>
      %sub3A_1197 = arith.constant 3 : i32
      %sub3A_1198 = vector.broadcast %sub3A_1197 : i32 to vector<16xi32>
      %sub3A_1199 = arith.subi %max3A_1177, %sub3A_1198 : vector<16xi32>
      %max3A_1200 = arith.constant 0 : i32
      %max3A_1201 = vector.broadcast %max3A_1200 : i32 to vector<16xi32>
      %max3A_1202 = arith.maxsi %sub3A_1199, %max3A_1201 : vector<16xi32>
      %min3A_1203 = arith.constant 1 : i32
      %min3A_1204 = vector.broadcast %min3A_1203 : i32 to vector<16xi32>
      %min3A_1205 = arith.minsi %max3A_1202, %min3A_1204 : vector<16xi32>
      %add3A_1206 = arith.addi %add3A_1196, %min3A_1205 : vector<16xi32>
      %sub3A_1207 = arith.constant 4 : i32
      %sub3A_1208 = vector.broadcast %sub3A_1207 : i32 to vector<16xi32>
      %sub3A_1209 = arith.subi %max3A_1177, %sub3A_1208 : vector<16xi32>
      %max3A_1210 = arith.constant 0 : i32
      %max3A_1211 = vector.broadcast %max3A_1210 : i32 to vector<16xi32>
      %max3A_1212 = arith.maxsi %sub3A_1209, %max3A_1211 : vector<16xi32>
      %min3A_1213 = arith.constant 1 : i32
      %min3A_1214 = vector.broadcast %min3A_1213 : i32 to vector<16xi32>
      %min3A_1215 = arith.minsi %max3A_1212, %min3A_1214 : vector<16xi32>
      %add3A_1216 = arith.addi %add3A_1206, %min3A_1215 : vector<16xi32>
      %sub3A_1217 = arith.constant 7 : i32
      %sub3A_1218 = vector.broadcast %sub3A_1217 : i32 to vector<16xi32>
      %sub3A_1219 = arith.subi %max3A_1177, %sub3A_1218 : vector<16xi32>
      %max3A_1220 = arith.constant 0 : i32
      %max3A_1221 = vector.broadcast %max3A_1220 : i32 to vector<16xi32>
      %max3A_1222 = arith.maxsi %sub3A_1219, %max3A_1221 : vector<16xi32>
      %min3A_1223 = arith.constant 1 : i32
      %min3A_1224 = vector.broadcast %min3A_1223 : i32 to vector<16xi32>
      %min3A_1225 = arith.minsi %max3A_1222, %min3A_1224 : vector<16xi32>
      %add3A_1226 = arith.addi %add3A_1216, %min3A_1225 : vector<16xi32>
      %sub3A_1227 = arith.constant 15 : i32
      %sub3A_1228 = vector.broadcast %sub3A_1227 : i32 to vector<16xi32>
      %sub3A_1229 = arith.subi %max3A_1177, %sub3A_1228 : vector<16xi32>
      %max3A_1230 = arith.constant 0 : i32
      %max3A_1231 = vector.broadcast %max3A_1230 : i32 to vector<16xi32>
      %max3A_1232 = arith.maxsi %sub3A_1229, %max3A_1231 : vector<16xi32>
      %min3A_1233 = arith.constant 1 : i32
      %min3A_1234 = vector.broadcast %min3A_1233 : i32 to vector<16xi32>
      %min3A_1235 = arith.minsi %max3A_1232, %min3A_1234 : vector<16xi32>
      %add3A_1236 = arith.addi %add3A_1226, %min3A_1235 : vector<16xi32>
      %sub3A_1237 = arith.constant 31 : i32
      %sub3A_1238 = vector.broadcast %sub3A_1237 : i32 to vector<16xi32>
      %sub3A_1239 = arith.subi %max3A_1177, %sub3A_1238 : vector<16xi32>
      %max3A_1240 = arith.constant 0 : i32
      %max3A_1241 = vector.broadcast %max3A_1240 : i32 to vector<16xi32>
      %max3A_1242 = arith.maxsi %sub3A_1239, %max3A_1241 : vector<16xi32>
      %min3A_1243 = arith.constant 1 : i32
      %min3A_1244 = vector.broadcast %min3A_1243 : i32 to vector<16xi32>
      %min3A_1245 = arith.minsi %max3A_1242, %min3A_1244 : vector<16xi32>
      %add3A_1246 = arith.addi %add3A_1236, %min3A_1245 : vector<16xi32>
      %sub3A_1247 = arith.constant 63 : i32
      %sub3A_1248 = vector.broadcast %sub3A_1247 : i32 to vector<16xi32>
      %sub3A_1249 = arith.subi %max3A_1177, %sub3A_1248 : vector<16xi32>
      %max3A_1250 = arith.constant 0 : i32
      %max3A_1251 = vector.broadcast %max3A_1250 : i32 to vector<16xi32>
      %max3A_1252 = arith.maxsi %sub3A_1249, %max3A_1251 : vector<16xi32>
      %min3A_1253 = arith.constant 1 : i32
      %min3A_1254 = vector.broadcast %min3A_1253 : i32 to vector<16xi32>
      %min3A_1255 = arith.minsi %max3A_1252, %min3A_1254 : vector<16xi32>
      %add3A_1256 = arith.addi %add3A_1246, %min3A_1255 : vector<16xi32>
      %mul3A_1257 = arith.constant 8 : i32
      %mul3A_1258 = arith.muli %scan3A_10, %mul3A_1257 : i32
      %add3A_1259 = arith.constant 2 : i32
      %add3A_1260 = arith.addi %mul3A_1258, %add3A_1259 : i32
      %mul3A_1261 = arith.constant 50 : i32
      %mul3A_1262 = arith.muli %add3A_1260, %mul3A_1261 : i32
      %add3A_1263 = arith.constant 34 : i32
      %add3A_1264 = arith.addi %mul3A_1262, %add3A_1263 : i32
      %swap3A_1265 = arith.index_cast %add3A_1264 : i32 to index
      %swap3A_1266 = tpu.vector_load %arg5[%swap3A_1265] {strides = array<i32>} : memref<25600xi32, #tpu.memory_space<vmem>>, vector<16xi32>,
      %swap3A_1267 = vector.shape_cast %swap3A_1266 : vector<16xi32> to vector<16xi32>
      %swap3A_1268 = vector.shape_cast %add3A_1256 : vector<16xi32> to vector<16xi32>
      tpu.vector_store %arg5[%swap3A_1265], %swap3A_1268 {strides = array<i32>} : memref<25600xi32, #tpu.memory_space<vmem>>, vector<16xi32>,
      %mul3A_1269 = arith.constant 8 : i32
      %mul3A_1270 = arith.muli %scan3A_10, %mul3A_1269 : i32
      %add3A_1271 = arith.addi %mul3A_2, %mul3A_1270 : i32
      %add3A_1272 = arith.constant 3 : i32
      %add3A_1273 = arith.addi %add3A_1271, %add3A_1272 : i32
      %mul3A_1274 = arith.constant 8 : i32
      %mul3A_1275 = arith.muli %scan3A_10, %mul3A_1274 : i32
      %add3A_1276 = arith.constant 3 : i32
      %add3A_1277 = arith.addi %mul3A_1275, %add3A_1276 : i32
      %get3A_1278 = arith.index_cast %add3A_1277 : i32 to index
      %get3A_1279 = arith.constant 0 : index
      %get3A_1280 = tpu.vector_load %arg4[%get3A_1278, %get3A_1279] {strides = array<i32>} : memref<512x50xi32, #tpu.memory_space<vmem>>, vector<1x16xi32>,
      %get3A_1281 = vector.shape_cast %get3A_1280 : vector<1x16xi32> to vector<16xi32>
      %sub3A_1282 = vector.broadcast %add3A_1273 : i32 to vector<16xi32>
      %sub3A_1283 = arith.subi %sub3A_1282, %get3A_1281 : vector<16xi32>
      %max3A_1284 = arith.constant 1 : i32
      %max3A_1285 = vector.broadcast %max3A_1284 : i32 to vector<16xi32>
      %max3A_1286 = arith.maxsi %sub3A_1283, %max3A_1285 : vector<16xi32>
      %sub3A_1287 = arith.constant 1 : i32
      %sub3A_1288 = vector.broadcast %sub3A_1287 : i32 to vector<16xi32>
      %sub3A_1289 = arith.subi %max3A_1286, %sub3A_1288 : vector<16xi32>
      %max3A_1290 = arith.constant 0 : i32
      %max3A_1291 = vector.broadcast %max3A_1290 : i32 to vector<16xi32>
      %max3A_1292 = arith.maxsi %sub3A_1289, %max3A_1291 : vector<16xi32>
      %min3A_1293 = arith.constant 1 : i32
      %min3A_1294 = vector.broadcast %min3A_1293 : i32 to vector<16xi32>
      %min3A_1295 = arith.minsi %max3A_1292, %min3A_1294 : vector<16xi32>
      %sub3A_1296 = arith.constant 2 : i32
      %sub3A_1297 = vector.broadcast %sub3A_1296 : i32 to vector<16xi32>
      %sub3A_1298 = arith.subi %max3A_1286, %sub3A_1297 : vector<16xi32>
      %max3A_1299 = arith.constant 0 : i32
      %max3A_1300 = vector.broadcast %max3A_1299 : i32 to vector<16xi32>
      %max3A_1301 = arith.maxsi %sub3A_1298, %max3A_1300 : vector<16xi32>
      %min3A_1302 = arith.constant 1 : i32
      %min3A_1303 = vector.broadcast %min3A_1302 : i32 to vector<16xi32>
      %min3A_1304 = arith.minsi %max3A_1301, %min3A_1303 : vector<16xi32>
      %add3A_1305 = arith.addi %min3A_1295, %min3A_1304 : vector<16xi32>
      %sub3A_1306 = arith.constant 3 : i32
      %sub3A_1307 = vector.broadcast %sub3A_1306 : i32 to vector<16xi32>
      %sub3A_1308 = arith.subi %max3A_1286, %sub3A_1307 : vector<16xi32>
      %max3A_1309 = arith.constant 0 : i32
      %max3A_1310 = vector.broadcast %max3A_1309 : i32 to vector<16xi32>
      %max3A_1311 = arith.maxsi %sub3A_1308, %max3A_1310 : vector<16xi32>
      %min3A_1312 = arith.constant 1 : i32
      %min3A_1313 = vector.broadcast %min3A_1312 : i32 to vector<16xi32>
      %min3A_1314 = arith.minsi %max3A_1311, %min3A_1313 : vector<16xi32>
      %add3A_1315 = arith.addi %add3A_1305, %min3A_1314 : vector<16xi32>
      %sub3A_1316 = arith.constant 4 : i32
      %sub3A_1317 = vector.broadcast %sub3A_1316 : i32 to vector<16xi32>
      %sub3A_1318 = arith.subi %max3A_1286, %sub3A_1317 : vector<16xi32>
      %max3A_1319 = arith.constant 0 : i32
      %max3A_1320 = vector.broadcast %max3A_1319 : i32 to vector<16xi32>
      %max3A_1321 = arith.maxsi %sub3A_1318, %max3A_1320 : vector<16xi32>
      %min3A_1322 = arith.constant 1 : i32
      %min3A_1323 = vector.broadcast %min3A_1322 : i32 to vector<16xi32>
      %min3A_1324 = arith.minsi %max3A_1321, %min3A_1323 : vector<16xi32>
      %add3A_1325 = arith.addi %add3A_1315, %min3A_1324 : vector<16xi32>
      %sub3A_1326 = arith.constant 7 : i32
      %sub3A_1327 = vector.broadcast %sub3A_1326 : i32 to vector<16xi32>
      %sub3A_1328 = arith.subi %max3A_1286, %sub3A_1327 : vector<16xi32>
      %max3A_1329 = arith.constant 0 : i32
      %max3A_1330 = vector.broadcast %max3A_1329 : i32 to vector<16xi32>
      %max3A_1331 = arith.maxsi %sub3A_1328, %max3A_1330 : vector<16xi32>
      %min3A_1332 = arith.constant 1 : i32
      %min3A_1333 = vector.broadcast %min3A_1332 : i32 to vector<16xi32>
      %min3A_1334 = arith.minsi %max3A_1331, %min3A_1333 : vector<16xi32>
      %add3A_1335 = arith.addi %add3A_1325, %min3A_1334 : vector<16xi32>
      %sub3A_1336 = arith.constant 15 : i32
      %sub3A_1337 = vector.broadcast %sub3A_1336 : i32 to vector<16xi32>
      %sub3A_1338 = arith.subi %max3A_1286, %sub3A_1337 : vector<16xi32>
      %max3A_1339 = arith.constant 0 : i32
      %max3A_1340 = vector.broadcast %max3A_1339 : i32 to vector<16xi32>
      %max3A_1341 = arith.maxsi %sub3A_1338, %max3A_1340 : vector<16xi32>
      %min3A_1342 = arith.constant 1 : i32
      %min3A_1343 = vector.broadcast %min3A_1342 : i32 to vector<16xi32>
      %min3A_1344 = arith.minsi %max3A_1341, %min3A_1343 : vector<16xi32>
      %add3A_1345 = arith.addi %add3A_1335, %min3A_1344 : vector<16xi32>
      %sub3A_1346 = arith.constant 31 : i32
      %sub3A_1347 = vector.broadcast %sub3A_1346 : i32 to vector<16xi32>
      %sub3A_1348 = arith.subi %max3A_1286, %sub3A_1347 : vector<16xi32>
      %max3A_1349 = arith.constant 0 : i32
      %max3A_1350 = vector.broadcast %max3A_1349 : i32 to vector<16xi32>
      %max3A_1351 = arith.maxsi %sub3A_1348, %max3A_1350 : vector<16xi32>
      %min3A_1352 = arith.constant 1 : i32
      %min3A_1353 = vector.broadcast %min3A_1352 : i32 to vector<16xi32>
      %min3A_1354 = arith.minsi %max3A_1351, %min3A_1353 : vector<16xi32>
      %add3A_1355 = arith.addi %add3A_1345, %min3A_1354 : vector<16xi32>
      %sub3A_1356 = arith.constant 63 : i32
      %sub3A_1357 = vector.broadcast %sub3A_1356 : i32 to vector<16xi32>
      %sub3A_1358 = arith.subi %max3A_1286, %sub3A_1357 : vector<16xi32>
      %max3A_1359 = arith.constant 0 : i32
      %max3A_1360 = vector.broadcast %max3A_1359 : i32 to vector<16xi32>
      %max3A_1361 = arith.maxsi %sub3A_1358, %max3A_1360 : vector<16xi32>
      %min3A_1362 = arith.constant 1 : i32
      %min3A_1363 = vector.broadcast %min3A_1362 : i32 to vector<16xi32>
      %min3A_1364 = arith.minsi %max3A_1361, %min3A_1363 : vector<16xi32>
      %add3A_1365 = arith.addi %add3A_1355, %min3A_1364 : vector<16xi32>
      %mul3A_1366 = arith.constant 8 : i32
      %mul3A_1367 = arith.muli %scan3A_10, %mul3A_1366 : i32
      %add3A_1368 = arith.constant 3 : i32
      %add3A_1369 = arith.addi %mul3A_1367, %add3A_1368 : i32
      %mul3A_1370 = arith.constant 50 : i32
      %mul3A_1371 = arith.muli %add3A_1369, %mul3A_1370 : i32
      %add3A_1372 = arith.constant 0 : i32
      %add3A_1373 = arith.addi %mul3A_1371, %add3A_1372 : i32
      %swap3A_1374 = arith.index_cast %add3A_1373 : i32 to index
      %swap3A_1375 = tpu.vector_load %arg5[%swap3A_1374] {strides = array<i32>} : memref<25600xi32, #tpu.memory_space<vmem>>, vector<16xi32>,
      %swap3A_1376 = vector.shape_cast %swap3A_1375 : vector<16xi32> to vector<16xi32>
      %swap3A_1377 = vector.shape_cast %add3A_1365 : vector<16xi32> to vector<16xi32>
      tpu.vector_store %arg5[%swap3A_1374], %swap3A_1377 {strides = array<i32>} : memref<25600xi32, #tpu.memory_space<vmem>>, vector<16xi32>,
      %mul3A_1378 = arith.constant 8 : i32
      %mul3A_1379 = arith.muli %scan3A_10, %mul3A_1378 : i32
      %add3A_1380 = arith.constant 3 : i32
      %add3A_1381 = arith.addi %mul3A_1379, %add3A_1380 : i32
      %get3A_1382 = arith.index_cast %add3A_1381 : i32 to index
      %get3A_1383 = arith.constant 16 : index
      %get3A_1384 = tpu.vector_load %arg4[%get3A_1382, %get3A_1383] {strides = array<i32>} : memref<512x50xi32, #tpu.memory_space<vmem>>, vector<1x16xi32>,
      %get3A_1385 = vector.shape_cast %get3A_1384 : vector<1x16xi32> to vector<16xi32>
      %sub3A_1386 = vector.broadcast %add3A_1273 : i32 to vector<16xi32>
      %sub3A_1387 = arith.subi %sub3A_1386, %get3A_1385 : vector<16xi32>
      %max3A_1388 = arith.constant 1 : i32
      %max3A_1389 = vector.broadcast %max3A_1388 : i32 to vector<16xi32>
      %max3A_1390 = arith.maxsi %sub3A_1387, %max3A_1389 : vector<16xi32>
      %sub3A_1391 = arith.constant 1 : i32
      %sub3A_1392 = vector.broadcast %sub3A_1391 : i32 to vector<16xi32>
      %sub3A_1393 = arith.subi %max3A_1390, %sub3A_1392 : vector<16xi32>
      %max3A_1394 = arith.constant 0 : i32
      %max3A_1395 = vector.broadcast %max3A_1394 : i32 to vector<16xi32>
      %max3A_1396 = arith.maxsi %sub3A_1393, %max3A_1395 : vector<16xi32>
      %min3A_1397 = arith.constant 1 : i32
      %min3A_1398 = vector.broadcast %min3A_1397 : i32 to vector<16xi32>
      %min3A_1399 = arith.minsi %max3A_1396, %min3A_1398 : vector<16xi32>
      %sub3A_1400 = arith.constant 2 : i32
      %sub3A_1401 = vector.broadcast %sub3A_1400 : i32 to vector<16xi32>
      %sub3A_1402 = arith.subi %max3A_1390, %sub3A_1401 : vector<16xi32>
      %max3A_1403 = arith.constant 0 : i32
      %max3A_1404 = vector.broadcast %max3A_1403 : i32 to vector<16xi32>
      %max3A_1405 = arith.maxsi %sub3A_1402, %max3A_1404 : vector<16xi32>
      %min3A_1406 = arith.constant 1 : i32
      %min3A_1407 = vector.broadcast %min3A_1406 : i32 to vector<16xi32>
      %min3A_1408 = arith.minsi %max3A_1405, %min3A_1407 : vector<16xi32>
      %add3A_1409 = arith.addi %min3A_1399, %min3A_1408 : vector<16xi32>
      %sub3A_1410 = arith.constant 3 : i32
      %sub3A_1411 = vector.broadcast %sub3A_1410 : i32 to vector<16xi32>
      %sub3A_1412 = arith.subi %max3A_1390, %sub3A_1411 : vector<16xi32>
      %max3A_1413 = arith.constant 0 : i32
      %max3A_1414 = vector.broadcast %max3A_1413 : i32 to vector<16xi32>
      %max3A_1415 = arith.maxsi %sub3A_1412, %max3A_1414 : vector<16xi32>
      %min3A_1416 = arith.constant 1 : i32
      %min3A_1417 = vector.broadcast %min3A_1416 : i32 to vector<16xi32>
      %min3A_1418 = arith.minsi %max3A_1415, %min3A_1417 : vector<16xi32>
      %add3A_1419 = arith.addi %add3A_1409, %min3A_1418 : vector<16xi32>
      %sub3A_1420 = arith.constant 4 : i32
      %sub3A_1421 = vector.broadcast %sub3A_1420 : i32 to vector<16xi32>
      %sub3A_1422 = arith.subi %max3A_1390, %sub3A_1421 : vector<16xi32>
      %max3A_1423 = arith.constant 0 : i32
      %max3A_1424 = vector.broadcast %max3A_1423 : i32 to vector<16xi32>
      %max3A_1425 = arith.maxsi %sub3A_1422, %max3A_1424 : vector<16xi32>
      %min3A_1426 = arith.constant 1 : i32
      %min3A_1427 = vector.broadcast %min3A_1426 : i32 to vector<16xi32>
      %min3A_1428 = arith.minsi %max3A_1425, %min3A_1427 : vector<16xi32>
      %add3A_1429 = arith.addi %add3A_1419, %min3A_1428 : vector<16xi32>
      %sub3A_1430 = arith.constant 7 : i32
      %sub3A_1431 = vector.broadcast %sub3A_1430 : i32 to vector<16xi32>
      %sub3A_1432 = arith.subi %max3A_1390, %sub3A_1431 : vector<16xi32>
      %max3A_1433 = arith.constant 0 : i32
      %max3A_1434 = vector.broadcast %max3A_1433 : i32 to vector<16xi32>
      %max3A_1435 = arith.maxsi %sub3A_1432, %max3A_1434 : vector<16xi32>
      %min3A_1436 = arith.constant 1 : i32
      %min3A_1437 = vector.broadcast %min3A_1436 : i32 to vector<16xi32>
      %min3A_1438 = arith.minsi %max3A_1435, %min3A_1437 : vector<16xi32>
      %add3A_1439 = arith.addi %add3A_1429, %min3A_1438 : vector<16xi32>
      %sub3A_1440 = arith.constant 15 : i32
      %sub3A_1441 = vector.broadcast %sub3A_1440 : i32 to vector<16xi32>
      %sub3A_1442 = arith.subi %max3A_1390, %sub3A_1441 : vector<16xi32>
      %max3A_1443 = arith.constant 0 : i32
      %max3A_1444 = vector.broadcast %max3A_1443 : i32 to vector<16xi32>
      %max3A_1445 = arith.maxsi %sub3A_1442, %max3A_1444 : vector<16xi32>
      %min3A_1446 = arith.constant 1 : i32
      %min3A_1447 = vector.broadcast %min3A_1446 : i32 to vector<16xi32>
      %min3A_1448 = arith.minsi %max3A_1445, %min3A_1447 : vector<16xi32>
      %add3A_1449 = arith.addi %add3A_1439, %min3A_1448 : vector<16xi32>
      %sub3A_1450 = arith.constant 31 : i32
      %sub3A_1451 = vector.broadcast %sub3A_1450 : i32 to vector<16xi32>
      %sub3A_1452 = arith.subi %max3A_1390, %sub3A_1451 : vector<16xi32>
      %max3A_1453 = arith.constant 0 : i32
      %max3A_1454 = vector.broadcast %max3A_1453 : i32 to vector<16xi32>
      %max3A_1455 = arith.maxsi %sub3A_1452, %max3A_1454 : vector<16xi32>
      %min3A_1456 = arith.constant 1 : i32
      %min3A_1457 = vector.broadcast %min3A_1456 : i32 to vector<16xi32>
      %min3A_1458 = arith.minsi %max3A_1455, %min3A_1457 : vector<16xi32>
      %add3A_1459 = arith.addi %add3A_1449, %min3A_1458 : vector<16xi32>
      %sub3A_1460 = arith.constant 63 : i32
      %sub3A_1461 = vector.broadcast %sub3A_1460 : i32 to vector<16xi32>
      %sub3A_1462 = arith.subi %max3A_1390, %sub3A_1461 : vector<16xi32>
      %max3A_1463 = arith.constant 0 : i32
      %max3A_1464 = vector.broadcast %max3A_1463 : i32 to vector<16xi32>
      %max3A_1465 = arith.maxsi %sub3A_1462, %max3A_1464 : vector<16xi32>
      %min3A_1466 = arith.constant 1 : i32
      %min3A_1467 = vector.broadcast %min3A_1466 : i32 to vector<16xi32>
      %min3A_1468 = arith.minsi %max3A_1465, %min3A_1467 : vector<16xi32>
      %add3A_1469 = arith.addi %add3A_1459, %min3A_1468 : vector<16xi32>
      %mul3A_1470 = arith.constant 8 : i32
      %mul3A_1471 = arith.muli %scan3A_10, %mul3A_1470 : i32
      %add3A_1472 = arith.constant 3 : i32
      %add3A_1473 = arith.addi %mul3A_1471, %add3A_1472 : i32
      %mul3A_1474 = arith.constant 50 : i32
      %mul3A_1475 = arith.muli %add3A_1473, %mul3A_1474 : i32
      %add3A_1476 = arith.constant 16 : i32
      %add3A_1477 = arith.addi %mul3A_1475, %add3A_1476 : i32
      %swap3A_1478 = arith.index_cast %add3A_1477 : i32 to index
      %swap3A_1479 = tpu.vector_load %arg5[%swap3A_1478] {strides = array<i32>} : memref<25600xi32, #tpu.memory_space<vmem>>, vector<16xi32>,
      %swap3A_1480 = vector.shape_cast %swap3A_1479 : vector<16xi32> to vector<16xi32>
      %swap3A_1481 = vector.shape_cast %add3A_1469 : vector<16xi32> to vector<16xi32>
      tpu.vector_store %arg5[%swap3A_1478], %swap3A_1481 {strides = array<i32>} : memref<25600xi32, #tpu.memory_space<vmem>>, vector<16xi32>,
      %mul3A_1482 = arith.constant 8 : i32
      %mul3A_1483 = arith.muli %scan3A_10, %mul3A_1482 : i32
      %add3A_1484 = arith.constant 3 : i32
      %add3A_1485 = arith.addi %mul3A_1483, %add3A_1484 : i32
      %get3A_1486 = arith.index_cast %add3A_1485 : i32 to index
      %get3A_1487 = arith.constant 32 : index
      %get3A_1488 = tpu.vector_load %arg4[%get3A_1486, %get3A_1487] {strides = array<i32>} : memref<512x50xi32, #tpu.memory_space<vmem>>, vector<1x16xi32>,
      %get3A_1489 = vector.shape_cast %get3A_1488 : vector<1x16xi32> to vector<16xi32>
      %sub3A_1490 = vector.broadcast %add3A_1273 : i32 to vector<16xi32>
      %sub3A_1491 = arith.subi %sub3A_1490, %get3A_1489 : vector<16xi32>
      %max3A_1492 = arith.constant 1 : i32
      %max3A_1493 = vector.broadcast %max3A_1492 : i32 to vector<16xi32>
      %max3A_1494 = arith.maxsi %sub3A_1491, %max3A_1493 : vector<16xi32>
      %sub3A_1495 = arith.constant 1 : i32
      %sub3A_1496 = vector.broadcast %sub3A_1495 : i32 to vector<16xi32>
      %sub3A_1497 = arith.subi %max3A_1494, %sub3A_1496 : vector<16xi32>
      %max3A_1498 = arith.constant 0 : i32
      %max3A_1499 = vector.broadcast %max3A_1498 : i32 to vector<16xi32>
      %max3A_1500 = arith.maxsi %sub3A_1497, %max3A_1499 : vector<16xi32>
      %min3A_1501 = arith.constant 1 : i32
      %min3A_1502 = vector.broadcast %min3A_1501 : i32 to vector<16xi32>
      %min3A_1503 = arith.minsi %max3A_1500, %min3A_1502 : vector<16xi32>
      %sub3A_1504 = arith.constant 2 : i32
      %sub3A_1505 = vector.broadcast %sub3A_1504 : i32 to vector<16xi32>
      %sub3A_1506 = arith.subi %max3A_1494, %sub3A_1505 : vector<16xi32>
      %max3A_1507 = arith.constant 0 : i32
      %max3A_1508 = vector.broadcast %max3A_1507 : i32 to vector<16xi32>
      %max3A_1509 = arith.maxsi %sub3A_1506, %max3A_1508 : vector<16xi32>
      %min3A_1510 = arith.constant 1 : i32
      %min3A_1511 = vector.broadcast %min3A_1510 : i32 to vector<16xi32>
      %min3A_1512 = arith.minsi %max3A_1509, %min3A_1511 : vector<16xi32>
      %add3A_1513 = arith.addi %min3A_1503, %min3A_1512 : vector<16xi32>
      %sub3A_1514 = arith.constant 3 : i32
      %sub3A_1515 = vector.broadcast %sub3A_1514 : i32 to vector<16xi32>
      %sub3A_1516 = arith.subi %max3A_1494, %sub3A_1515 : vector<16xi32>
      %max3A_1517 = arith.constant 0 : i32
      %max3A_1518 = vector.broadcast %max3A_1517 : i32 to vector<16xi32>
      %max3A_1519 = arith.maxsi %sub3A_1516, %max3A_1518 : vector<16xi32>
      %min3A_1520 = arith.constant 1 : i32
      %min3A_1521 = vector.broadcast %min3A_1520 : i32 to vector<16xi32>
      %min3A_1522 = arith.minsi %max3A_1519, %min3A_1521 : vector<16xi32>
      %add3A_1523 = arith.addi %add3A_1513, %min3A_1522 : vector<16xi32>
      %sub3A_1524 = arith.constant 4 : i32
      %sub3A_1525 = vector.broadcast %sub3A_1524 : i32 to vector<16xi32>
      %sub3A_1526 = arith.subi %max3A_1494, %sub3A_1525 : vector<16xi32>
      %max3A_1527 = arith.constant 0 : i32
      %max3A_1528 = vector.broadcast %max3A_1527 : i32 to vector<16xi32>
      %max3A_1529 = arith.maxsi %sub3A_1526, %max3A_1528 : vector<16xi32>
      %min3A_1530 = arith.constant 1 : i32
      %min3A_1531 = vector.broadcast %min3A_1530 : i32 to vector<16xi32>
      %min3A_1532 = arith.minsi %max3A_1529, %min3A_1531 : vector<16xi32>
      %add3A_1533 = arith.addi %add3A_1523, %min3A_1532 : vector<16xi32>
      %sub3A_1534 = arith.constant 7 : i32
      %sub3A_1535 = vector.broadcast %sub3A_1534 : i32 to vector<16xi32>
      %sub3A_1536 = arith.subi %max3A_1494, %sub3A_1535 : vector<16xi32>
      %max3A_1537 = arith.constant 0 : i32
      %max3A_1538 = vector.broadcast %max3A_1537 : i32 to vector<16xi32>
      %max3A_1539 = arith.maxsi %sub3A_1536, %max3A_1538 : vector<16xi32>
      %min3A_1540 = arith.constant 1 : i32
      %min3A_1541 = vector.broadcast %min3A_1540 : i32 to vector<16xi32>
      %min3A_1542 = arith.minsi %max3A_1539, %min3A_1541 : vector<16xi32>
      %add3A_1543 = arith.addi %add3A_1533, %min3A_1542 : vector<16xi32>
      %sub3A_1544 = arith.constant 15 : i32
      %sub3A_1545 = vector.broadcast %sub3A_1544 : i32 to vector<16xi32>
      %sub3A_1546 = arith.subi %max3A_1494, %sub3A_1545 : vector<16xi32>
      %max3A_1547 = arith.constant 0 : i32
      %max3A_1548 = vector.broadcast %max3A_1547 : i32 to vector<16xi32>
      %max3A_1549 = arith.maxsi %sub3A_1546, %max3A_1548 : vector<16xi32>
      %min3A_1550 = arith.constant 1 : i32
      %min3A_1551 = vector.broadcast %min3A_1550 : i32 to vector<16xi32>
      %min3A_1552 = arith.minsi %max3A_1549, %min3A_1551 : vector<16xi32>
      %add3A_1553 = arith.addi %add3A_1543, %min3A_1552 : vector<16xi32>
      %sub3A_1554 = arith.constant 31 : i32
      %sub3A_1555 = vector.broadcast %sub3A_1554 : i32 to vector<16xi32>
      %sub3A_1556 = arith.subi %max3A_1494, %sub3A_1555 : vector<16xi32>
      %max3A_1557 = arith.constant 0 : i32
      %max3A_1558 = vector.broadcast %max3A_1557 : i32 to vector<16xi32>
      %max3A_1559 = arith.maxsi %sub3A_1556, %max3A_1558 : vector<16xi32>
      %min3A_1560 = arith.constant 1 : i32
      %min3A_1561 = vector.broadcast %min3A_1560 : i32 to vector<16xi32>
      %min3A_1562 = arith.minsi %max3A_1559, %min3A_1561 : vector<16xi32>
      %add3A_1563 = arith.addi %add3A_1553, %min3A_1562 : vector<16xi32>
      %sub3A_1564 = arith.constant 63 : i32
      %sub3A_1565 = vector.broadcast %sub3A_1564 : i32 to vector<16xi32>
      %sub3A_1566 = arith.subi %max3A_1494, %sub3A_1565 : vector<16xi32>
      %max3A_1567 = arith.constant 0 : i32
      %max3A_1568 = vector.broadcast %max3A_1567 : i32 to vector<16xi32>
      %max3A_1569 = arith.maxsi %sub3A_1566, %max3A_1568 : vector<16xi32>
      %min3A_1570 = arith.constant 1 : i32
      %min3A_1571 = vector.broadcast %min3A_1570 : i32 to vector<16xi32>
      %min3A_1572 = arith.minsi %max3A_1569, %min3A_1571 : vector<16xi32>
      %add3A_1573 = arith.addi %add3A_1563, %min3A_1572 : vector<16xi32>
      %mul3A_1574 = arith.constant 8 : i32
      %mul3A_1575 = arith.muli %scan3A_10, %mul3A_1574 : i32
      %add3A_1576 = arith.constant 3 : i32
      %add3A_1577 = arith.addi %mul3A_1575, %add3A_1576 : i32
      %mul3A_1578 = arith.constant 50 : i32
      %mul3A_1579 = arith.muli %add3A_1577, %mul3A_1578 : i32
      %add3A_1580 = arith.constant 32 : i32
      %add3A_1581 = arith.addi %mul3A_1579, %add3A_1580 : i32
      %swap3A_1582 = arith.index_cast %add3A_1581 : i32 to index
      %swap3A_1583 = tpu.vector_load %arg5[%swap3A_1582] {strides = array<i32>} : memref<25600xi32, #tpu.memory_space<vmem>>, vector<16xi32>,
      %swap3A_1584 = vector.shape_cast %swap3A_1583 : vector<16xi32> to vector<16xi32>
      %swap3A_1585 = vector.shape_cast %add3A_1573 : vector<16xi32> to vector<16xi32>
      tpu.vector_store %arg5[%swap3A_1582], %swap3A_1585 {strides = array<i32>} : memref<25600xi32, #tpu.memory_space<vmem>>, vector<16xi32>,
      %mul3A_1586 = arith.constant 8 : i32
      %mul3A_1587 = arith.muli %scan3A_10, %mul3A_1586 : i32
      %add3A_1588 = arith.constant 3 : i32
      %add3A_1589 = arith.addi %mul3A_1587, %add3A_1588 : i32
      %get3A_1590 = arith.index_cast %add3A_1589 : i32 to index
      %get3A_1591 = arith.constant 34 : index
      %get3A_1592 = tpu.vector_load %arg4[%get3A_1590, %get3A_1591] {strides = array<i32>} : memref<512x50xi32, #tpu.memory_space<vmem>>, vector<1x16xi32>,
      %get3A_1593 = vector.shape_cast %get3A_1592 : vector<1x16xi32> to vector<16xi32>
      %sub3A_1594 = vector.broadcast %add3A_1273 : i32 to vector<16xi32>
      %sub3A_1595 = arith.subi %sub3A_1594, %get3A_1593 : vector<16xi32>
      %max3A_1596 = arith.constant 1 : i32
      %max3A_1597 = vector.broadcast %max3A_1596 : i32 to vector<16xi32>
      %max3A_1598 = arith.maxsi %sub3A_1595, %max3A_1597 : vector<16xi32>
      %sub3A_1599 = arith.constant 1 : i32
      %sub3A_1600 = vector.broadcast %sub3A_1599 : i32 to vector<16xi32>
      %sub3A_1601 = arith.subi %max3A_1598, %sub3A_1600 : vector<16xi32>
      %max3A_1602 = arith.constant 0 : i32
      %max3A_1603 = vector.broadcast %max3A_1602 : i32 to vector<16xi32>
      %max3A_1604 = arith.maxsi %sub3A_1601, %max3A_1603 : vector<16xi32>
      %min3A_1605 = arith.constant 1 : i32
      %min3A_1606 = vector.broadcast %min3A_1605 : i32 to vector<16xi32>
      %min3A_1607 = arith.minsi %max3A_1604, %min3A_1606 : vector<16xi32>
      %sub3A_1608 = arith.constant 2 : i32
      %sub3A_1609 = vector.broadcast %sub3A_1608 : i32 to vector<16xi32>
      %sub3A_1610 = arith.subi %max3A_1598, %sub3A_1609 : vector<16xi32>
      %max3A_1611 = arith.constant 0 : i32
      %max3A_1612 = vector.broadcast %max3A_1611 : i32 to vector<16xi32>
      %max3A_1613 = arith.maxsi %sub3A_1610, %max3A_1612 : vector<16xi32>
      %min3A_1614 = arith.constant 1 : i32
      %min3A_1615 = vector.broadcast %min3A_1614 : i32 to vector<16xi32>
      %min3A_1616 = arith.minsi %max3A_1613, %min3A_1615 : vector<16xi32>
      %add3A_1617 = arith.addi %min3A_1607, %min3A_1616 : vector<16xi32>
      %sub3A_1618 = arith.constant 3 : i32
      %sub3A_1619 = vector.broadcast %sub3A_1618 : i32 to vector<16xi32>
      %sub3A_1620 = arith.subi %max3A_1598, %sub3A_1619 : vector<16xi32>
      %max3A_1621 = arith.constant 0 : i32
      %max3A_1622 = vector.broadcast %max3A_1621 : i32 to vector<16xi32>
      %max3A_1623 = arith.maxsi %sub3A_1620, %max3A_1622 : vector<16xi32>
      %min3A_1624 = arith.constant 1 : i32
      %min3A_1625 = vector.broadcast %min3A_1624 : i32 to vector<16xi32>
      %min3A_1626 = arith.minsi %max3A_1623, %min3A_1625 : vector<16xi32>
      %add3A_1627 = arith.addi %add3A_1617, %min3A_1626 : vector<16xi32>
      %sub3A_1628 = arith.constant 4 : i32
      %sub3A_1629 = vector.broadcast %sub3A_1628 : i32 to vector<16xi32>
      %sub3A_1630 = arith.subi %max3A_1598, %sub3A_1629 : vector<16xi32>
      %max3A_1631 = arith.constant 0 : i32
      %max3A_1632 = vector.broadcast %max3A_1631 : i32 to vector<16xi32>
      %max3A_1633 = arith.maxsi %sub3A_1630, %max3A_1632 : vector<16xi32>
      %min3A_1634 = arith.constant 1 : i32
      %min3A_1635 = vector.broadcast %min3A_1634 : i32 to vector<16xi32>
      %min3A_1636 = arith.minsi %max3A_1633, %min3A_1635 : vector<16xi32>
      %add3A_1637 = arith.addi %add3A_1627, %min3A_1636 : vector<16xi32>
      %sub3A_1638 = arith.constant 7 : i32
      %sub3A_1639 = vector.broadcast %sub3A_1638 : i32 to vector<16xi32>
      %sub3A_1640 = arith.subi %max3A_1598, %sub3A_1639 : vector<16xi32>
      %max3A_1641 = arith.constant 0 : i32
      %max3A_1642 = vector.broadcast %max3A_1641 : i32 to vector<16xi32>
      %max3A_1643 = arith.maxsi %sub3A_1640, %max3A_1642 : vector<16xi32>
      %min3A_1644 = arith.constant 1 : i32
      %min3A_1645 = vector.broadcast %min3A_1644 : i32 to vector<16xi32>
      %min3A_1646 = arith.minsi %max3A_1643, %min3A_1645 : vector<16xi32>
      %add3A_1647 = arith.addi %add3A_1637, %min3A_1646 : vector<16xi32>
      %sub3A_1648 = arith.constant 15 : i32
      %sub3A_1649 = vector.broadcast %sub3A_1648 : i32 to vector<16xi32>
      %sub3A_1650 = arith.subi %max3A_1598, %sub3A_1649 : vector<16xi32>
      %max3A_1651 = arith.constant 0 : i32
      %max3A_1652 = vector.broadcast %max3A_1651 : i32 to vector<16xi32>
      %max3A_1653 = arith.maxsi %sub3A_1650, %max3A_1652 : vector<16xi32>
      %min3A_1654 = arith.constant 1 : i32
      %min3A_1655 = vector.broadcast %min3A_1654 : i32 to vector<16xi32>
      %min3A_1656 = arith.minsi %max3A_1653, %min3A_1655 : vector<16xi32>
      %add3A_1657 = arith.addi %add3A_1647, %min3A_1656 : vector<16xi32>
      %sub3A_1658 = arith.constant 31 : i32
      %sub3A_1659 = vector.broadcast %sub3A_1658 : i32 to vector<16xi32>
      %sub3A_1660 = arith.subi %max3A_1598, %sub3A_1659 : vector<16xi32>
      %max3A_1661 = arith.constant 0 : i32
      %max3A_1662 = vector.broadcast %max3A_1661 : i32 to vector<16xi32>
      %max3A_1663 = arith.maxsi %sub3A_1660, %max3A_1662 : vector<16xi32>
      %min3A_1664 = arith.constant 1 : i32
      %min3A_1665 = vector.broadcast %min3A_1664 : i32 to vector<16xi32>
      %min3A_1666 = arith.minsi %max3A_1663, %min3A_1665 : vector<16xi32>
      %add3A_1667 = arith.addi %add3A_1657, %min3A_1666 : vector<16xi32>
      %sub3A_1668 = arith.constant 63 : i32
      %sub3A_1669 = vector.broadcast %sub3A_1668 : i32 to vector<16xi32>
      %sub3A_1670 = arith.subi %max3A_1598, %sub3A_1669 : vector<16xi32>
      %max3A_1671 = arith.constant 0 : i32
      %max3A_1672 = vector.broadcast %max3A_1671 : i32 to vector<16xi32>
      %max3A_1673 = arith.maxsi %sub3A_1670, %max3A_1672 : vector<16xi32>
      %min3A_1674 = arith.constant 1 : i32
      %min3A_1675 = vector.broadcast %min3A_1674 : i32 to vector<16xi32>
      %min3A_1676 = arith.minsi %max3A_1673, %min3A_1675 : vector<16xi32>
      %add3A_1677 = arith.addi %add3A_1667, %min3A_1676 : vector<16xi32>
      %mul3A_1678 = arith.constant 8 : i32
      %mul3A_1679 = arith.muli %scan3A_10, %mul3A_1678 : i32
      %add3A_1680 = arith.constant 3 : i32
      %add3A_1681 = arith.addi %mul3A_1679, %add3A_1680 : i32
      %mul3A_1682 = arith.constant 50 : i32
      %mul3A_1683 = arith.muli %add3A_1681, %mul3A_1682 : i32
      %add3A_1684 = arith.constant 34 : i32
      %add3A_1685 = arith.addi %mul3A_1683, %add3A_1684 : i32
      %swap3A_1686 = arith.index_cast %add3A_1685 : i32 to index
      %swap3A_1687 = tpu.vector_load %arg5[%swap3A_1686] {strides = array<i32>} : memref<25600xi32, #tpu.memory_space<vmem>>, vector<16xi32>,
      %swap3A_1688 = vector.shape_cast %swap3A_1687 : vector<16xi32> to vector<16xi32>
      %swap3A_1689 = vector.shape_cast %add3A_1677 : vector<16xi32> to vector<16xi32>
      tpu.vector_store %arg5[%swap3A_1686], %swap3A_1689 {strides = array<i32>} : memref<25600xi32, #tpu.memory_space<vmem>>, vector<16xi32>,
      %mul3A_1690 = arith.constant 8 : i32
      %mul3A_1691 = arith.muli %scan3A_10, %mul3A_1690 : i32
      %add3A_1692 = arith.addi %mul3A_2, %mul3A_1691 : i32
      %add3A_1693 = arith.constant 4 : i32
      %add3A_1694 = arith.addi %add3A_1692, %add3A_1693 : i32
      %mul3A_1695 = arith.constant 8 : i32
      %mul3A_1696 = arith.muli %scan3A_10, %mul3A_1695 : i32
      %add3A_1697 = arith.constant 4 : i32
      %add3A_1698 = arith.addi %mul3A_1696, %add3A_1697 : i32
      %get3A_1699 = arith.index_cast %add3A_1698 : i32 to index
      %get3A_1700 = arith.constant 0 : index
      %get3A_1701 = tpu.vector_load %arg4[%get3A_1699, %get3A_1700] {strides = array<i32>} : memref<512x50xi32, #tpu.memory_space<vmem>>, vector<1x16xi32>,
      %get3A_1702 = vector.shape_cast %get3A_1701 : vector<1x16xi32> to vector<16xi32>
      %sub3A_1703 = vector.broadcast %add3A_1694 : i32 to vector<16xi32>
      %sub3A_1704 = arith.subi %sub3A_1703, %get3A_1702 : vector<16xi32>
      %max3A_1705 = arith.constant 1 : i32
      %max3A_1706 = vector.broadcast %max3A_1705 : i32 to vector<16xi32>
      %max3A_1707 = arith.maxsi %sub3A_1704, %max3A_1706 : vector<16xi32>
      %sub3A_1708 = arith.constant 1 : i32
      %sub3A_1709 = vector.broadcast %sub3A_1708 : i32 to vector<16xi32>
      %sub3A_1710 = arith.subi %max3A_1707, %sub3A_1709 : vector<16xi32>
      %max3A_1711 = arith.constant 0 : i32
      %max3A_1712 = vector.broadcast %max3A_1711 : i32 to vector<16xi32>
      %max3A_1713 = arith.maxsi %sub3A_1710, %max3A_1712 : vector<16xi32>
      %min3A_1714 = arith.constant 1 : i32
      %min3A_1715 = vector.broadcast %min3A_1714 : i32 to vector<16xi32>
      %min3A_1716 = arith.minsi %max3A_1713, %min3A_1715 : vector<16xi32>
      %sub3A_1717 = arith.constant 2 : i32
      %sub3A_1718 = vector.broadcast %sub3A_1717 : i32 to vector<16xi32>
      %sub3A_1719 = arith.subi %max3A_1707, %sub3A_1718 : vector<16xi32>
      %max3A_1720 = arith.constant 0 : i32
      %max3A_1721 = vector.broadcast %max3A_1720 : i32 to vector<16xi32>
      %max3A_1722 = arith.maxsi %sub3A_1719, %max3A_1721 : vector<16xi32>
      %min3A_1723 = arith.constant 1 : i32
      %min3A_1724 = vector.broadcast %min3A_1723 : i32 to vector<16xi32>
      %min3A_1725 = arith.minsi %max3A_1722, %min3A_1724 : vector<16xi32>
      %add3A_1726 = arith.addi %min3A_1716, %min3A_1725 : vector<16xi32>
      %sub3A_1727 = arith.constant 3 : i32
      %sub3A_1728 = vector.broadcast %sub3A_1727 : i32 to vector<16xi32>
      %sub3A_1729 = arith.subi %max3A_1707, %sub3A_1728 : vector<16xi32>
      %max3A_1730 = arith.constant 0 : i32
      %max3A_1731 = vector.broadcast %max3A_1730 : i32 to vector<16xi32>
      %max3A_1732 = arith.maxsi %sub3A_1729, %max3A_1731 : vector<16xi32>
      %min3A_1733 = arith.constant 1 : i32
      %min3A_1734 = vector.broadcast %min3A_1733 : i32 to vector<16xi32>
      %min3A_1735 = arith.minsi %max3A_1732, %min3A_1734 : vector<16xi32>
      %add3A_1736 = arith.addi %add3A_1726, %min3A_1735 : vector<16xi32>
      %sub3A_1737 = arith.constant 4 : i32
      %sub3A_1738 = vector.broadcast %sub3A_1737 : i32 to vector<16xi32>
      %sub3A_1739 = arith.subi %max3A_1707, %sub3A_1738 : vector<16xi32>
      %max3A_1740 = arith.constant 0 : i32
      %max3A_1741 = vector.broadcast %max3A_1740 : i32 to vector<16xi32>
      %max3A_1742 = arith.maxsi %sub3A_1739, %max3A_1741 : vector<16xi32>
      %min3A_1743 = arith.constant 1 : i32
      %min3A_1744 = vector.broadcast %min3A_1743 : i32 to vector<16xi32>
      %min3A_1745 = arith.minsi %max3A_1742, %min3A_1744 : vector<16xi32>
      %add3A_1746 = arith.addi %add3A_1736, %min3A_1745 : vector<16xi32>
      %sub3A_1747 = arith.constant 7 : i32
      %sub3A_1748 = vector.broadcast %sub3A_1747 : i32 to vector<16xi32>
      %sub3A_1749 = arith.subi %max3A_1707, %sub3A_1748 : vector<16xi32>
      %max3A_1750 = arith.constant 0 : i32
      %max3A_1751 = vector.broadcast %max3A_1750 : i32 to vector<16xi32>
      %max3A_1752 = arith.maxsi %sub3A_1749, %max3A_1751 : vector<16xi32>
      %min3A_1753 = arith.constant 1 : i32
      %min3A_1754 = vector.broadcast %min3A_1753 : i32 to vector<16xi32>
      %min3A_1755 = arith.minsi %max3A_1752, %min3A_1754 : vector<16xi32>
      %add3A_1756 = arith.addi %add3A_1746, %min3A_1755 : vector<16xi32>
      %sub3A_1757 = arith.constant 15 : i32
      %sub3A_1758 = vector.broadcast %sub3A_1757 : i32 to vector<16xi32>
      %sub3A_1759 = arith.subi %max3A_1707, %sub3A_1758 : vector<16xi32>
      %max3A_1760 = arith.constant 0 : i32
      %max3A_1761 = vector.broadcast %max3A_1760 : i32 to vector<16xi32>
      %max3A_1762 = arith.maxsi %sub3A_1759, %max3A_1761 : vector<16xi32>
      %min3A_1763 = arith.constant 1 : i32
      %min3A_1764 = vector.broadcast %min3A_1763 : i32 to vector<16xi32>
      %min3A_1765 = arith.minsi %max3A_1762, %min3A_1764 : vector<16xi32>
      %add3A_1766 = arith.addi %add3A_1756, %min3A_1765 : vector<16xi32>
      %sub3A_1767 = arith.constant 31 : i32
      %sub3A_1768 = vector.broadcast %sub3A_1767 : i32 to vector<16xi32>
      %sub3A_1769 = arith.subi %max3A_1707, %sub3A_1768 : vector<16xi32>
      %max3A_1770 = arith.constant 0 : i32
      %max3A_1771 = vector.broadcast %max3A_1770 : i32 to vector<16xi32>
      %max3A_1772 = arith.maxsi %sub3A_1769, %max3A_1771 : vector<16xi32>
      %min3A_1773 = arith.constant 1 : i32
      %min3A_1774 = vector.broadcast %min3A_1773 : i32 to vector<16xi32>
      %min3A_1775 = arith.minsi %max3A_1772, %min3A_1774 : vector<16xi32>
      %add3A_1776 = arith.addi %add3A_1766, %min3A_1775 : vector<16xi32>
      %sub3A_1777 = arith.constant 63 : i32
      %sub3A_1778 = vector.broadcast %sub3A_1777 : i32 to vector<16xi32>
      %sub3A_1779 = arith.subi %max3A_1707, %sub3A_1778 : vector<16xi32>
      %max3A_1780 = arith.constant 0 : i32
      %max3A_1781 = vector.broadcast %max3A_1780 : i32 to vector<16xi32>
      %max3A_1782 = arith.maxsi %sub3A_1779, %max3A_1781 : vector<16xi32>
      %min3A_1783 = arith.constant 1 : i32
      %min3A_1784 = vector.broadcast %min3A_1783 : i32 to vector<16xi32>
      %min3A_1785 = arith.minsi %max3A_1782, %min3A_1784 : vector<16xi32>
      %add3A_1786 = arith.addi %add3A_1776, %min3A_1785 : vector<16xi32>
      %mul3A_1787 = arith.constant 8 : i32
      %mul3A_1788 = arith.muli %scan3A_10, %mul3A_1787 : i32
      %add3A_1789 = arith.constant 4 : i32
      %add3A_1790 = arith.addi %mul3A_1788, %add3A_1789 : i32
      %mul3A_1791 = arith.constant 50 : i32
      %mul3A_1792 = arith.muli %add3A_1790, %mul3A_1791 : i32
      %add3A_1793 = arith.constant 0 : i32
      %add3A_1794 = arith.addi %mul3A_1792, %add3A_1793 : i32
      %swap3A_1795 = arith.index_cast %add3A_1794 : i32 to index
      %swap3A_1796 = tpu.vector_load %arg5[%swap3A_1795] {strides = array<i32>} : memref<25600xi32, #tpu.memory_space<vmem>>, vector<16xi32>,
      %swap3A_1797 = vector.shape_cast %swap3A_1796 : vector<16xi32> to vector<16xi32>
      %swap3A_1798 = vector.shape_cast %add3A_1786 : vector<16xi32> to vector<16xi32>
      tpu.vector_store %arg5[%swap3A_1795], %swap3A_1798 {strides = array<i32>} : memref<25600xi32, #tpu.memory_space<vmem>>, vector<16xi32>,
      %mul3A_1799 = arith.constant 8 : i32
      %mul3A_1800 = arith.muli %scan3A_10, %mul3A_1799 : i32
      %add3A_1801 = arith.constant 4 : i32
      %add3A_1802 = arith.addi %mul3A_1800, %add3A_1801 : i32
      %get3A_1803 = arith.index_cast %add3A_1802 : i32 to index
      %get3A_1804 = arith.constant 16 : index
      %get3A_1805 = tpu.vector_load %arg4[%get3A_1803, %get3A_1804] {strides = array<i32>} : memref<512x50xi32, #tpu.memory_space<vmem>>, vector<1x16xi32>,
      %get3A_1806 = vector.shape_cast %get3A_1805 : vector<1x16xi32> to vector<16xi32>
      %sub3A_1807 = vector.broadcast %add3A_1694 : i32 to vector<16xi32>
      %sub3A_1808 = arith.subi %sub3A_1807, %get3A_1806 : vector<16xi32>
      %max3A_1809 = arith.constant 1 : i32
      %max3A_1810 = vector.broadcast %max3A_1809 : i32 to vector<16xi32>
      %max3A_1811 = arith.maxsi %sub3A_1808, %max3A_1810 : vector<16xi32>
      %sub3A_1812 = arith.constant 1 : i32
      %sub3A_1813 = vector.broadcast %sub3A_1812 : i32 to vector<16xi32>
      %sub3A_1814 = arith.subi %max3A_1811, %sub3A_1813 : vector<16xi32>
      %max3A_1815 = arith.constant 0 : i32
      %max3A_1816 = vector.broadcast %max3A_1815 : i32 to vector<16xi32>
      %max3A_1817 = arith.maxsi %sub3A_1814, %max3A_1816 : vector<16xi32>
      %min3A_1818 = arith.constant 1 : i32
      %min3A_1819 = vector.broadcast %min3A_1818 : i32 to vector<16xi32>
      %min3A_1820 = arith.minsi %max3A_1817, %min3A_1819 : vector<16xi32>
      %sub3A_1821 = arith.constant 2 : i32
      %sub3A_1822 = vector.broadcast %sub3A_1821 : i32 to vector<16xi32>
      %sub3A_1823 = arith.subi %max3A_1811, %sub3A_1822 : vector<16xi32>
      %max3A_1824 = arith.constant 0 : i32
      %max3A_1825 = vector.broadcast %max3A_1824 : i32 to vector<16xi32>
      %max3A_1826 = arith.maxsi %sub3A_1823, %max3A_1825 : vector<16xi32>
      %min3A_1827 = arith.constant 1 : i32
      %min3A_1828 = vector.broadcast %min3A_1827 : i32 to vector<16xi32>
      %min3A_1829 = arith.minsi %max3A_1826, %min3A_1828 : vector<16xi32>
      %add3A_1830 = arith.addi %min3A_1820, %min3A_1829 : vector<16xi32>
      %sub3A_1831 = arith.constant 3 : i32
      %sub3A_1832 = vector.broadcast %sub3A_1831 : i32 to vector<16xi32>
      %sub3A_1833 = arith.subi %max3A_1811, %sub3A_1832 : vector<16xi32>
      %max3A_1834 = arith.constant 0 : i32
      %max3A_1835 = vector.broadcast %max3A_1834 : i32 to vector<16xi32>
      %max3A_1836 = arith.maxsi %sub3A_1833, %max3A_1835 : vector<16xi32>
      %min3A_1837 = arith.constant 1 : i32
      %min3A_1838 = vector.broadcast %min3A_1837 : i32 to vector<16xi32>
      %min3A_1839 = arith.minsi %max3A_1836, %min3A_1838 : vector<16xi32>
      %add3A_1840 = arith.addi %add3A_1830, %min3A_1839 : vector<16xi32>
      %sub3A_1841 = arith.constant 4 : i32
      %sub3A_1842 = vector.broadcast %sub3A_1841 : i32 to vector<16xi32>
      %sub3A_1843 = arith.subi %max3A_1811, %sub3A_1842 : vector<16xi32>
      %max3A_1844 = arith.constant 0 : i32
      %max3A_1845 = vector.broadcast %max3A_1844 : i32 to vector<16xi32>
      %max3A_1846 = arith.maxsi %sub3A_1843, %max3A_1845 : vector<16xi32>
      %min3A_1847 = arith.constant 1 : i32
      %min3A_1848 = vector.broadcast %min3A_1847 : i32 to vector<16xi32>
      %min3A_1849 = arith.minsi %max3A_1846, %min3A_1848 : vector<16xi32>
      %add3A_1850 = arith.addi %add3A_1840, %min3A_1849 : vector<16xi32>
      %sub3A_1851 = arith.constant 7 : i32
      %sub3A_1852 = vector.broadcast %sub3A_1851 : i32 to vector<16xi32>
      %sub3A_1853 = arith.subi %max3A_1811, %sub3A_1852 : vector<16xi32>
      %max3A_1854 = arith.constant 0 : i32
      %max3A_1855 = vector.broadcast %max3A_1854 : i32 to vector<16xi32>
      %max3A_1856 = arith.maxsi %sub3A_1853, %max3A_1855 : vector<16xi32>
      %min3A_1857 = arith.constant 1 : i32
      %min3A_1858 = vector.broadcast %min3A_1857 : i32 to vector<16xi32>
      %min3A_1859 = arith.minsi %max3A_1856, %min3A_1858 : vector<16xi32>
      %add3A_1860 = arith.addi %add3A_1850, %min3A_1859 : vector<16xi32>
      %sub3A_1861 = arith.constant 15 : i32
      %sub3A_1862 = vector.broadcast %sub3A_1861 : i32 to vector<16xi32>
      %sub3A_1863 = arith.subi %max3A_1811, %sub3A_1862 : vector<16xi32>
      %max3A_1864 = arith.constant 0 : i32
      %max3A_1865 = vector.broadcast %max3A_1864 : i32 to vector<16xi32>
      %max3A_1866 = arith.maxsi %sub3A_1863, %max3A_1865 : vector<16xi32>
      %min3A_1867 = arith.constant 1 : i32
      %min3A_1868 = vector.broadcast %min3A_1867 : i32 to vector<16xi32>
      %min3A_1869 = arith.minsi %max3A_1866, %min3A_1868 : vector<16xi32>
      %add3A_1870 = arith.addi %add3A_1860, %min3A_1869 : vector<16xi32>
      %sub3A_1871 = arith.constant 31 : i32
      %sub3A_1872 = vector.broadcast %sub3A_1871 : i32 to vector<16xi32>
      %sub3A_1873 = arith.subi %max3A_1811, %sub3A_1872 : vector<16xi32>
      %max3A_1874 = arith.constant 0 : i32
      %max3A_1875 = vector.broadcast %max3A_1874 : i32 to vector<16xi32>
      %max3A_1876 = arith.maxsi %sub3A_1873, %max3A_1875 : vector<16xi32>
      %min3A_1877 = arith.constant 1 : i32
      %min3A_1878 = vector.broadcast %min3A_1877 : i32 to vector<16xi32>
      %min3A_1879 = arith.minsi %max3A_1876, %min3A_1878 : vector<16xi32>
      %add3A_1880 = arith.addi %add3A_1870, %min3A_1879 : vector<16xi32>
      %sub3A_1881 = arith.constant 63 : i32
      %sub3A_1882 = vector.broadcast %sub3A_1881 : i32 to vector<16xi32>
      %sub3A_1883 = arith.subi %max3A_1811, %sub3A_1882 : vector<16xi32>
      %max3A_1884 = arith.constant 0 : i32
      %max3A_1885 = vector.broadcast %max3A_1884 : i32 to vector<16xi32>
      %max3A_1886 = arith.maxsi %sub3A_1883, %max3A_1885 : vector<16xi32>
      %min3A_1887 = arith.constant 1 : i32
      %min3A_1888 = vector.broadcast %min3A_1887 : i32 to vector<16xi32>
      %min3A_1889 = arith.minsi %max3A_1886, %min3A_1888 : vector<16xi32>
      %add3A_1890 = arith.addi %add3A_1880, %min3A_1889 : vector<16xi32>
      %mul3A_1891 = arith.constant 8 : i32
      %mul3A_1892 = arith.muli %scan3A_10, %mul3A_1891 : i32
      %add3A_1893 = arith.constant 4 : i32
      %add3A_1894 = arith.addi %mul3A_1892, %add3A_1893 : i32
      %mul3A_1895 = arith.constant 50 : i32
      %mul3A_1896 = arith.muli %add3A_1894, %mul3A_1895 : i32
      %add3A_1897 = arith.constant 16 : i32
      %add3A_1898 = arith.addi %mul3A_1896, %add3A_1897 : i32
      %swap3A_1899 = arith.index_cast %add3A_1898 : i32 to index
      %swap3A_1900 = tpu.vector_load %arg5[%swap3A_1899] {strides = array<i32>} : memref<25600xi32, #tpu.memory_space<vmem>>, vector<16xi32>,
      %swap3A_1901 = vector.shape_cast %swap3A_1900 : vector<16xi32> to vector<16xi32>
      %swap3A_1902 = vector.shape_cast %add3A_1890 : vector<16xi32> to vector<16xi32>
      tpu.vector_store %arg5[%swap3A_1899], %swap3A_1902 {strides = array<i32>} : memref<25600xi32, #tpu.memory_space<vmem>>, vector<16xi32>,
      %mul3A_1903 = arith.constant 8 : i32
      %mul3A_1904 = arith.muli %scan3A_10, %mul3A_1903 : i32
      %add3A_1905 = arith.constant 4 : i32
      %add3A_1906 = arith.addi %mul3A_1904, %add3A_1905 : i32
      %get3A_1907 = arith.index_cast %add3A_1906 : i32 to index
      %get3A_1908 = arith.constant 32 : index
      %get3A_1909 = tpu.vector_load %arg4[%get3A_1907, %get3A_1908] {strides = array<i32>} : memref<512x50xi32, #tpu.memory_space<vmem>>, vector<1x16xi32>,
      %get3A_1910 = vector.shape_cast %get3A_1909 : vector<1x16xi32> to vector<16xi32>
      %sub3A_1911 = vector.broadcast %add3A_1694 : i32 to vector<16xi32>
      %sub3A_1912 = arith.subi %sub3A_1911, %get3A_1910 : vector<16xi32>
      %max3A_1913 = arith.constant 1 : i32
      %max3A_1914 = vector.broadcast %max3A_1913 : i32 to vector<16xi32>
      %max3A_1915 = arith.maxsi %sub3A_1912, %max3A_1914 : vector<16xi32>
      %sub3A_1916 = arith.constant 1 : i32
      %sub3A_1917 = vector.broadcast %sub3A_1916 : i32 to vector<16xi32>
      %sub3A_1918 = arith.subi %max3A_1915, %sub3A_1917 : vector<16xi32>
      %max3A_1919 = arith.constant 0 : i32
      %max3A_1920 = vector.broadcast %max3A_1919 : i32 to vector<16xi32>
      %max3A_1921 = arith.maxsi %sub3A_1918, %max3A_1920 : vector<16xi32>
      %min3A_1922 = arith.constant 1 : i32
      %min3A_1923 = vector.broadcast %min3A_1922 : i32 to vector<16xi32>
      %min3A_1924 = arith.minsi %max3A_1921, %min3A_1923 : vector<16xi32>
      %sub3A_1925 = arith.constant 2 : i32
      %sub3A_1926 = vector.broadcast %sub3A_1925 : i32 to vector<16xi32>
      %sub3A_1927 = arith.subi %max3A_1915, %sub3A_1926 : vector<16xi32>
      %max3A_1928 = arith.constant 0 : i32
      %max3A_1929 = vector.broadcast %max3A_1928 : i32 to vector<16xi32>
      %max3A_1930 = arith.maxsi %sub3A_1927, %max3A_1929 : vector<16xi32>
      %min3A_1931 = arith.constant 1 : i32
      %min3A_1932 = vector.broadcast %min3A_1931 : i32 to vector<16xi32>
      %min3A_1933 = arith.minsi %max3A_1930, %min3A_1932 : vector<16xi32>
      %add3A_1934 = arith.addi %min3A_1924, %min3A_1933 : vector<16xi32>
      %sub3A_1935 = arith.constant 3 : i32
      %sub3A_1936 = vector.broadcast %sub3A_1935 : i32 to vector<16xi32>
      %sub3A_1937 = arith.subi %max3A_1915, %sub3A_1936 : vector<16xi32>
      %max3A_1938 = arith.constant 0 : i32
      %max3A_1939 = vector.broadcast %max3A_1938 : i32 to vector<16xi32>
      %max3A_1940 = arith.maxsi %sub3A_1937, %max3A_1939 : vector<16xi32>
      %min3A_1941 = arith.constant 1 : i32
      %min3A_1942 = vector.broadcast %min3A_1941 : i32 to vector<16xi32>
      %min3A_1943 = arith.minsi %max3A_1940, %min3A_1942 : vector<16xi32>
      %add3A_1944 = arith.addi %add3A_1934, %min3A_1943 : vector<16xi32>
      %sub3A_1945 = arith.constant 4 : i32
      %sub3A_1946 = vector.broadcast %sub3A_1945 : i32 to vector<16xi32>
      %sub3A_1947 = arith.subi %max3A_1915, %sub3A_1946 : vector<16xi32>
      %max3A_1948 = arith.constant 0 : i32
      %max3A_1949 = vector.broadcast %max3A_1948 : i32 to vector<16xi32>
      %max3A_1950 = arith.maxsi %sub3A_1947, %max3A_1949 : vector<16xi32>
      %min3A_1951 = arith.constant 1 : i32
      %min3A_1952 = vector.broadcast %min3A_1951 : i32 to vector<16xi32>
      %min3A_1953 = arith.minsi %max3A_1950, %min3A_1952 : vector<16xi32>
      %add3A_1954 = arith.addi %add3A_1944, %min3A_1953 : vector<16xi32>
      %sub3A_1955 = arith.constant 7 : i32
      %sub3A_1956 = vector.broadcast %sub3A_1955 : i32 to vector<16xi32>
      %sub3A_1957 = arith.subi %max3A_1915, %sub3A_1956 : vector<16xi32>
      %max3A_1958 = arith.constant 0 : i32
      %max3A_1959 = vector.broadcast %max3A_1958 : i32 to vector<16xi32>
      %max3A_1960 = arith.maxsi %sub3A_1957, %max3A_1959 : vector<16xi32>
      %min3A_1961 = arith.constant 1 : i32
      %min3A_1962 = vector.broadcast %min3A_1961 : i32 to vector<16xi32>
      %min3A_1963 = arith.minsi %max3A_1960, %min3A_1962 : vector<16xi32>
      %add3A_1964 = arith.addi %add3A_1954, %min3A_1963 : vector<16xi32>
      %sub3A_1965 = arith.constant 15 : i32
      %sub3A_1966 = vector.broadcast %sub3A_1965 : i32 to vector<16xi32>
      %sub3A_1967 = arith.subi %max3A_1915, %sub3A_1966 : vector<16xi32>
      %max3A_1968 = arith.constant 0 : i32
      %max3A_1969 = vector.broadcast %max3A_1968 : i32 to vector<16xi32>
      %max3A_1970 = arith.maxsi %sub3A_1967, %max3A_1969 : vector<16xi32>
      %min3A_1971 = arith.constant 1 : i32
      %min3A_1972 = vector.broadcast %min3A_1971 : i32 to vector<16xi32>
      %min3A_1973 = arith.minsi %max3A_1970, %min3A_1972 : vector<16xi32>
      %add3A_1974 = arith.addi %add3A_1964, %min3A_1973 : vector<16xi32>
      %sub3A_1975 = arith.constant 31 : i32
      %sub3A_1976 = vector.broadcast %sub3A_1975 : i32 to vector<16xi32>
      %sub3A_1977 = arith.subi %max3A_1915, %sub3A_1976 : vector<16xi32>
      %max3A_1978 = arith.constant 0 : i32
      %max3A_1979 = vector.broadcast %max3A_1978 : i32 to vector<16xi32>
      %max3A_1980 = arith.maxsi %sub3A_1977, %max3A_1979 : vector<16xi32>
      %min3A_1981 = arith.constant 1 : i32
      %min3A_1982 = vector.broadcast %min3A_1981 : i32 to vector<16xi32>
      %min3A_1983 = arith.minsi %max3A_1980, %min3A_1982 : vector<16xi32>
      %add3A_1984 = arith.addi %add3A_1974, %min3A_1983 : vector<16xi32>
      %sub3A_1985 = arith.constant 63 : i32
      %sub3A_1986 = vector.broadcast %sub3A_1985 : i32 to vector<16xi32>
      %sub3A_1987 = arith.subi %max3A_1915, %sub3A_1986 : vector<16xi32>
      %max3A_1988 = arith.constant 0 : i32
      %max3A_1989 = vector.broadcast %max3A_1988 : i32 to vector<16xi32>
      %max3A_1990 = arith.maxsi %sub3A_1987, %max3A_1989 : vector<16xi32>
      %min3A_1991 = arith.constant 1 : i32
      %min3A_1992 = vector.broadcast %min3A_1991 : i32 to vector<16xi32>
      %min3A_1993 = arith.minsi %max3A_1990, %min3A_1992 : vector<16xi32>
      %add3A_1994 = arith.addi %add3A_1984, %min3A_1993 : vector<16xi32>
      %mul3A_1995 = arith.constant 8 : i32
      %mul3A_1996 = arith.muli %scan3A_10, %mul3A_1995 : i32
      %add3A_1997 = arith.constant 4 : i32
      %add3A_1998 = arith.addi %mul3A_1996, %add3A_1997 : i32
      %mul3A_1999 = arith.constant 50 : i32
      %mul3A_2000 = arith.muli %add3A_1998, %mul3A_1999 : i32
      %add3A_2001 = arith.constant 32 : i32
      %add3A_2002 = arith.addi %mul3A_2000, %add3A_2001 : i32
      %swap3A_2003 = arith.index_cast %add3A_2002 : i32 to index
      %swap3A_2004 = tpu.vector_load %arg5[%swap3A_2003] {strides = array<i32>} : memref<25600xi32, #tpu.memory_space<vmem>>, vector<16xi32>,
      %swap3A_2005 = vector.shape_cast %swap3A_2004 : vector<16xi32> to vector<16xi32>
      %swap3A_2006 = vector.shape_cast %add3A_1994 : vector<16xi32> to vector<16xi32>
      tpu.vector_store %arg5[%swap3A_2003], %swap3A_2006 {strides = array<i32>} : memref<25600xi32, #tpu.memory_space<vmem>>, vector<16xi32>,
      %mul3A_2007 = arith.constant 8 : i32
      %mul3A_2008 = arith.muli %scan3A_10, %mul3A_2007 : i32
      %add3A_2009 = arith.constant 4 : i32
      %add3A_2010 = arith.addi %mul3A_2008, %add3A_2009 : i32
      %get3A_2011 = arith.index_cast %add3A_2010 : i32 to index
      %get3A_2012 = arith.constant 34 : index
      %get3A_2013 = tpu.vector_load %arg4[%get3A_2011, %get3A_2012] {strides = array<i32>} : memref<512x50xi32, #tpu.memory_space<vmem>>, vector<1x16xi32>,
      %get3A_2014 = vector.shape_cast %get3A_2013 : vector<1x16xi32> to vector<16xi32>
      %sub3A_2015 = vector.broadcast %add3A_1694 : i32 to vector<16xi32>
      %sub3A_2016 = arith.subi %sub3A_2015, %get3A_2014 : vector<16xi32>
      %max3A_2017 = arith.constant 1 : i32
      %max3A_2018 = vector.broadcast %max3A_2017 : i32 to vector<16xi32>
      %max3A_2019 = arith.maxsi %sub3A_2016, %max3A_2018 : vector<16xi32>
      %sub3A_2020 = arith.constant 1 : i32
      %sub3A_2021 = vector.broadcast %sub3A_2020 : i32 to vector<16xi32>
      %sub3A_2022 = arith.subi %max3A_2019, %sub3A_2021 : vector<16xi32>
      %max3A_2023 = arith.constant 0 : i32
      %max3A_2024 = vector.broadcast %max3A_2023 : i32 to vector<16xi32>
      %max3A_2025 = arith.maxsi %sub3A_2022, %max3A_2024 : vector<16xi32>
      %min3A_2026 = arith.constant 1 : i32
      %min3A_2027 = vector.broadcast %min3A_2026 : i32 to vector<16xi32>
      %min3A_2028 = arith.minsi %max3A_2025, %min3A_2027 : vector<16xi32>
      %sub3A_2029 = arith.constant 2 : i32
      %sub3A_2030 = vector.broadcast %sub3A_2029 : i32 to vector<16xi32>
      %sub3A_2031 = arith.subi %max3A_2019, %sub3A_2030 : vector<16xi32>
      %max3A_2032 = arith.constant 0 : i32
      %max3A_2033 = vector.broadcast %max3A_2032 : i32 to vector<16xi32>
      %max3A_2034 = arith.maxsi %sub3A_2031, %max3A_2033 : vector<16xi32>
      %min3A_2035 = arith.constant 1 : i32
      %min3A_2036 = vector.broadcast %min3A_2035 : i32 to vector<16xi32>
      %min3A_2037 = arith.minsi %max3A_2034, %min3A_2036 : vector<16xi32>
      %add3A_2038 = arith.addi %min3A_2028, %min3A_2037 : vector<16xi32>
      %sub3A_2039 = arith.constant 3 : i32
      %sub3A_2040 = vector.broadcast %sub3A_2039 : i32 to vector<16xi32>
      %sub3A_2041 = arith.subi %max3A_2019, %sub3A_2040 : vector<16xi32>
      %max3A_2042 = arith.constant 0 : i32
      %max3A_2043 = vector.broadcast %max3A_2042 : i32 to vector<16xi32>
      %max3A_2044 = arith.maxsi %sub3A_2041, %max3A_2043 : vector<16xi32>
      %min3A_2045 = arith.constant 1 : i32
      %min3A_2046 = vector.broadcast %min3A_2045 : i32 to vector<16xi32>
      %min3A_2047 = arith.minsi %max3A_2044, %min3A_2046 : vector<16xi32>
      %add3A_2048 = arith.addi %add3A_2038, %min3A_2047 : vector<16xi32>
      %sub3A_2049 = arith.constant 4 : i32
      %sub3A_2050 = vector.broadcast %sub3A_2049 : i32 to vector<16xi32>
      %sub3A_2051 = arith.subi %max3A_2019, %sub3A_2050 : vector<16xi32>
      %max3A_2052 = arith.constant 0 : i32
      %max3A_2053 = vector.broadcast %max3A_2052 : i32 to vector<16xi32>
      %max3A_2054 = arith.maxsi %sub3A_2051, %max3A_2053 : vector<16xi32>
      %min3A_2055 = arith.constant 1 : i32
      %min3A_2056 = vector.broadcast %min3A_2055 : i32 to vector<16xi32>
      %min3A_2057 = arith.minsi %max3A_2054, %min3A_2056 : vector<16xi32>
      %add3A_2058 = arith.addi %add3A_2048, %min3A_2057 : vector<16xi32>
      %sub3A_2059 = arith.constant 7 : i32
      %sub3A_2060 = vector.broadcast %sub3A_2059 : i32 to vector<16xi32>
      %sub3A_2061 = arith.subi %max3A_2019, %sub3A_2060 : vector<16xi32>
      %max3A_2062 = arith.constant 0 : i32
      %max3A_2063 = vector.broadcast %max3A_2062 : i32 to vector<16xi32>
      %max3A_2064 = arith.maxsi %sub3A_2061, %max3A_2063 : vector<16xi32>
      %min3A_2065 = arith.constant 1 : i32
      %min3A_2066 = vector.broadcast %min3A_2065 : i32 to vector<16xi32>
      %min3A_2067 = arith.minsi %max3A_2064, %min3A_2066 : vector<16xi32>
      %add3A_2068 = arith.addi %add3A_2058, %min3A_2067 : vector<16xi32>
      %sub3A_2069 = arith.constant 15 : i32
      %sub3A_2070 = vector.broadcast %sub3A_2069 : i32 to vector<16xi32>
      %sub3A_2071 = arith.subi %max3A_2019, %sub3A_2070 : vector<16xi32>
      %max3A_2072 = arith.constant 0 : i32
      %max3A_2073 = vector.broadcast %max3A_2072 : i32 to vector<16xi32>
      %max3A_2074 = arith.maxsi %sub3A_2071, %max3A_2073 : vector<16xi32>
      %min3A_2075 = arith.constant 1 : i32
      %min3A_2076 = vector.broadcast %min3A_2075 : i32 to vector<16xi32>
      %min3A_2077 = arith.minsi %max3A_2074, %min3A_2076 : vector<16xi32>
      %add3A_2078 = arith.addi %add3A_2068, %min3A_2077 : vector<16xi32>
      %sub3A_2079 = arith.constant 31 : i32
      %sub3A_2080 = vector.broadcast %sub3A_2079 : i32 to vector<16xi32>
      %sub3A_2081 = arith.subi %max3A_2019, %sub3A_2080 : vector<16xi32>
      %max3A_2082 = arith.constant 0 : i32
      %max3A_2083 = vector.broadcast %max3A_2082 : i32 to vector<16xi32>
      %max3A_2084 = arith.maxsi %sub3A_2081, %max3A_2083 : vector<16xi32>
      %min3A_2085 = arith.constant 1 : i32
      %min3A_2086 = vector.broadcast %min3A_2085 : i32 to vector<16xi32>
      %min3A_2087 = arith.minsi %max3A_2084, %min3A_2086 : vector<16xi32>
      %add3A_2088 = arith.addi %add3A_2078, %min3A_2087 : vector<16xi32>
      %sub3A_2089 = arith.constant 63 : i32
      %sub3A_2090 = vector.broadcast %sub3A_2089 : i32 to vector<16xi32>
      %sub3A_2091 = arith.subi %max3A_2019, %sub3A_2090 : vector<16xi32>
      %max3A_2092 = arith.constant 0 : i32
      %max3A_2093 = vector.broadcast %max3A_2092 : i32 to vector<16xi32>
      %max3A_2094 = arith.maxsi %sub3A_2091, %max3A_2093 : vector<16xi32>
      %min3A_2095 = arith.constant 1 : i32
      %min3A_2096 = vector.broadcast %min3A_2095 : i32 to vector<16xi32>
      %min3A_2097 = arith.minsi %max3A_2094, %min3A_2096 : vector<16xi32>
      %add3A_2098 = arith.addi %add3A_2088, %min3A_2097 : vector<16xi32>
      %mul3A_2099 = arith.constant 8 : i32
      %mul3A_2100 = arith.muli %scan3A_10, %mul3A_2099 : i32
      %add3A_2101 = arith.constant 4 : i32
      %add3A_2102 = arith.addi %mul3A_2100, %add3A_2101 : i32
      %mul3A_2103 = arith.constant 50 : i32
      %mul3A_2104 = arith.muli %add3A_2102, %mul3A_2103 : i32
      %add3A_2105 = arith.constant 34 : i32
      %add3A_2106 = arith.addi %mul3A_2104, %add3A_2105 : i32
      %swap3A_2107 = arith.index_cast %add3A_2106 : i32 to index
      %swap3A_2108 = tpu.vector_load %arg5[%swap3A_2107] {strides = array<i32>} : memref<25600xi32, #tpu.memory_space<vmem>>, vector<16xi32>,
      %swap3A_2109 = vector.shape_cast %swap3A_2108 : vector<16xi32> to vector<16xi32>
      %swap3A_2110 = vector.shape_cast %add3A_2098 : vector<16xi32> to vector<16xi32>
      tpu.vector_store %arg5[%swap3A_2107], %swap3A_2110 {strides = array<i32>} : memref<25600xi32, #tpu.memory_space<vmem>>, vector<16xi32>,
      %mul3A_2111 = arith.constant 8 : i32
      %mul3A_2112 = arith.muli %scan3A_10, %mul3A_2111 : i32
      %add3A_2113 = arith.addi %mul3A_2, %mul3A_2112 : i32
      %add3A_2114 = arith.constant 5 : i32
      %add3A_2115 = arith.addi %add3A_2113, %add3A_2114 : i32
      %mul3A_2116 = arith.constant 8 : i32
      %mul3A_2117 = arith.muli %scan3A_10, %mul3A_2116 : i32
      %add3A_2118 = arith.constant 5 : i32
      %add3A_2119 = arith.addi %mul3A_2117, %add3A_2118 : i32
      %get3A_2120 = arith.index_cast %add3A_2119 : i32 to index
      %get3A_2121 = arith.constant 0 : index
      %get3A_2122 = tpu.vector_load %arg4[%get3A_2120, %get3A_2121] {strides = array<i32>} : memref<512x50xi32, #tpu.memory_space<vmem>>, vector<1x16xi32>,
      %get3A_2123 = vector.shape_cast %get3A_2122 : vector<1x16xi32> to vector<16xi32>
      %sub3A_2124 = vector.broadcast %add3A_2115 : i32 to vector<16xi32>
      %sub3A_2125 = arith.subi %sub3A_2124, %get3A_2123 : vector<16xi32>
      %max3A_2126 = arith.constant 1 : i32
      %max3A_2127 = vector.broadcast %max3A_2126 : i32 to vector<16xi32>
      %max3A_2128 = arith.maxsi %sub3A_2125, %max3A_2127 : vector<16xi32>
      %sub3A_2129 = arith.constant 1 : i32
      %sub3A_2130 = vector.broadcast %sub3A_2129 : i32 to vector<16xi32>
      %sub3A_2131 = arith.subi %max3A_2128, %sub3A_2130 : vector<16xi32>
      %max3A_2132 = arith.constant 0 : i32
      %max3A_2133 = vector.broadcast %max3A_2132 : i32 to vector<16xi32>
      %max3A_2134 = arith.maxsi %sub3A_2131, %max3A_2133 : vector<16xi32>
      %min3A_2135 = arith.constant 1 : i32
      %min3A_2136 = vector.broadcast %min3A_2135 : i32 to vector<16xi32>
      %min3A_2137 = arith.minsi %max3A_2134, %min3A_2136 : vector<16xi32>
      %sub3A_2138 = arith.constant 2 : i32
      %sub3A_2139 = vector.broadcast %sub3A_2138 : i32 to vector<16xi32>
      %sub3A_2140 = arith.subi %max3A_2128, %sub3A_2139 : vector<16xi32>
      %max3A_2141 = arith.constant 0 : i32
      %max3A_2142 = vector.broadcast %max3A_2141 : i32 to vector<16xi32>
      %max3A_2143 = arith.maxsi %sub3A_2140, %max3A_2142 : vector<16xi32>
      %min3A_2144 = arith.constant 1 : i32
      %min3A_2145 = vector.broadcast %min3A_2144 : i32 to vector<16xi32>
      %min3A_2146 = arith.minsi %max3A_2143, %min3A_2145 : vector<16xi32>
      %add3A_2147 = arith.addi %min3A_2137, %min3A_2146 : vector<16xi32>
      %sub3A_2148 = arith.constant 3 : i32
      %sub3A_2149 = vector.broadcast %sub3A_2148 : i32 to vector<16xi32>
      %sub3A_2150 = arith.subi %max3A_2128, %sub3A_2149 : vector<16xi32>
      %max3A_2151 = arith.constant 0 : i32
      %max3A_2152 = vector.broadcast %max3A_2151 : i32 to vector<16xi32>
      %max3A_2153 = arith.maxsi %sub3A_2150, %max3A_2152 : vector<16xi32>
      %min3A_2154 = arith.constant 1 : i32
      %min3A_2155 = vector.broadcast %min3A_2154 : i32 to vector<16xi32>
      %min3A_2156 = arith.minsi %max3A_2153, %min3A_2155 : vector<16xi32>
      %add3A_2157 = arith.addi %add3A_2147, %min3A_2156 : vector<16xi32>
      %sub3A_2158 = arith.constant 4 : i32
      %sub3A_2159 = vector.broadcast %sub3A_2158 : i32 to vector<16xi32>
      %sub3A_2160 = arith.subi %max3A_2128, %sub3A_2159 : vector<16xi32>
      %max3A_2161 = arith.constant 0 : i32
      %max3A_2162 = vector.broadcast %max3A_2161 : i32 to vector<16xi32>
      %max3A_2163 = arith.maxsi %sub3A_2160, %max3A_2162 : vector<16xi32>
      %min3A_2164 = arith.constant 1 : i32
      %min3A_2165 = vector.broadcast %min3A_2164 : i32 to vector<16xi32>
      %min3A_2166 = arith.minsi %max3A_2163, %min3A_2165 : vector<16xi32>
      %add3A_2167 = arith.addi %add3A_2157, %min3A_2166 : vector<16xi32>
      %sub3A_2168 = arith.constant 7 : i32
      %sub3A_2169 = vector.broadcast %sub3A_2168 : i32 to vector<16xi32>
      %sub3A_2170 = arith.subi %max3A_2128, %sub3A_2169 : vector<16xi32>
      %max3A_2171 = arith.constant 0 : i32
      %max3A_2172 = vector.broadcast %max3A_2171 : i32 to vector<16xi32>
      %max3A_2173 = arith.maxsi %sub3A_2170, %max3A_2172 : vector<16xi32>
      %min3A_2174 = arith.constant 1 : i32
      %min3A_2175 = vector.broadcast %min3A_2174 : i32 to vector<16xi32>
      %min3A_2176 = arith.minsi %max3A_2173, %min3A_2175 : vector<16xi32>
      %add3A_2177 = arith.addi %add3A_2167, %min3A_2176 : vector<16xi32>
      %sub3A_2178 = arith.constant 15 : i32
      %sub3A_2179 = vector.broadcast %sub3A_2178 : i32 to vector<16xi32>
      %sub3A_2180 = arith.subi %max3A_2128, %sub3A_2179 : vector<16xi32>
      %max3A_2181 = arith.constant 0 : i32
      %max3A_2182 = vector.broadcast %max3A_2181 : i32 to vector<16xi32>
      %max3A_2183 = arith.maxsi %sub3A_2180, %max3A_2182 : vector<16xi32>
      %min3A_2184 = arith.constant 1 : i32
      %min3A_2185 = vector.broadcast %min3A_2184 : i32 to vector<16xi32>
      %min3A_2186 = arith.minsi %max3A_2183, %min3A_2185 : vector<16xi32>
      %add3A_2187 = arith.addi %add3A_2177, %min3A_2186 : vector<16xi32>
      %sub3A_2188 = arith.constant 31 : i32
      %sub3A_2189 = vector.broadcast %sub3A_2188 : i32 to vector<16xi32>
      %sub3A_2190 = arith.subi %max3A_2128, %sub3A_2189 : vector<16xi32>
      %max3A_2191 = arith.constant 0 : i32
      %max3A_2192 = vector.broadcast %max3A_2191 : i32 to vector<16xi32>
      %max3A_2193 = arith.maxsi %sub3A_2190, %max3A_2192 : vector<16xi32>
      %min3A_2194 = arith.constant 1 : i32
      %min3A_2195 = vector.broadcast %min3A_2194 : i32 to vector<16xi32>
      %min3A_2196 = arith.minsi %max3A_2193, %min3A_2195 : vector<16xi32>
      %add3A_2197 = arith.addi %add3A_2187, %min3A_2196 : vector<16xi32>
      %sub3A_2198 = arith.constant 63 : i32
      %sub3A_2199 = vector.broadcast %sub3A_2198 : i32 to vector<16xi32>
      %sub3A_2200 = arith.subi %max3A_2128, %sub3A_2199 : vector<16xi32>
      %max3A_2201 = arith.constant 0 : i32
      %max3A_2202 = vector.broadcast %max3A_2201 : i32 to vector<16xi32>
      %max3A_2203 = arith.maxsi %sub3A_2200, %max3A_2202 : vector<16xi32>
      %min3A_2204 = arith.constant 1 : i32
      %min3A_2205 = vector.broadcast %min3A_2204 : i32 to vector<16xi32>
      %min3A_2206 = arith.minsi %max3A_2203, %min3A_2205 : vector<16xi32>
      %add3A_2207 = arith.addi %add3A_2197, %min3A_2206 : vector<16xi32>
      %mul3A_2208 = arith.constant 8 : i32
      %mul3A_2209 = arith.muli %scan3A_10, %mul3A_2208 : i32
      %add3A_2210 = arith.constant 5 : i32
      %add3A_2211 = arith.addi %mul3A_2209, %add3A_2210 : i32
      %mul3A_2212 = arith.constant 50 : i32
      %mul3A_2213 = arith.muli %add3A_2211, %mul3A_2212 : i32
      %add3A_2214 = arith.constant 0 : i32
      %add3A_2215 = arith.addi %mul3A_2213, %add3A_2214 : i32
      %swap3A_2216 = arith.index_cast %add3A_2215 : i32 to index
      %swap3A_2217 = tpu.vector_load %arg5[%swap3A_2216] {strides = array<i32>} : memref<25600xi32, #tpu.memory_space<vmem>>, vector<16xi32>,
      %swap3A_2218 = vector.shape_cast %swap3A_2217 : vector<16xi32> to vector<16xi32>
      %swap3A_2219 = vector.shape_cast %add3A_2207 : vector<16xi32> to vector<16xi32>
      tpu.vector_store %arg5[%swap3A_2216], %swap3A_2219 {strides = array<i32>} : memref<25600xi32, #tpu.memory_space<vmem>>, vector<16xi32>,
      %mul3A_2220 = arith.constant 8 : i32
      %mul3A_2221 = arith.muli %scan3A_10, %mul3A_2220 : i32
      %add3A_2222 = arith.constant 5 : i32
      %add3A_2223 = arith.addi %mul3A_2221, %add3A_2222 : i32
      %get3A_2224 = arith.index_cast %add3A_2223 : i32 to index
      %get3A_2225 = arith.constant 16 : index
      %get3A_2226 = tpu.vector_load %arg4[%get3A_2224, %get3A_2225] {strides = array<i32>} : memref<512x50xi32, #tpu.memory_space<vmem>>, vector<1x16xi32>,
      %get3A_2227 = vector.shape_cast %get3A_2226 : vector<1x16xi32> to vector<16xi32>
      %sub3A_2228 = vector.broadcast %add3A_2115 : i32 to vector<16xi32>
      %sub3A_2229 = arith.subi %sub3A_2228, %get3A_2227 : vector<16xi32>
      %max3A_2230 = arith.constant 1 : i32
      %max3A_2231 = vector.broadcast %max3A_2230 : i32 to vector<16xi32>
      %max3A_2232 = arith.maxsi %sub3A_2229, %max3A_2231 : vector<16xi32>
      %sub3A_2233 = arith.constant 1 : i32
      %sub3A_2234 = vector.broadcast %sub3A_2233 : i32 to vector<16xi32>
      %sub3A_2235 = arith.subi %max3A_2232, %sub3A_2234 : vector<16xi32>
      %max3A_2236 = arith.constant 0 : i32
      %max3A_2237 = vector.broadcast %max3A_2236 : i32 to vector<16xi32>
      %max3A_2238 = arith.maxsi %sub3A_2235, %max3A_2237 : vector<16xi32>
      %min3A_2239 = arith.constant 1 : i32
      %min3A_2240 = vector.broadcast %min3A_2239 : i32 to vector<16xi32>
      %min3A_2241 = arith.minsi %max3A_2238, %min3A_2240 : vector<16xi32>
      %sub3A_2242 = arith.constant 2 : i32
      %sub3A_2243 = vector.broadcast %sub3A_2242 : i32 to vector<16xi32>
      %sub3A_2244 = arith.subi %max3A_2232, %sub3A_2243 : vector<16xi32>
      %max3A_2245 = arith.constant 0 : i32
      %max3A_2246 = vector.broadcast %max3A_2245 : i32 to vector<16xi32>
      %max3A_2247 = arith.maxsi %sub3A_2244, %max3A_2246 : vector<16xi32>
      %min3A_2248 = arith.constant 1 : i32
      %min3A_2249 = vector.broadcast %min3A_2248 : i32 to vector<16xi32>
      %min3A_2250 = arith.minsi %max3A_2247, %min3A_2249 : vector<16xi32>
      %add3A_2251 = arith.addi %min3A_2241, %min3A_2250 : vector<16xi32>
      %sub3A_2252 = arith.constant 3 : i32
      %sub3A_2253 = vector.broadcast %sub3A_2252 : i32 to vector<16xi32>
      %sub3A_2254 = arith.subi %max3A_2232, %sub3A_2253 : vector<16xi32>
      %max3A_2255 = arith.constant 0 : i32
      %max3A_2256 = vector.broadcast %max3A_2255 : i32 to vector<16xi32>
      %max3A_2257 = arith.maxsi %sub3A_2254, %max3A_2256 : vector<16xi32>
      %min3A_2258 = arith.constant 1 : i32
      %min3A_2259 = vector.broadcast %min3A_2258 : i32 to vector<16xi32>
      %min3A_2260 = arith.minsi %max3A_2257, %min3A_2259 : vector<16xi32>
      %add3A_2261 = arith.addi %add3A_2251, %min3A_2260 : vector<16xi32>
      %sub3A_2262 = arith.constant 4 : i32
      %sub3A_2263 = vector.broadcast %sub3A_2262 : i32 to vector<16xi32>
      %sub3A_2264 = arith.subi %max3A_2232, %sub3A_2263 : vector<16xi32>
      %max3A_2265 = arith.constant 0 : i32
      %max3A_2266 = vector.broadcast %max3A_2265 : i32 to vector<16xi32>
      %max3A_2267 = arith.maxsi %sub3A_2264, %max3A_2266 : vector<16xi32>
      %min3A_2268 = arith.constant 1 : i32
      %min3A_2269 = vector.broadcast %min3A_2268 : i32 to vector<16xi32>
      %min3A_2270 = arith.minsi %max3A_2267, %min3A_2269 : vector<16xi32>
      %add3A_2271 = arith.addi %add3A_2261, %min3A_2270 : vector<16xi32>
      %sub3A_2272 = arith.constant 7 : i32
      %sub3A_2273 = vector.broadcast %sub3A_2272 : i32 to vector<16xi32>
      %sub3A_2274 = arith.subi %max3A_2232, %sub3A_2273 : vector<16xi32>
      %max3A_2275 = arith.constant 0 : i32
      %max3A_2276 = vector.broadcast %max3A_2275 : i32 to vector<16xi32>
      %max3A_2277 = arith.maxsi %sub3A_2274, %max3A_2276 : vector<16xi32>
      %min3A_2278 = arith.constant 1 : i32
      %min3A_2279 = vector.broadcast %min3A_2278 : i32 to vector<16xi32>
      %min3A_2280 = arith.minsi %max3A_2277, %min3A_2279 : vector<16xi32>
      %add3A_2281 = arith.addi %add3A_2271, %min3A_2280 : vector<16xi32>
      %sub3A_2282 = arith.constant 15 : i32
      %sub3A_2283 = vector.broadcast %sub3A_2282 : i32 to vector<16xi32>
      %sub3A_2284 = arith.subi %max3A_2232, %sub3A_2283 : vector<16xi32>
      %max3A_2285 = arith.constant 0 : i32
      %max3A_2286 = vector.broadcast %max3A_2285 : i32 to vector<16xi32>
      %max3A_2287 = arith.maxsi %sub3A_2284, %max3A_2286 : vector<16xi32>
      %min3A_2288 = arith.constant 1 : i32
      %min3A_2289 = vector.broadcast %min3A_2288 : i32 to vector<16xi32>
      %min3A_2290 = arith.minsi %max3A_2287, %min3A_2289 : vector<16xi32>
      %add3A_2291 = arith.addi %add3A_2281, %min3A_2290 : vector<16xi32>
      %sub3A_2292 = arith.constant 31 : i32
      %sub3A_2293 = vector.broadcast %sub3A_2292 : i32 to vector<16xi32>
      %sub3A_2294 = arith.subi %max3A_2232, %sub3A_2293 : vector<16xi32>
      %max3A_2295 = arith.constant 0 : i32
      %max3A_2296 = vector.broadcast %max3A_2295 : i32 to vector<16xi32>
      %max3A_2297 = arith.maxsi %sub3A_2294, %max3A_2296 : vector<16xi32>
      %min3A_2298 = arith.constant 1 : i32
      %min3A_2299 = vector.broadcast %min3A_2298 : i32 to vector<16xi32>
      %min3A_2300 = arith.minsi %max3A_2297, %min3A_2299 : vector<16xi32>
      %add3A_2301 = arith.addi %add3A_2291, %min3A_2300 : vector<16xi32>
      %sub3A_2302 = arith.constant 63 : i32
      %sub3A_2303 = vector.broadcast %sub3A_2302 : i32 to vector<16xi32>
      %sub3A_2304 = arith.subi %max3A_2232, %sub3A_2303 : vector<16xi32>
      %max3A_2305 = arith.constant 0 : i32
      %max3A_2306 = vector.broadcast %max3A_2305 : i32 to vector<16xi32>
      %max3A_2307 = arith.maxsi %sub3A_2304, %max3A_2306 : vector<16xi32>
      %min3A_2308 = arith.constant 1 : i32
      %min3A_2309 = vector.broadcast %min3A_2308 : i32 to vector<16xi32>
      %min3A_2310 = arith.minsi %max3A_2307, %min3A_2309 : vector<16xi32>
      %add3A_2311 = arith.addi %add3A_2301, %min3A_2310 : vector<16xi32>
      %mul3A_2312 = arith.constant 8 : i32
      %mul3A_2313 = arith.muli %scan3A_10, %mul3A_2312 : i32
      %add3A_2314 = arith.constant 5 : i32
      %add3A_2315 = arith.addi %mul3A_2313, %add3A_2314 : i32
      %mul3A_2316 = arith.constant 50 : i32
      %mul3A_2317 = arith.muli %add3A_2315, %mul3A_2316 : i32
      %add3A_2318 = arith.constant 16 : i32
      %add3A_2319 = arith.addi %mul3A_2317, %add3A_2318 : i32
      %swap3A_2320 = arith.index_cast %add3A_2319 : i32 to index
      %swap3A_2321 = tpu.vector_load %arg5[%swap3A_2320] {strides = array<i32>} : memref<25600xi32, #tpu.memory_space<vmem>>, vector<16xi32>,
      %swap3A_2322 = vector.shape_cast %swap3A_2321 : vector<16xi32> to vector<16xi32>
      %swap3A_2323 = vector.shape_cast %add3A_2311 : vector<16xi32> to vector<16xi32>
      tpu.vector_store %arg5[%swap3A_2320], %swap3A_2323 {strides = array<i32>} : memref<25600xi32, #tpu.memory_space<vmem>>, vector<16xi32>,
      %mul3A_2324 = arith.constant 8 : i32
      %mul3A_2325 = arith.muli %scan3A_10, %mul3A_2324 : i32
      %add3A_2326 = arith.constant 5 : i32
      %add3A_2327 = arith.addi %mul3A_2325, %add3A_2326 : i32
      %get3A_2328 = arith.index_cast %add3A_2327 : i32 to index
      %get3A_2329 = arith.constant 32 : index
      %get3A_2330 = tpu.vector_load %arg4[%get3A_2328, %get3A_2329] {strides = array<i32>} : memref<512x50xi32, #tpu.memory_space<vmem>>, vector<1x16xi32>,
      %get3A_2331 = vector.shape_cast %get3A_2330 : vector<1x16xi32> to vector<16xi32>
      %sub3A_2332 = vector.broadcast %add3A_2115 : i32 to vector<16xi32>
      %sub3A_2333 = arith.subi %sub3A_2332, %get3A_2331 : vector<16xi32>
      %max3A_2334 = arith.constant 1 : i32
      %max3A_2335 = vector.broadcast %max3A_2334 : i32 to vector<16xi32>
      %max3A_2336 = arith.maxsi %sub3A_2333, %max3A_2335 : vector<16xi32>
      %sub3A_2337 = arith.constant 1 : i32
      %sub3A_2338 = vector.broadcast %sub3A_2337 : i32 to vector<16xi32>
      %sub3A_2339 = arith.subi %max3A_2336, %sub3A_2338 : vector<16xi32>
      %max3A_2340 = arith.constant 0 : i32
      %max3A_2341 = vector.broadcast %max3A_2340 : i32 to vector<16xi32>
      %max3A_2342 = arith.maxsi %sub3A_2339, %max3A_2341 : vector<16xi32>
      %min3A_2343 = arith.constant 1 : i32
      %min3A_2344 = vector.broadcast %min3A_2343 : i32 to vector<16xi32>
      %min3A_2345 = arith.minsi %max3A_2342, %min3A_2344 : vector<16xi32>
      %sub3A_2346 = arith.constant 2 : i32
      %sub3A_2347 = vector.broadcast %sub3A_2346 : i32 to vector<16xi32>
      %sub3A_2348 = arith.subi %max3A_2336, %sub3A_2347 : vector<16xi32>
      %max3A_2349 = arith.constant 0 : i32
      %max3A_2350 = vector.broadcast %max3A_2349 : i32 to vector<16xi32>
      %max3A_2351 = arith.maxsi %sub3A_2348, %max3A_2350 : vector<16xi32>
      %min3A_2352 = arith.constant 1 : i32
      %min3A_2353 = vector.broadcast %min3A_2352 : i32 to vector<16xi32>
      %min3A_2354 = arith.minsi %max3A_2351, %min3A_2353 : vector<16xi32>
      %add3A_2355 = arith.addi %min3A_2345, %min3A_2354 : vector<16xi32>
      %sub3A_2356 = arith.constant 3 : i32
      %sub3A_2357 = vector.broadcast %sub3A_2356 : i32 to vector<16xi32>
      %sub3A_2358 = arith.subi %max3A_2336, %sub3A_2357 : vector<16xi32>
      %max3A_2359 = arith.constant 0 : i32
      %max3A_2360 = vector.broadcast %max3A_2359 : i32 to vector<16xi32>
      %max3A_2361 = arith.maxsi %sub3A_2358, %max3A_2360 : vector<16xi32>
      %min3A_2362 = arith.constant 1 : i32
      %min3A_2363 = vector.broadcast %min3A_2362 : i32 to vector<16xi32>
      %min3A_2364 = arith.minsi %max3A_2361, %min3A_2363 : vector<16xi32>
      %add3A_2365 = arith.addi %add3A_2355, %min3A_2364 : vector<16xi32>
      %sub3A_2366 = arith.constant 4 : i32
      %sub3A_2367 = vector.broadcast %sub3A_2366 : i32 to vector<16xi32>
      %sub3A_2368 = arith.subi %max3A_2336, %sub3A_2367 : vector<16xi32>
      %max3A_2369 = arith.constant 0 : i32
      %max3A_2370 = vector.broadcast %max3A_2369 : i32 to vector<16xi32>
      %max3A_2371 = arith.maxsi %sub3A_2368, %max3A_2370 : vector<16xi32>
      %min3A_2372 = arith.constant 1 : i32
      %min3A_2373 = vector.broadcast %min3A_2372 : i32 to vector<16xi32>
      %min3A_2374 = arith.minsi %max3A_2371, %min3A_2373 : vector<16xi32>
      %add3A_2375 = arith.addi %add3A_2365, %min3A_2374 : vector<16xi32>
      %sub3A_2376 = arith.constant 7 : i32
      %sub3A_2377 = vector.broadcast %sub3A_2376 : i32 to vector<16xi32>
      %sub3A_2378 = arith.subi %max3A_2336, %sub3A_2377 : vector<16xi32>
      %max3A_2379 = arith.constant 0 : i32
      %max3A_2380 = vector.broadcast %max3A_2379 : i32 to vector<16xi32>
      %max3A_2381 = arith.maxsi %sub3A_2378, %max3A_2380 : vector<16xi32>
      %min3A_2382 = arith.constant 1 : i32
      %min3A_2383 = vector.broadcast %min3A_2382 : i32 to vector<16xi32>
      %min3A_2384 = arith.minsi %max3A_2381, %min3A_2383 : vector<16xi32>
      %add3A_2385 = arith.addi %add3A_2375, %min3A_2384 : vector<16xi32>
      %sub3A_2386 = arith.constant 15 : i32
      %sub3A_2387 = vector.broadcast %sub3A_2386 : i32 to vector<16xi32>
      %sub3A_2388 = arith.subi %max3A_2336, %sub3A_2387 : vector<16xi32>
      %max3A_2389 = arith.constant 0 : i32
      %max3A_2390 = vector.broadcast %max3A_2389 : i32 to vector<16xi32>
      %max3A_2391 = arith.maxsi %sub3A_2388, %max3A_2390 : vector<16xi32>
      %min3A_2392 = arith.constant 1 : i32
      %min3A_2393 = vector.broadcast %min3A_2392 : i32 to vector<16xi32>
      %min3A_2394 = arith.minsi %max3A_2391, %min3A_2393 : vector<16xi32>
      %add3A_2395 = arith.addi %add3A_2385, %min3A_2394 : vector<16xi32>
      %sub3A_2396 = arith.constant 31 : i32
      %sub3A_2397 = vector.broadcast %sub3A_2396 : i32 to vector<16xi32>
      %sub3A_2398 = arith.subi %max3A_2336, %sub3A_2397 : vector<16xi32>
      %max3A_2399 = arith.constant 0 : i32
      %max3A_2400 = vector.broadcast %max3A_2399 : i32 to vector<16xi32>
      %max3A_2401 = arith.maxsi %sub3A_2398, %max3A_2400 : vector<16xi32>
      %min3A_2402 = arith.constant 1 : i32
      %min3A_2403 = vector.broadcast %min3A_2402 : i32 to vector<16xi32>
      %min3A_2404 = arith.minsi %max3A_2401, %min3A_2403 : vector<16xi32>
      %add3A_2405 = arith.addi %add3A_2395, %min3A_2404 : vector<16xi32>
      %sub3A_2406 = arith.constant 63 : i32
      %sub3A_2407 = vector.broadcast %sub3A_2406 : i32 to vector<16xi32>
      %sub3A_2408 = arith.subi %max3A_2336, %sub3A_2407 : vector<16xi32>
      %max3A_2409 = arith.constant 0 : i32
      %max3A_2410 = vector.broadcast %max3A_2409 : i32 to vector<16xi32>
      %max3A_2411 = arith.maxsi %sub3A_2408, %max3A_2410 : vector<16xi32>
      %min3A_2412 = arith.constant 1 : i32
      %min3A_2413 = vector.broadcast %min3A_2412 : i32 to vector<16xi32>
      %min3A_2414 = arith.minsi %max3A_2411, %min3A_2413 : vector<16xi32>
      %add3A_2415 = arith.addi %add3A_2405, %min3A_2414 : vector<16xi32>
      %mul3A_2416 = arith.constant 8 : i32
      %mul3A_2417 = arith.muli %scan3A_10, %mul3A_2416 : i32
      %add3A_2418 = arith.constant 5 : i32
      %add3A_2419 = arith.addi %mul3A_2417, %add3A_2418 : i32
      %mul3A_2420 = arith.constant 50 : i32
      %mul3A_2421 = arith.muli %add3A_2419, %mul3A_2420 : i32
      %add3A_2422 = arith.constant 32 : i32
      %add3A_2423 = arith.addi %mul3A_2421, %add3A_2422 : i32
      %swap3A_2424 = arith.index_cast %add3A_2423 : i32 to index
      %swap3A_2425 = tpu.vector_load %arg5[%swap3A_2424] {strides = array<i32>} : memref<25600xi32, #tpu.memory_space<vmem>>, vector<16xi32>,
      %swap3A_2426 = vector.shape_cast %swap3A_2425 : vector<16xi32> to vector<16xi32>
      %swap3A_2427 = vector.shape_cast %add3A_2415 : vector<16xi32> to vector<16xi32>
      tpu.vector_store %arg5[%swap3A_2424], %swap3A_2427 {strides = array<i32>} : memref<25600xi32, #tpu.memory_space<vmem>>, vector<16xi32>,
      %mul3A_2428 = arith.constant 8 : i32
      %mul3A_2429 = arith.muli %scan3A_10, %mul3A_2428 : i32
      %add3A_2430 = arith.constant 5 : i32
      %add3A_2431 = arith.addi %mul3A_2429, %add3A_2430 : i32
      %get3A_2432 = arith.index_cast %add3A_2431 : i32 to index
      %get3A_2433 = arith.constant 34 : index
      %get3A_2434 = tpu.vector_load %arg4[%get3A_2432, %get3A_2433] {strides = array<i32>} : memref<512x50xi32, #tpu.memory_space<vmem>>, vector<1x16xi32>,
      %get3A_2435 = vector.shape_cast %get3A_2434 : vector<1x16xi32> to vector<16xi32>
      %sub3A_2436 = vector.broadcast %add3A_2115 : i32 to vector<16xi32>
      %sub3A_2437 = arith.subi %sub3A_2436, %get3A_2435 : vector<16xi32>
      %max3A_2438 = arith.constant 1 : i32
      %max3A_2439 = vector.broadcast %max3A_2438 : i32 to vector<16xi32>
      %max3A_2440 = arith.maxsi %sub3A_2437, %max3A_2439 : vector<16xi32>
      %sub3A_2441 = arith.constant 1 : i32
      %sub3A_2442 = vector.broadcast %sub3A_2441 : i32 to vector<16xi32>
      %sub3A_2443 = arith.subi %max3A_2440, %sub3A_2442 : vector<16xi32>
      %max3A_2444 = arith.constant 0 : i32
      %max3A_2445 = vector.broadcast %max3A_2444 : i32 to vector<16xi32>
      %max3A_2446 = arith.maxsi %sub3A_2443, %max3A_2445 : vector<16xi32>
      %min3A_2447 = arith.constant 1 : i32
      %min3A_2448 = vector.broadcast %min3A_2447 : i32 to vector<16xi32>
      %min3A_2449 = arith.minsi %max3A_2446, %min3A_2448 : vector<16xi32>
      %sub3A_2450 = arith.constant 2 : i32
      %sub3A_2451 = vector.broadcast %sub3A_2450 : i32 to vector<16xi32>
      %sub3A_2452 = arith.subi %max3A_2440, %sub3A_2451 : vector<16xi32>
      %max3A_2453 = arith.constant 0 : i32
      %max3A_2454 = vector.broadcast %max3A_2453 : i32 to vector<16xi32>
      %max3A_2455 = arith.maxsi %sub3A_2452, %max3A_2454 : vector<16xi32>
      %min3A_2456 = arith.constant 1 : i32
      %min3A_2457 = vector.broadcast %min3A_2456 : i32 to vector<16xi32>
      %min3A_2458 = arith.minsi %max3A_2455, %min3A_2457 : vector<16xi32>
      %add3A_2459 = arith.addi %min3A_2449, %min3A_2458 : vector<16xi32>
      %sub3A_2460 = arith.constant 3 : i32
      %sub3A_2461 = vector.broadcast %sub3A_2460 : i32 to vector<16xi32>
      %sub3A_2462 = arith.subi %max3A_2440, %sub3A_2461 : vector<16xi32>
      %max3A_2463 = arith.constant 0 : i32
      %max3A_2464 = vector.broadcast %max3A_2463 : i32 to vector<16xi32>
      %max3A_2465 = arith.maxsi %sub3A_2462, %max3A_2464 : vector<16xi32>
      %min3A_2466 = arith.constant 1 : i32
      %min3A_2467 = vector.broadcast %min3A_2466 : i32 to vector<16xi32>
      %min3A_2468 = arith.minsi %max3A_2465, %min3A_2467 : vector<16xi32>
      %add3A_2469 = arith.addi %add3A_2459, %min3A_2468 : vector<16xi32>
      %sub3A_2470 = arith.constant 4 : i32
      %sub3A_2471 = vector.broadcast %sub3A_2470 : i32 to vector<16xi32>
      %sub3A_2472 = arith.subi %max3A_2440, %sub3A_2471 : vector<16xi32>
      %max3A_2473 = arith.constant 0 : i32
      %max3A_2474 = vector.broadcast %max3A_2473 : i32 to vector<16xi32>
      %max3A_2475 = arith.maxsi %sub3A_2472, %max3A_2474 : vector<16xi32>
      %min3A_2476 = arith.constant 1 : i32
      %min3A_2477 = vector.broadcast %min3A_2476 : i32 to vector<16xi32>
      %min3A_2478 = arith.minsi %max3A_2475, %min3A_2477 : vector<16xi32>
      %add3A_2479 = arith.addi %add3A_2469, %min3A_2478 : vector<16xi32>
      %sub3A_2480 = arith.constant 7 : i32
      %sub3A_2481 = vector.broadcast %sub3A_2480 : i32 to vector<16xi32>
      %sub3A_2482 = arith.subi %max3A_2440, %sub3A_2481 : vector<16xi32>
      %max3A_2483 = arith.constant 0 : i32
      %max3A_2484 = vector.broadcast %max3A_2483 : i32 to vector<16xi32>
      %max3A_2485 = arith.maxsi %sub3A_2482, %max3A_2484 : vector<16xi32>
      %min3A_2486 = arith.constant 1 : i32
      %min3A_2487 = vector.broadcast %min3A_2486 : i32 to vector<16xi32>
      %min3A_2488 = arith.minsi %max3A_2485, %min3A_2487 : vector<16xi32>
      %add3A_2489 = arith.addi %add3A_2479, %min3A_2488 : vector<16xi32>
      %sub3A_2490 = arith.constant 15 : i32
      %sub3A_2491 = vector.broadcast %sub3A_2490 : i32 to vector<16xi32>
      %sub3A_2492 = arith.subi %max3A_2440, %sub3A_2491 : vector<16xi32>
      %max3A_2493 = arith.constant 0 : i32
      %max3A_2494 = vector.broadcast %max3A_2493 : i32 to vector<16xi32>
      %max3A_2495 = arith.maxsi %sub3A_2492, %max3A_2494 : vector<16xi32>
      %min3A_2496 = arith.constant 1 : i32
      %min3A_2497 = vector.broadcast %min3A_2496 : i32 to vector<16xi32>
      %min3A_2498 = arith.minsi %max3A_2495, %min3A_2497 : vector<16xi32>
      %add3A_2499 = arith.addi %add3A_2489, %min3A_2498 : vector<16xi32>
      %sub3A_2500 = arith.constant 31 : i32
      %sub3A_2501 = vector.broadcast %sub3A_2500 : i32 to vector<16xi32>
      %sub3A_2502 = arith.subi %max3A_2440, %sub3A_2501 : vector<16xi32>
      %max3A_2503 = arith.constant 0 : i32
      %max3A_2504 = vector.broadcast %max3A_2503 : i32 to vector<16xi32>
      %max3A_2505 = arith.maxsi %sub3A_2502, %max3A_2504 : vector<16xi32>
      %min3A_2506 = arith.constant 1 : i32
      %min3A_2507 = vector.broadcast %min3A_2506 : i32 to vector<16xi32>
      %min3A_2508 = arith.minsi %max3A_2505, %min3A_2507 : vector<16xi32>
      %add3A_2509 = arith.addi %add3A_2499, %min3A_2508 : vector<16xi32>
      %sub3A_2510 = arith.constant 63 : i32
      %sub3A_2511 = vector.broadcast %sub3A_2510 : i32 to vector<16xi32>
      %sub3A_2512 = arith.subi %max3A_2440, %sub3A_2511 : vector<16xi32>
      %max3A_2513 = arith.constant 0 : i32
      %max3A_2514 = vector.broadcast %max3A_2513 : i32 to vector<16xi32>
      %max3A_2515 = arith.maxsi %sub3A_2512, %max3A_2514 : vector<16xi32>
      %min3A_2516 = arith.constant 1 : i32
      %min3A_2517 = vector.broadcast %min3A_2516 : i32 to vector<16xi32>
      %min3A_2518 = arith.minsi %max3A_2515, %min3A_2517 : vector<16xi32>
      %add3A_2519 = arith.addi %add3A_2509, %min3A_2518 : vector<16xi32>
      %mul3A_2520 = arith.constant 8 : i32
      %mul3A_2521 = arith.muli %scan3A_10, %mul3A_2520 : i32
      %add3A_2522 = arith.constant 5 : i32
      %add3A_2523 = arith.addi %mul3A_2521, %add3A_2522 : i32
      %mul3A_2524 = arith.constant 50 : i32
      %mul3A_2525 = arith.muli %add3A_2523, %mul3A_2524 : i32
      %add3A_2526 = arith.constant 34 : i32
      %add3A_2527 = arith.addi %mul3A_2525, %add3A_2526 : i32
      %swap3A_2528 = arith.index_cast %add3A_2527 : i32 to index
      %swap3A_2529 = tpu.vector_load %arg5[%swap3A_2528] {strides = array<i32>} : memref<25600xi32, #tpu.memory_space<vmem>>, vector<16xi32>,
      %swap3A_2530 = vector.shape_cast %swap3A_2529 : vector<16xi32> to vector<16xi32>
      %swap3A_2531 = vector.shape_cast %add3A_2519 : vector<16xi32> to vector<16xi32>
      tpu.vector_store %arg5[%swap3A_2528], %swap3A_2531 {strides = array<i32>} : memref<25600xi32, #tpu.memory_space<vmem>>, vector<16xi32>,
      %mul3A_2532 = arith.constant 8 : i32
      %mul3A_2533 = arith.muli %scan3A_10, %mul3A_2532 : i32
      %add3A_2534 = arith.addi %mul3A_2, %mul3A_2533 : i32
      %add3A_2535 = arith.constant 6 : i32
      %add3A_2536 = arith.addi %add3A_2534, %add3A_2535 : i32
      %mul3A_2537 = arith.constant 8 : i32
      %mul3A_2538 = arith.muli %scan3A_10, %mul3A_2537 : i32
      %add3A_2539 = arith.constant 6 : i32
      %add3A_2540 = arith.addi %mul3A_2538, %add3A_2539 : i32
      %get3A_2541 = arith.index_cast %add3A_2540 : i32 to index
      %get3A_2542 = arith.constant 0 : index
      %get3A_2543 = tpu.vector_load %arg4[%get3A_2541, %get3A_2542] {strides = array<i32>} : memref<512x50xi32, #tpu.memory_space<vmem>>, vector<1x16xi32>,
      %get3A_2544 = vector.shape_cast %get3A_2543 : vector<1x16xi32> to vector<16xi32>
      %sub3A_2545 = vector.broadcast %add3A_2536 : i32 to vector<16xi32>
      %sub3A_2546 = arith.subi %sub3A_2545, %get3A_2544 : vector<16xi32>
      %max3A_2547 = arith.constant 1 : i32
      %max3A_2548 = vector.broadcast %max3A_2547 : i32 to vector<16xi32>
      %max3A_2549 = arith.maxsi %sub3A_2546, %max3A_2548 : vector<16xi32>
      %sub3A_2550 = arith.constant 1 : i32
      %sub3A_2551 = vector.broadcast %sub3A_2550 : i32 to vector<16xi32>
      %sub3A_2552 = arith.subi %max3A_2549, %sub3A_2551 : vector<16xi32>
      %max3A_2553 = arith.constant 0 : i32
      %max3A_2554 = vector.broadcast %max3A_2553 : i32 to vector<16xi32>
      %max3A_2555 = arith.maxsi %sub3A_2552, %max3A_2554 : vector<16xi32>
      %min3A_2556 = arith.constant 1 : i32
      %min3A_2557 = vector.broadcast %min3A_2556 : i32 to vector<16xi32>
      %min3A_2558 = arith.minsi %max3A_2555, %min3A_2557 : vector<16xi32>
      %sub3A_2559 = arith.constant 2 : i32
      %sub3A_2560 = vector.broadcast %sub3A_2559 : i32 to vector<16xi32>
      %sub3A_2561 = arith.subi %max3A_2549, %sub3A_2560 : vector<16xi32>
      %max3A_2562 = arith.constant 0 : i32
      %max3A_2563 = vector.broadcast %max3A_2562 : i32 to vector<16xi32>
      %max3A_2564 = arith.maxsi %sub3A_2561, %max3A_2563 : vector<16xi32>
      %min3A_2565 = arith.constant 1 : i32
      %min3A_2566 = vector.broadcast %min3A_2565 : i32 to vector<16xi32>
      %min3A_2567 = arith.minsi %max3A_2564, %min3A_2566 : vector<16xi32>
      %add3A_2568 = arith.addi %min3A_2558, %min3A_2567 : vector<16xi32>
      %sub3A_2569 = arith.constant 3 : i32
      %sub3A_2570 = vector.broadcast %sub3A_2569 : i32 to vector<16xi32>
      %sub3A_2571 = arith.subi %max3A_2549, %sub3A_2570 : vector<16xi32>
      %max3A_2572 = arith.constant 0 : i32
      %max3A_2573 = vector.broadcast %max3A_2572 : i32 to vector<16xi32>
      %max3A_2574 = arith.maxsi %sub3A_2571, %max3A_2573 : vector<16xi32>
      %min3A_2575 = arith.constant 1 : i32
      %min3A_2576 = vector.broadcast %min3A_2575 : i32 to vector<16xi32>
      %min3A_2577 = arith.minsi %max3A_2574, %min3A_2576 : vector<16xi32>
      %add3A_2578 = arith.addi %add3A_2568, %min3A_2577 : vector<16xi32>
      %sub3A_2579 = arith.constant 4 : i32
      %sub3A_2580 = vector.broadcast %sub3A_2579 : i32 to vector<16xi32>
      %sub3A_2581 = arith.subi %max3A_2549, %sub3A_2580 : vector<16xi32>
      %max3A_2582 = arith.constant 0 : i32
      %max3A_2583 = vector.broadcast %max3A_2582 : i32 to vector<16xi32>
      %max3A_2584 = arith.maxsi %sub3A_2581, %max3A_2583 : vector<16xi32>
      %min3A_2585 = arith.constant 1 : i32
      %min3A_2586 = vector.broadcast %min3A_2585 : i32 to vector<16xi32>
      %min3A_2587 = arith.minsi %max3A_2584, %min3A_2586 : vector<16xi32>
      %add3A_2588 = arith.addi %add3A_2578, %min3A_2587 : vector<16xi32>
      %sub3A_2589 = arith.constant 7 : i32
      %sub3A_2590 = vector.broadcast %sub3A_2589 : i32 to vector<16xi32>
      %sub3A_2591 = arith.subi %max3A_2549, %sub3A_2590 : vector<16xi32>
      %max3A_2592 = arith.constant 0 : i32
      %max3A_2593 = vector.broadcast %max3A_2592 : i32 to vector<16xi32>
      %max3A_2594 = arith.maxsi %sub3A_2591, %max3A_2593 : vector<16xi32>
      %min3A_2595 = arith.constant 1 : i32
      %min3A_2596 = vector.broadcast %min3A_2595 : i32 to vector<16xi32>
      %min3A_2597 = arith.minsi %max3A_2594, %min3A_2596 : vector<16xi32>
      %add3A_2598 = arith.addi %add3A_2588, %min3A_2597 : vector<16xi32>
      %sub3A_2599 = arith.constant 15 : i32
      %sub3A_2600 = vector.broadcast %sub3A_2599 : i32 to vector<16xi32>
      %sub3A_2601 = arith.subi %max3A_2549, %sub3A_2600 : vector<16xi32>
      %max3A_2602 = arith.constant 0 : i32
      %max3A_2603 = vector.broadcast %max3A_2602 : i32 to vector<16xi32>
      %max3A_2604 = arith.maxsi %sub3A_2601, %max3A_2603 : vector<16xi32>
      %min3A_2605 = arith.constant 1 : i32
      %min3A_2606 = vector.broadcast %min3A_2605 : i32 to vector<16xi32>
      %min3A_2607 = arith.minsi %max3A_2604, %min3A_2606 : vector<16xi32>
      %add3A_2608 = arith.addi %add3A_2598, %min3A_2607 : vector<16xi32>
      %sub3A_2609 = arith.constant 31 : i32
      %sub3A_2610 = vector.broadcast %sub3A_2609 : i32 to vector<16xi32>
      %sub3A_2611 = arith.subi %max3A_2549, %sub3A_2610 : vector<16xi32>
      %max3A_2612 = arith.constant 0 : i32
      %max3A_2613 = vector.broadcast %max3A_2612 : i32 to vector<16xi32>
      %max3A_2614 = arith.maxsi %sub3A_2611, %max3A_2613 : vector<16xi32>
      %min3A_2615 = arith.constant 1 : i32
      %min3A_2616 = vector.broadcast %min3A_2615 : i32 to vector<16xi32>
      %min3A_2617 = arith.minsi %max3A_2614, %min3A_2616 : vector<16xi32>
      %add3A_2618 = arith.addi %add3A_2608, %min3A_2617 : vector<16xi32>
      %sub3A_2619 = arith.constant 63 : i32
      %sub3A_2620 = vector.broadcast %sub3A_2619 : i32 to vector<16xi32>
      %sub3A_2621 = arith.subi %max3A_2549, %sub3A_2620 : vector<16xi32>
      %max3A_2622 = arith.constant 0 : i32
      %max3A_2623 = vector.broadcast %max3A_2622 : i32 to vector<16xi32>
      %max3A_2624 = arith.maxsi %sub3A_2621, %max3A_2623 : vector<16xi32>
      %min3A_2625 = arith.constant 1 : i32
      %min3A_2626 = vector.broadcast %min3A_2625 : i32 to vector<16xi32>
      %min3A_2627 = arith.minsi %max3A_2624, %min3A_2626 : vector<16xi32>
      %add3A_2628 = arith.addi %add3A_2618, %min3A_2627 : vector<16xi32>
      %mul3A_2629 = arith.constant 8 : i32
      %mul3A_2630 = arith.muli %scan3A_10, %mul3A_2629 : i32
      %add3A_2631 = arith.constant 6 : i32
      %add3A_2632 = arith.addi %mul3A_2630, %add3A_2631 : i32
      %mul3A_2633 = arith.constant 50 : i32
      %mul3A_2634 = arith.muli %add3A_2632, %mul3A_2633 : i32
      %add3A_2635 = arith.constant 0 : i32
      %add3A_2636 = arith.addi %mul3A_2634, %add3A_2635 : i32
      %swap3A_2637 = arith.index_cast %add3A_2636 : i32 to index
      %swap3A_2638 = tpu.vector_load %arg5[%swap3A_2637] {strides = array<i32>} : memref<25600xi32, #tpu.memory_space<vmem>>, vector<16xi32>,
      %swap3A_2639 = vector.shape_cast %swap3A_2638 : vector<16xi32> to vector<16xi32>
      %swap3A_2640 = vector.shape_cast %add3A_2628 : vector<16xi32> to vector<16xi32>
      tpu.vector_store %arg5[%swap3A_2637], %swap3A_2640 {strides = array<i32>} : memref<25600xi32, #tpu.memory_space<vmem>>, vector<16xi32>,
      %mul3A_2641 = arith.constant 8 : i32
      %mul3A_2642 = arith.muli %scan3A_10, %mul3A_2641 : i32
      %add3A_2643 = arith.constant 6 : i32
      %add3A_2644 = arith.addi %mul3A_2642, %add3A_2643 : i32
      %get3A_2645 = arith.index_cast %add3A_2644 : i32 to index
      %get3A_2646 = arith.constant 16 : index
      %get3A_2647 = tpu.vector_load %arg4[%get3A_2645, %get3A_2646] {strides = array<i32>} : memref<512x50xi32, #tpu.memory_space<vmem>>, vector<1x16xi32>,
      %get3A_2648 = vector.shape_cast %get3A_2647 : vector<1x16xi32> to vector<16xi32>
      %sub3A_2649 = vector.broadcast %add3A_2536 : i32 to vector<16xi32>
      %sub3A_2650 = arith.subi %sub3A_2649, %get3A_2648 : vector<16xi32>
      %max3A_2651 = arith.constant 1 : i32
      %max3A_2652 = vector.broadcast %max3A_2651 : i32 to vector<16xi32>
      %max3A_2653 = arith.maxsi %sub3A_2650, %max3A_2652 : vector<16xi32>
      %sub3A_2654 = arith.constant 1 : i32
      %sub3A_2655 = vector.broadcast %sub3A_2654 : i32 to vector<16xi32>
      %sub3A_2656 = arith.subi %max3A_2653, %sub3A_2655 : vector<16xi32>
      %max3A_2657 = arith.constant 0 : i32
      %max3A_2658 = vector.broadcast %max3A_2657 : i32 to vector<16xi32>
      %max3A_2659 = arith.maxsi %sub3A_2656, %max3A_2658 : vector<16xi32>
      %min3A_2660 = arith.constant 1 : i32
      %min3A_2661 = vector.broadcast %min3A_2660 : i32 to vector<16xi32>
      %min3A_2662 = arith.minsi %max3A_2659, %min3A_2661 : vector<16xi32>
      %sub3A_2663 = arith.constant 2 : i32
      %sub3A_2664 = vector.broadcast %sub3A_2663 : i32 to vector<16xi32>
      %sub3A_2665 = arith.subi %max3A_2653, %sub3A_2664 : vector<16xi32>
      %max3A_2666 = arith.constant 0 : i32
      %max3A_2667 = vector.broadcast %max3A_2666 : i32 to vector<16xi32>
      %max3A_2668 = arith.maxsi %sub3A_2665, %max3A_2667 : vector<16xi32>
      %min3A_2669 = arith.constant 1 : i32
      %min3A_2670 = vector.broadcast %min3A_2669 : i32 to vector<16xi32>
      %min3A_2671 = arith.minsi %max3A_2668, %min3A_2670 : vector<16xi32>
      %add3A_2672 = arith.addi %min3A_2662, %min3A_2671 : vector<16xi32>
      %sub3A_2673 = arith.constant 3 : i32
      %sub3A_2674 = vector.broadcast %sub3A_2673 : i32 to vector<16xi32>
      %sub3A_2675 = arith.subi %max3A_2653, %sub3A_2674 : vector<16xi32>
      %max3A_2676 = arith.constant 0 : i32
      %max3A_2677 = vector.broadcast %max3A_2676 : i32 to vector<16xi32>
      %max3A_2678 = arith.maxsi %sub3A_2675, %max3A_2677 : vector<16xi32>
      %min3A_2679 = arith.constant 1 : i32
      %min3A_2680 = vector.broadcast %min3A_2679 : i32 to vector<16xi32>
      %min3A_2681 = arith.minsi %max3A_2678, %min3A_2680 : vector<16xi32>
      %add3A_2682 = arith.addi %add3A_2672, %min3A_2681 : vector<16xi32>
      %sub3A_2683 = arith.constant 4 : i32
      %sub3A_2684 = vector.broadcast %sub3A_2683 : i32 to vector<16xi32>
      %sub3A_2685 = arith.subi %max3A_2653, %sub3A_2684 : vector<16xi32>
      %max3A_2686 = arith.constant 0 : i32
      %max3A_2687 = vector.broadcast %max3A_2686 : i32 to vector<16xi32>
      %max3A_2688 = arith.maxsi %sub3A_2685, %max3A_2687 : vector<16xi32>
      %min3A_2689 = arith.constant 1 : i32
      %min3A_2690 = vector.broadcast %min3A_2689 : i32 to vector<16xi32>
      %min3A_2691 = arith.minsi %max3A_2688, %min3A_2690 : vector<16xi32>
      %add3A_2692 = arith.addi %add3A_2682, %min3A_2691 : vector<16xi32>
      %sub3A_2693 = arith.constant 7 : i32
      %sub3A_2694 = vector.broadcast %sub3A_2693 : i32 to vector<16xi32>
      %sub3A_2695 = arith.subi %max3A_2653, %sub3A_2694 : vector<16xi32>
      %max3A_2696 = arith.constant 0 : i32
      %max3A_2697 = vector.broadcast %max3A_2696 : i32 to vector<16xi32>
      %max3A_2698 = arith.maxsi %sub3A_2695, %max3A_2697 : vector<16xi32>
      %min3A_2699 = arith.constant 1 : i32
      %min3A_2700 = vector.broadcast %min3A_2699 : i32 to vector<16xi32>
      %min3A_2701 = arith.minsi %max3A_2698, %min3A_2700 : vector<16xi32>
      %add3A_2702 = arith.addi %add3A_2692, %min3A_2701 : vector<16xi32>
      %sub3A_2703 = arith.constant 15 : i32
      %sub3A_2704 = vector.broadcast %sub3A_2703 : i32 to vector<16xi32>
      %sub3A_2705 = arith.subi %max3A_2653, %sub3A_2704 : vector<16xi32>
      %max3A_2706 = arith.constant 0 : i32
      %max3A_2707 = vector.broadcast %max3A_2706 : i32 to vector<16xi32>
      %max3A_2708 = arith.maxsi %sub3A_2705, %max3A_2707 : vector<16xi32>
      %min3A_2709 = arith.constant 1 : i32
      %min3A_2710 = vector.broadcast %min3A_2709 : i32 to vector<16xi32>
      %min3A_2711 = arith.minsi %max3A_2708, %min3A_2710 : vector<16xi32>
      %add3A_2712 = arith.addi %add3A_2702, %min3A_2711 : vector<16xi32>
      %sub3A_2713 = arith.constant 31 : i32
      %sub3A_2714 = vector.broadcast %sub3A_2713 : i32 to vector<16xi32>
      %sub3A_2715 = arith.subi %max3A_2653, %sub3A_2714 : vector<16xi32>
      %max3A_2716 = arith.constant 0 : i32
      %max3A_2717 = vector.broadcast %max3A_2716 : i32 to vector<16xi32>
      %max3A_2718 = arith.maxsi %sub3A_2715, %max3A_2717 : vector<16xi32>
      %min3A_2719 = arith.constant 1 : i32
      %min3A_2720 = vector.broadcast %min3A_2719 : i32 to vector<16xi32>
      %min3A_2721 = arith.minsi %max3A_2718, %min3A_2720 : vector<16xi32>
      %add3A_2722 = arith.addi %add3A_2712, %min3A_2721 : vector<16xi32>
      %sub3A_2723 = arith.constant 63 : i32
      %sub3A_2724 = vector.broadcast %sub3A_2723 : i32 to vector<16xi32>
      %sub3A_2725 = arith.subi %max3A_2653, %sub3A_2724 : vector<16xi32>
      %max3A_2726 = arith.constant 0 : i32
      %max3A_2727 = vector.broadcast %max3A_2726 : i32 to vector<16xi32>
      %max3A_2728 = arith.maxsi %sub3A_2725, %max3A_2727 : vector<16xi32>
      %min3A_2729 = arith.constant 1 : i32
      %min3A_2730 = vector.broadcast %min3A_2729 : i32 to vector<16xi32>
      %min3A_2731 = arith.minsi %max3A_2728, %min3A_2730 : vector<16xi32>
      %add3A_2732 = arith.addi %add3A_2722, %min3A_2731 : vector<16xi32>
      %mul3A_2733 = arith.constant 8 : i32
      %mul3A_2734 = arith.muli %scan3A_10, %mul3A_2733 : i32
      %add3A_2735 = arith.constant 6 : i32
      %add3A_2736 = arith.addi %mul3A_2734, %add3A_2735 : i32
      %mul3A_2737 = arith.constant 50 : i32
      %mul3A_2738 = arith.muli %add3A_2736, %mul3A_2737 : i32
      %add3A_2739 = arith.constant 16 : i32
      %add3A_2740 = arith.addi %mul3A_2738, %add3A_2739 : i32
      %swap3A_2741 = arith.index_cast %add3A_2740 : i32 to index
      %swap3A_2742 = tpu.vector_load %arg5[%swap3A_2741] {strides = array<i32>} : memref<25600xi32, #tpu.memory_space<vmem>>, vector<16xi32>,
      %swap3A_2743 = vector.shape_cast %swap3A_2742 : vector<16xi32> to vector<16xi32>
      %swap3A_2744 = vector.shape_cast %add3A_2732 : vector<16xi32> to vector<16xi32>
      tpu.vector_store %arg5[%swap3A_2741], %swap3A_2744 {strides = array<i32>} : memref<25600xi32, #tpu.memory_space<vmem>>, vector<16xi32>,
      %mul3A_2745 = arith.constant 8 : i32
      %mul3A_2746 = arith.muli %scan3A_10, %mul3A_2745 : i32
      %add3A_2747 = arith.constant 6 : i32
      %add3A_2748 = arith.addi %mul3A_2746, %add3A_2747 : i32
      %get3A_2749 = arith.index_cast %add3A_2748 : i32 to index
      %get3A_2750 = arith.constant 32 : index
      %get3A_2751 = tpu.vector_load %arg4[%get3A_2749, %get3A_2750] {strides = array<i32>} : memref<512x50xi32, #tpu.memory_space<vmem>>, vector<1x16xi32>,
      %get3A_2752 = vector.shape_cast %get3A_2751 : vector<1x16xi32> to vector<16xi32>
      %sub3A_2753 = vector.broadcast %add3A_2536 : i32 to vector<16xi32>
      %sub3A_2754 = arith.subi %sub3A_2753, %get3A_2752 : vector<16xi32>
      %max3A_2755 = arith.constant 1 : i32
      %max3A_2756 = vector.broadcast %max3A_2755 : i32 to vector<16xi32>
      %max3A_2757 = arith.maxsi %sub3A_2754, %max3A_2756 : vector<16xi32>
      %sub3A_2758 = arith.constant 1 : i32
      %sub3A_2759 = vector.broadcast %sub3A_2758 : i32 to vector<16xi32>
      %sub3A_2760 = arith.subi %max3A_2757, %sub3A_2759 : vector<16xi32>
      %max3A_2761 = arith.constant 0 : i32
      %max3A_2762 = vector.broadcast %max3A_2761 : i32 to vector<16xi32>
      %max3A_2763 = arith.maxsi %sub3A_2760, %max3A_2762 : vector<16xi32>
      %min3A_2764 = arith.constant 1 : i32
      %min3A_2765 = vector.broadcast %min3A_2764 : i32 to vector<16xi32>
      %min3A_2766 = arith.minsi %max3A_2763, %min3A_2765 : vector<16xi32>
      %sub3A_2767 = arith.constant 2 : i32
      %sub3A_2768 = vector.broadcast %sub3A_2767 : i32 to vector<16xi32>
      %sub3A_2769 = arith.subi %max3A_2757, %sub3A_2768 : vector<16xi32>
      %max3A_2770 = arith.constant 0 : i32
      %max3A_2771 = vector.broadcast %max3A_2770 : i32 to vector<16xi32>
      %max3A_2772 = arith.maxsi %sub3A_2769, %max3A_2771 : vector<16xi32>
      %min3A_2773 = arith.constant 1 : i32
      %min3A_2774 = vector.broadcast %min3A_2773 : i32 to vector<16xi32>
      %min3A_2775 = arith.minsi %max3A_2772, %min3A_2774 : vector<16xi32>
      %add3A_2776 = arith.addi %min3A_2766, %min3A_2775 : vector<16xi32>
      %sub3A_2777 = arith.constant 3 : i32
      %sub3A_2778 = vector.broadcast %sub3A_2777 : i32 to vector<16xi32>
      %sub3A_2779 = arith.subi %max3A_2757, %sub3A_2778 : vector<16xi32>
      %max3A_2780 = arith.constant 0 : i32
      %max3A_2781 = vector.broadcast %max3A_2780 : i32 to vector<16xi32>
      %max3A_2782 = arith.maxsi %sub3A_2779, %max3A_2781 : vector<16xi32>
      %min3A_2783 = arith.constant 1 : i32
      %min3A_2784 = vector.broadcast %min3A_2783 : i32 to vector<16xi32>
      %min3A_2785 = arith.minsi %max3A_2782, %min3A_2784 : vector<16xi32>
      %add3A_2786 = arith.addi %add3A_2776, %min3A_2785 : vector<16xi32>
      %sub3A_2787 = arith.constant 4 : i32
      %sub3A_2788 = vector.broadcast %sub3A_2787 : i32 to vector<16xi32>
      %sub3A_2789 = arith.subi %max3A_2757, %sub3A_2788 : vector<16xi32>
      %max3A_2790 = arith.constant 0 : i32
      %max3A_2791 = vector.broadcast %max3A_2790 : i32 to vector<16xi32>
      %max3A_2792 = arith.maxsi %sub3A_2789, %max3A_2791 : vector<16xi32>
      %min3A_2793 = arith.constant 1 : i32
      %min3A_2794 = vector.broadcast %min3A_2793 : i32 to vector<16xi32>
      %min3A_2795 = arith.minsi %max3A_2792, %min3A_2794 : vector<16xi32>
      %add3A_2796 = arith.addi %add3A_2786, %min3A_2795 : vector<16xi32>
      %sub3A_2797 = arith.constant 7 : i32
      %sub3A_2798 = vector.broadcast %sub3A_2797 : i32 to vector<16xi32>
      %sub3A_2799 = arith.subi %max3A_2757, %sub3A_2798 : vector<16xi32>
      %max3A_2800 = arith.constant 0 : i32
      %max3A_2801 = vector.broadcast %max3A_2800 : i32 to vector<16xi32>
      %max3A_2802 = arith.maxsi %sub3A_2799, %max3A_2801 : vector<16xi32>
      %min3A_2803 = arith.constant 1 : i32
      %min3A_2804 = vector.broadcast %min3A_2803 : i32 to vector<16xi32>
      %min3A_2805 = arith.minsi %max3A_2802, %min3A_2804 : vector<16xi32>
      %add3A_2806 = arith.addi %add3A_2796, %min3A_2805 : vector<16xi32>
      %sub3A_2807 = arith.constant 15 : i32
      %sub3A_2808 = vector.broadcast %sub3A_2807 : i32 to vector<16xi32>
      %sub3A_2809 = arith.subi %max3A_2757, %sub3A_2808 : vector<16xi32>
      %max3A_2810 = arith.constant 0 : i32
      %max3A_2811 = vector.broadcast %max3A_2810 : i32 to vector<16xi32>
      %max3A_2812 = arith.maxsi %sub3A_2809, %max3A_2811 : vector<16xi32>
      %min3A_2813 = arith.constant 1 : i32
      %min3A_2814 = vector.broadcast %min3A_2813 : i32 to vector<16xi32>
      %min3A_2815 = arith.minsi %max3A_2812, %min3A_2814 : vector<16xi32>
      %add3A_2816 = arith.addi %add3A_2806, %min3A_2815 : vector<16xi32>
      %sub3A_2817 = arith.constant 31 : i32
      %sub3A_2818 = vector.broadcast %sub3A_2817 : i32 to vector<16xi32>
      %sub3A_2819 = arith.subi %max3A_2757, %sub3A_2818 : vector<16xi32>
      %max3A_2820 = arith.constant 0 : i32
      %max3A_2821 = vector.broadcast %max3A_2820 : i32 to vector<16xi32>
      %max3A_2822 = arith.maxsi %sub3A_2819, %max3A_2821 : vector<16xi32>
      %min3A_2823 = arith.constant 1 : i32
      %min3A_2824 = vector.broadcast %min3A_2823 : i32 to vector<16xi32>
      %min3A_2825 = arith.minsi %max3A_2822, %min3A_2824 : vector<16xi32>
      %add3A_2826 = arith.addi %add3A_2816, %min3A_2825 : vector<16xi32>
      %sub3A_2827 = arith.constant 63 : i32
      %sub3A_2828 = vector.broadcast %sub3A_2827 : i32 to vector<16xi32>
      %sub3A_2829 = arith.subi %max3A_2757, %sub3A_2828 : vector<16xi32>
      %max3A_2830 = arith.constant 0 : i32
      %max3A_2831 = vector.broadcast %max3A_2830 : i32 to vector<16xi32>
      %max3A_2832 = arith.maxsi %sub3A_2829, %max3A_2831 : vector<16xi32>
      %min3A_2833 = arith.constant 1 : i32
      %min3A_2834 = vector.broadcast %min3A_2833 : i32 to vector<16xi32>
      %min3A_2835 = arith.minsi %max3A_2832, %min3A_2834 : vector<16xi32>
      %add3A_2836 = arith.addi %add3A_2826, %min3A_2835 : vector<16xi32>
      %mul3A_2837 = arith.constant 8 : i32
      %mul3A_2838 = arith.muli %scan3A_10, %mul3A_2837 : i32
      %add3A_2839 = arith.constant 6 : i32
      %add3A_2840 = arith.addi %mul3A_2838, %add3A_2839 : i32
      %mul3A_2841 = arith.constant 50 : i32
      %mul3A_2842 = arith.muli %add3A_2840, %mul3A_2841 : i32
      %add3A_2843 = arith.constant 32 : i32
      %add3A_2844 = arith.addi %mul3A_2842, %add3A_2843 : i32
      %swap3A_2845 = arith.index_cast %add3A_2844 : i32 to index
      %swap3A_2846 = tpu.vector_load %arg5[%swap3A_2845] {strides = array<i32>} : memref<25600xi32, #tpu.memory_space<vmem>>, vector<16xi32>,
      %swap3A_2847 = vector.shape_cast %swap3A_2846 : vector<16xi32> to vector<16xi32>
      %swap3A_2848 = vector.shape_cast %add3A_2836 : vector<16xi32> to vector<16xi32>
      tpu.vector_store %arg5[%swap3A_2845], %swap3A_2848 {strides = array<i32>} : memref<25600xi32, #tpu.memory_space<vmem>>, vector<16xi32>,
      %mul3A_2849 = arith.constant 8 : i32
      %mul3A_2850 = arith.muli %scan3A_10, %mul3A_2849 : i32
      %add3A_2851 = arith.constant 6 : i32
      %add3A_2852 = arith.addi %mul3A_2850, %add3A_2851 : i32
      %get3A_2853 = arith.index_cast %add3A_2852 : i32 to index
      %get3A_2854 = arith.constant 34 : index
      %get3A_2855 = tpu.vector_load %arg4[%get3A_2853, %get3A_2854] {strides = array<i32>} : memref<512x50xi32, #tpu.memory_space<vmem>>, vector<1x16xi32>,
      %get3A_2856 = vector.shape_cast %get3A_2855 : vector<1x16xi32> to vector<16xi32>
      %sub3A_2857 = vector.broadcast %add3A_2536 : i32 to vector<16xi32>
      %sub3A_2858 = arith.subi %sub3A_2857, %get3A_2856 : vector<16xi32>
      %max3A_2859 = arith.constant 1 : i32
      %max3A_2860 = vector.broadcast %max3A_2859 : i32 to vector<16xi32>
      %max3A_2861 = arith.maxsi %sub3A_2858, %max3A_2860 : vector<16xi32>
      %sub3A_2862 = arith.constant 1 : i32
      %sub3A_2863 = vector.broadcast %sub3A_2862 : i32 to vector<16xi32>
      %sub3A_2864 = arith.subi %max3A_2861, %sub3A_2863 : vector<16xi32>
      %max3A_2865 = arith.constant 0 : i32
      %max3A_2866 = vector.broadcast %max3A_2865 : i32 to vector<16xi32>
      %max3A_2867 = arith.maxsi %sub3A_2864, %max3A_2866 : vector<16xi32>
      %min3A_2868 = arith.constant 1 : i32
      %min3A_2869 = vector.broadcast %min3A_2868 : i32 to vector<16xi32>
      %min3A_2870 = arith.minsi %max3A_2867, %min3A_2869 : vector<16xi32>
      %sub3A_2871 = arith.constant 2 : i32
      %sub3A_2872 = vector.broadcast %sub3A_2871 : i32 to vector<16xi32>
      %sub3A_2873 = arith.subi %max3A_2861, %sub3A_2872 : vector<16xi32>
      %max3A_2874 = arith.constant 0 : i32
      %max3A_2875 = vector.broadcast %max3A_2874 : i32 to vector<16xi32>
      %max3A_2876 = arith.maxsi %sub3A_2873, %max3A_2875 : vector<16xi32>
      %min3A_2877 = arith.constant 1 : i32
      %min3A_2878 = vector.broadcast %min3A_2877 : i32 to vector<16xi32>
      %min3A_2879 = arith.minsi %max3A_2876, %min3A_2878 : vector<16xi32>
      %add3A_2880 = arith.addi %min3A_2870, %min3A_2879 : vector<16xi32>
      %sub3A_2881 = arith.constant 3 : i32
      %sub3A_2882 = vector.broadcast %sub3A_2881 : i32 to vector<16xi32>
      %sub3A_2883 = arith.subi %max3A_2861, %sub3A_2882 : vector<16xi32>
      %max3A_2884 = arith.constant 0 : i32
      %max3A_2885 = vector.broadcast %max3A_2884 : i32 to vector<16xi32>
      %max3A_2886 = arith.maxsi %sub3A_2883, %max3A_2885 : vector<16xi32>
      %min3A_2887 = arith.constant 1 : i32
      %min3A_2888 = vector.broadcast %min3A_2887 : i32 to vector<16xi32>
      %min3A_2889 = arith.minsi %max3A_2886, %min3A_2888 : vector<16xi32>
      %add3A_2890 = arith.addi %add3A_2880, %min3A_2889 : vector<16xi32>
      %sub3A_2891 = arith.constant 4 : i32
      %sub3A_2892 = vector.broadcast %sub3A_2891 : i32 to vector<16xi32>
      %sub3A_2893 = arith.subi %max3A_2861, %sub3A_2892 : vector<16xi32>
      %max3A_2894 = arith.constant 0 : i32
      %max3A_2895 = vector.broadcast %max3A_2894 : i32 to vector<16xi32>
      %max3A_2896 = arith.maxsi %sub3A_2893, %max3A_2895 : vector<16xi32>
      %min3A_2897 = arith.constant 1 : i32
      %min3A_2898 = vector.broadcast %min3A_2897 : i32 to vector<16xi32>
      %min3A_2899 = arith.minsi %max3A_2896, %min3A_2898 : vector<16xi32>
      %add3A_2900 = arith.addi %add3A_2890, %min3A_2899 : vector<16xi32>
      %sub3A_2901 = arith.constant 7 : i32
      %sub3A_2902 = vector.broadcast %sub3A_2901 : i32 to vector<16xi32>
      %sub3A_2903 = arith.subi %max3A_2861, %sub3A_2902 : vector<16xi32>
      %max3A_2904 = arith.constant 0 : i32
      %max3A_2905 = vector.broadcast %max3A_2904 : i32 to vector<16xi32>
      %max3A_2906 = arith.maxsi %sub3A_2903, %max3A_2905 : vector<16xi32>
      %min3A_2907 = arith.constant 1 : i32
      %min3A_2908 = vector.broadcast %min3A_2907 : i32 to vector<16xi32>
      %min3A_2909 = arith.minsi %max3A_2906, %min3A_2908 : vector<16xi32>
      %add3A_2910 = arith.addi %add3A_2900, %min3A_2909 : vector<16xi32>
      %sub3A_2911 = arith.constant 15 : i32
      %sub3A_2912 = vector.broadcast %sub3A_2911 : i32 to vector<16xi32>
      %sub3A_2913 = arith.subi %max3A_2861, %sub3A_2912 : vector<16xi32>
      %max3A_2914 = arith.constant 0 : i32
      %max3A_2915 = vector.broadcast %max3A_2914 : i32 to vector<16xi32>
      %max3A_2916 = arith.maxsi %sub3A_2913, %max3A_2915 : vector<16xi32>
      %min3A_2917 = arith.constant 1 : i32
      %min3A_2918 = vector.broadcast %min3A_2917 : i32 to vector<16xi32>
      %min3A_2919 = arith.minsi %max3A_2916, %min3A_2918 : vector<16xi32>
      %add3A_2920 = arith.addi %add3A_2910, %min3A_2919 : vector<16xi32>
      %sub3A_2921 = arith.constant 31 : i32
      %sub3A_2922 = vector.broadcast %sub3A_2921 : i32 to vector<16xi32>
      %sub3A_2923 = arith.subi %max3A_2861, %sub3A_2922 : vector<16xi32>
      %max3A_2924 = arith.constant 0 : i32
      %max3A_2925 = vector.broadcast %max3A_2924 : i32 to vector<16xi32>
      %max3A_2926 = arith.maxsi %sub3A_2923, %max3A_2925 : vector<16xi32>
      %min3A_2927 = arith.constant 1 : i32
      %min3A_2928 = vector.broadcast %min3A_2927 : i32 to vector<16xi32>
      %min3A_2929 = arith.minsi %max3A_2926, %min3A_2928 : vector<16xi32>
      %add3A_2930 = arith.addi %add3A_2920, %min3A_2929 : vector<16xi32>
      %sub3A_2931 = arith.constant 63 : i32
      %sub3A_2932 = vector.broadcast %sub3A_2931 : i32 to vector<16xi32>
      %sub3A_2933 = arith.subi %max3A_2861, %sub3A_2932 : vector<16xi32>
      %max3A_2934 = arith.constant 0 : i32
      %max3A_2935 = vector.broadcast %max3A_2934 : i32 to vector<16xi32>
      %max3A_2936 = arith.maxsi %sub3A_2933, %max3A_2935 : vector<16xi32>
      %min3A_2937 = arith.constant 1 : i32
      %min3A_2938 = vector.broadcast %min3A_2937 : i32 to vector<16xi32>
      %min3A_2939 = arith.minsi %max3A_2936, %min3A_2938 : vector<16xi32>
      %add3A_2940 = arith.addi %add3A_2930, %min3A_2939 : vector<16xi32>
      %mul3A_2941 = arith.constant 8 : i32
      %mul3A_2942 = arith.muli %scan3A_10, %mul3A_2941 : i32
      %add3A_2943 = arith.constant 6 : i32
      %add3A_2944 = arith.addi %mul3A_2942, %add3A_2943 : i32
      %mul3A_2945 = arith.constant 50 : i32
      %mul3A_2946 = arith.muli %add3A_2944, %mul3A_2945 : i32
      %add3A_2947 = arith.constant 34 : i32
      %add3A_2948 = arith.addi %mul3A_2946, %add3A_2947 : i32
      %swap3A_2949 = arith.index_cast %add3A_2948 : i32 to index
      %swap3A_2950 = tpu.vector_load %arg5[%swap3A_2949] {strides = array<i32>} : memref<25600xi32, #tpu.memory_space<vmem>>, vector<16xi32>,
      %swap3A_2951 = vector.shape_cast %swap3A_2950 : vector<16xi32> to vector<16xi32>
      %swap3A_2952 = vector.shape_cast %add3A_2940 : vector<16xi32> to vector<16xi32>
      tpu.vector_store %arg5[%swap3A_2949], %swap3A_2952 {strides = array<i32>} : memref<25600xi32, #tpu.memory_space<vmem>>, vector<16xi32>,
      %mul3A_2953 = arith.constant 8 : i32
      %mul3A_2954 = arith.muli %scan3A_10, %mul3A_2953 : i32
      %add3A_2955 = arith.addi %mul3A_2, %mul3A_2954 : i32
      %add3A_2956 = arith.constant 7 : i32
      %add3A_2957 = arith.addi %add3A_2955, %add3A_2956 : i32
      %mul3A_2958 = arith.constant 8 : i32
      %mul3A_2959 = arith.muli %scan3A_10, %mul3A_2958 : i32
      %add3A_2960 = arith.constant 7 : i32
      %add3A_2961 = arith.addi %mul3A_2959, %add3A_2960 : i32
      %get3A_2962 = arith.index_cast %add3A_2961 : i32 to index
      %get3A_2963 = arith.constant 0 : index
      %get3A_2964 = tpu.vector_load %arg4[%get3A_2962, %get3A_2963] {strides = array<i32>} : memref<512x50xi32, #tpu.memory_space<vmem>>, vector<1x16xi32>,
      %get3A_2965 = vector.shape_cast %get3A_2964 : vector<1x16xi32> to vector<16xi32>
      %sub3A_2966 = vector.broadcast %add3A_2957 : i32 to vector<16xi32>
      %sub3A_2967 = arith.subi %sub3A_2966, %get3A_2965 : vector<16xi32>
      %max3A_2968 = arith.constant 1 : i32
      %max3A_2969 = vector.broadcast %max3A_2968 : i32 to vector<16xi32>
      %max3A_2970 = arith.maxsi %sub3A_2967, %max3A_2969 : vector<16xi32>
      %sub3A_2971 = arith.constant 1 : i32
      %sub3A_2972 = vector.broadcast %sub3A_2971 : i32 to vector<16xi32>
      %sub3A_2973 = arith.subi %max3A_2970, %sub3A_2972 : vector<16xi32>
      %max3A_2974 = arith.constant 0 : i32
      %max3A_2975 = vector.broadcast %max3A_2974 : i32 to vector<16xi32>
      %max3A_2976 = arith.maxsi %sub3A_2973, %max3A_2975 : vector<16xi32>
      %min3A_2977 = arith.constant 1 : i32
      %min3A_2978 = vector.broadcast %min3A_2977 : i32 to vector<16xi32>
      %min3A_2979 = arith.minsi %max3A_2976, %min3A_2978 : vector<16xi32>
      %sub3A_2980 = arith.constant 2 : i32
      %sub3A_2981 = vector.broadcast %sub3A_2980 : i32 to vector<16xi32>
      %sub3A_2982 = arith.subi %max3A_2970, %sub3A_2981 : vector<16xi32>
      %max3A_2983 = arith.constant 0 : i32
      %max3A_2984 = vector.broadcast %max3A_2983 : i32 to vector<16xi32>
      %max3A_2985 = arith.maxsi %sub3A_2982, %max3A_2984 : vector<16xi32>
      %min3A_2986 = arith.constant 1 : i32
      %min3A_2987 = vector.broadcast %min3A_2986 : i32 to vector<16xi32>
      %min3A_2988 = arith.minsi %max3A_2985, %min3A_2987 : vector<16xi32>
      %add3A_2989 = arith.addi %min3A_2979, %min3A_2988 : vector<16xi32>
      %sub3A_2990 = arith.constant 3 : i32
      %sub3A_2991 = vector.broadcast %sub3A_2990 : i32 to vector<16xi32>
      %sub3A_2992 = arith.subi %max3A_2970, %sub3A_2991 : vector<16xi32>
      %max3A_2993 = arith.constant 0 : i32
      %max3A_2994 = vector.broadcast %max3A_2993 : i32 to vector<16xi32>
      %max3A_2995 = arith.maxsi %sub3A_2992, %max3A_2994 : vector<16xi32>
      %min3A_2996 = arith.constant 1 : i32
      %min3A_2997 = vector.broadcast %min3A_2996 : i32 to vector<16xi32>
      %min3A_2998 = arith.minsi %max3A_2995, %min3A_2997 : vector<16xi32>
      %add3A_2999 = arith.addi %add3A_2989, %min3A_2998 : vector<16xi32>
      %sub3A_3000 = arith.constant 4 : i32
      %sub3A_3001 = vector.broadcast %sub3A_3000 : i32 to vector<16xi32>
      %sub3A_3002 = arith.subi %max3A_2970, %sub3A_3001 : vector<16xi32>
      %max3A_3003 = arith.constant 0 : i32
      %max3A_3004 = vector.broadcast %max3A_3003 : i32 to vector<16xi32>
      %max3A_3005 = arith.maxsi %sub3A_3002, %max3A_3004 : vector<16xi32>
      %min3A_3006 = arith.constant 1 : i32
      %min3A_3007 = vector.broadcast %min3A_3006 : i32 to vector<16xi32>
      %min3A_3008 = arith.minsi %max3A_3005, %min3A_3007 : vector<16xi32>
      %add3A_3009 = arith.addi %add3A_2999, %min3A_3008 : vector<16xi32>
      %sub3A_3010 = arith.constant 7 : i32
      %sub3A_3011 = vector.broadcast %sub3A_3010 : i32 to vector<16xi32>
      %sub3A_3012 = arith.subi %max3A_2970, %sub3A_3011 : vector<16xi32>
      %max3A_3013 = arith.constant 0 : i32
      %max3A_3014 = vector.broadcast %max3A_3013 : i32 to vector<16xi32>
      %max3A_3015 = arith.maxsi %sub3A_3012, %max3A_3014 : vector<16xi32>
      %min3A_3016 = arith.constant 1 : i32
      %min3A_3017 = vector.broadcast %min3A_3016 : i32 to vector<16xi32>
      %min3A_3018 = arith.minsi %max3A_3015, %min3A_3017 : vector<16xi32>
      %add3A_3019 = arith.addi %add3A_3009, %min3A_3018 : vector<16xi32>
      %sub3A_3020 = arith.constant 15 : i32
      %sub3A_3021 = vector.broadcast %sub3A_3020 : i32 to vector<16xi32>
      %sub3A_3022 = arith.subi %max3A_2970, %sub3A_3021 : vector<16xi32>
      %max3A_3023 = arith.constant 0 : i32
      %max3A_3024 = vector.broadcast %max3A_3023 : i32 to vector<16xi32>
      %max3A_3025 = arith.maxsi %sub3A_3022, %max3A_3024 : vector<16xi32>
      %min3A_3026 = arith.constant 1 : i32
      %min3A_3027 = vector.broadcast %min3A_3026 : i32 to vector<16xi32>
      %min3A_3028 = arith.minsi %max3A_3025, %min3A_3027 : vector<16xi32>
      %add3A_3029 = arith.addi %add3A_3019, %min3A_3028 : vector<16xi32>
      %sub3A_3030 = arith.constant 31 : i32
      %sub3A_3031 = vector.broadcast %sub3A_3030 : i32 to vector<16xi32>
      %sub3A_3032 = arith.subi %max3A_2970, %sub3A_3031 : vector<16xi32>
      %max3A_3033 = arith.constant 0 : i32
      %max3A_3034 = vector.broadcast %max3A_3033 : i32 to vector<16xi32>
      %max3A_3035 = arith.maxsi %sub3A_3032, %max3A_3034 : vector<16xi32>
      %min3A_3036 = arith.constant 1 : i32
      %min3A_3037 = vector.broadcast %min3A_3036 : i32 to vector<16xi32>
      %min3A_3038 = arith.minsi %max3A_3035, %min3A_3037 : vector<16xi32>
      %add3A_3039 = arith.addi %add3A_3029, %min3A_3038 : vector<16xi32>
      %sub3A_3040 = arith.constant 63 : i32
      %sub3A_3041 = vector.broadcast %sub3A_3040 : i32 to vector<16xi32>
      %sub3A_3042 = arith.subi %max3A_2970, %sub3A_3041 : vector<16xi32>
      %max3A_3043 = arith.constant 0 : i32
      %max3A_3044 = vector.broadcast %max3A_3043 : i32 to vector<16xi32>
      %max3A_3045 = arith.maxsi %sub3A_3042, %max3A_3044 : vector<16xi32>
      %min3A_3046 = arith.constant 1 : i32
      %min3A_3047 = vector.broadcast %min3A_3046 : i32 to vector<16xi32>
      %min3A_3048 = arith.minsi %max3A_3045, %min3A_3047 : vector<16xi32>
      %add3A_3049 = arith.addi %add3A_3039, %min3A_3048 : vector<16xi32>
      %mul3A_3050 = arith.constant 8 : i32
      %mul3A_3051 = arith.muli %scan3A_10, %mul3A_3050 : i32
      %add3A_3052 = arith.constant 7 : i32
      %add3A_3053 = arith.addi %mul3A_3051, %add3A_3052 : i32
      %mul3A_3054 = arith.constant 50 : i32
      %mul3A_3055 = arith.muli %add3A_3053, %mul3A_3054 : i32
      %add3A_3056 = arith.constant 0 : i32
      %add3A_3057 = arith.addi %mul3A_3055, %add3A_3056 : i32
      %swap3A_3058 = arith.index_cast %add3A_3057 : i32 to index
      %swap3A_3059 = tpu.vector_load %arg5[%swap3A_3058] {strides = array<i32>} : memref<25600xi32, #tpu.memory_space<vmem>>, vector<16xi32>,
      %swap3A_3060 = vector.shape_cast %swap3A_3059 : vector<16xi32> to vector<16xi32>
      %swap3A_3061 = vector.shape_cast %add3A_3049 : vector<16xi32> to vector<16xi32>
      tpu.vector_store %arg5[%swap3A_3058], %swap3A_3061 {strides = array<i32>} : memref<25600xi32, #tpu.memory_space<vmem>>, vector<16xi32>,
      %mul3A_3062 = arith.constant 8 : i32
      %mul3A_3063 = arith.muli %scan3A_10, %mul3A_3062 : i32
      %add3A_3064 = arith.constant 7 : i32
      %add3A_3065 = arith.addi %mul3A_3063, %add3A_3064 : i32
      %get3A_3066 = arith.index_cast %add3A_3065 : i32 to index
      %get3A_3067 = arith.constant 16 : index
      %get3A_3068 = tpu.vector_load %arg4[%get3A_3066, %get3A_3067] {strides = array<i32>} : memref<512x50xi32, #tpu.memory_space<vmem>>, vector<1x16xi32>,
      %get3A_3069 = vector.shape_cast %get3A_3068 : vector<1x16xi32> to vector<16xi32>
      %sub3A_3070 = vector.broadcast %add3A_2957 : i32 to vector<16xi32>
      %sub3A_3071 = arith.subi %sub3A_3070, %get3A_3069 : vector<16xi32>
      %max3A_3072 = arith.constant 1 : i32
      %max3A_3073 = vector.broadcast %max3A_3072 : i32 to vector<16xi32>
      %max3A_3074 = arith.maxsi %sub3A_3071, %max3A_3073 : vector<16xi32>
      %sub3A_3075 = arith.constant 1 : i32
      %sub3A_3076 = vector.broadcast %sub3A_3075 : i32 to vector<16xi32>
      %sub3A_3077 = arith.subi %max3A_3074, %sub3A_3076 : vector<16xi32>
      %max3A_3078 = arith.constant 0 : i32
      %max3A_3079 = vector.broadcast %max3A_3078 : i32 to vector<16xi32>
      %max3A_3080 = arith.maxsi %sub3A_3077, %max3A_3079 : vector<16xi32>
      %min3A_3081 = arith.constant 1 : i32
      %min3A_3082 = vector.broadcast %min3A_3081 : i32 to vector<16xi32>
      %min3A_3083 = arith.minsi %max3A_3080, %min3A_3082 : vector<16xi32>
      %sub3A_3084 = arith.constant 2 : i32
      %sub3A_3085 = vector.broadcast %sub3A_3084 : i32 to vector<16xi32>
      %sub3A_3086 = arith.subi %max3A_3074, %sub3A_3085 : vector<16xi32>
      %max3A_3087 = arith.constant 0 : i32
      %max3A_3088 = vector.broadcast %max3A_3087 : i32 to vector<16xi32>
      %max3A_3089 = arith.maxsi %sub3A_3086, %max3A_3088 : vector<16xi32>
      %min3A_3090 = arith.constant 1 : i32
      %min3A_3091 = vector.broadcast %min3A_3090 : i32 to vector<16xi32>
      %min3A_3092 = arith.minsi %max3A_3089, %min3A_3091 : vector<16xi32>
      %add3A_3093 = arith.addi %min3A_3083, %min3A_3092 : vector<16xi32>
      %sub3A_3094 = arith.constant 3 : i32
      %sub3A_3095 = vector.broadcast %sub3A_3094 : i32 to vector<16xi32>
      %sub3A_3096 = arith.subi %max3A_3074, %sub3A_3095 : vector<16xi32>
      %max3A_3097 = arith.constant 0 : i32
      %max3A_3098 = vector.broadcast %max3A_3097 : i32 to vector<16xi32>
      %max3A_3099 = arith.maxsi %sub3A_3096, %max3A_3098 : vector<16xi32>
      %min3A_3100 = arith.constant 1 : i32
      %min3A_3101 = vector.broadcast %min3A_3100 : i32 to vector<16xi32>
      %min3A_3102 = arith.minsi %max3A_3099, %min3A_3101 : vector<16xi32>
      %add3A_3103 = arith.addi %add3A_3093, %min3A_3102 : vector<16xi32>
      %sub3A_3104 = arith.constant 4 : i32
      %sub3A_3105 = vector.broadcast %sub3A_3104 : i32 to vector<16xi32>
      %sub3A_3106 = arith.subi %max3A_3074, %sub3A_3105 : vector<16xi32>
      %max3A_3107 = arith.constant 0 : i32
      %max3A_3108 = vector.broadcast %max3A_3107 : i32 to vector<16xi32>
      %max3A_3109 = arith.maxsi %sub3A_3106, %max3A_3108 : vector<16xi32>
      %min3A_3110 = arith.constant 1 : i32
      %min3A_3111 = vector.broadcast %min3A_3110 : i32 to vector<16xi32>
      %min3A_3112 = arith.minsi %max3A_3109, %min3A_3111 : vector<16xi32>
      %add3A_3113 = arith.addi %add3A_3103, %min3A_3112 : vector<16xi32>
      %sub3A_3114 = arith.constant 7 : i32
      %sub3A_3115 = vector.broadcast %sub3A_3114 : i32 to vector<16xi32>
      %sub3A_3116 = arith.subi %max3A_3074, %sub3A_3115 : vector<16xi32>
      %max3A_3117 = arith.constant 0 : i32
      %max3A_3118 = vector.broadcast %max3A_3117 : i32 to vector<16xi32>
      %max3A_3119 = arith.maxsi %sub3A_3116, %max3A_3118 : vector<16xi32>
      %min3A_3120 = arith.constant 1 : i32
      %min3A_3121 = vector.broadcast %min3A_3120 : i32 to vector<16xi32>
      %min3A_3122 = arith.minsi %max3A_3119, %min3A_3121 : vector<16xi32>
      %add3A_3123 = arith.addi %add3A_3113, %min3A_3122 : vector<16xi32>
      %sub3A_3124 = arith.constant 15 : i32
      %sub3A_3125 = vector.broadcast %sub3A_3124 : i32 to vector<16xi32>
      %sub3A_3126 = arith.subi %max3A_3074, %sub3A_3125 : vector<16xi32>
      %max3A_3127 = arith.constant 0 : i32
      %max3A_3128 = vector.broadcast %max3A_3127 : i32 to vector<16xi32>
      %max3A_3129 = arith.maxsi %sub3A_3126, %max3A_3128 : vector<16xi32>
      %min3A_3130 = arith.constant 1 : i32
      %min3A_3131 = vector.broadcast %min3A_3130 : i32 to vector<16xi32>
      %min3A_3132 = arith.minsi %max3A_3129, %min3A_3131 : vector<16xi32>
      %add3A_3133 = arith.addi %add3A_3123, %min3A_3132 : vector<16xi32>
      %sub3A_3134 = arith.constant 31 : i32
      %sub3A_3135 = vector.broadcast %sub3A_3134 : i32 to vector<16xi32>
      %sub3A_3136 = arith.subi %max3A_3074, %sub3A_3135 : vector<16xi32>
      %max3A_3137 = arith.constant 0 : i32
      %max3A_3138 = vector.broadcast %max3A_3137 : i32 to vector<16xi32>
      %max3A_3139 = arith.maxsi %sub3A_3136, %max3A_3138 : vector<16xi32>
      %min3A_3140 = arith.constant 1 : i32
      %min3A_3141 = vector.broadcast %min3A_3140 : i32 to vector<16xi32>
      %min3A_3142 = arith.minsi %max3A_3139, %min3A_3141 : vector<16xi32>
      %add3A_3143 = arith.addi %add3A_3133, %min3A_3142 : vector<16xi32>
      %sub3A_3144 = arith.constant 63 : i32
      %sub3A_3145 = vector.broadcast %sub3A_3144 : i32 to vector<16xi32>
      %sub3A_3146 = arith.subi %max3A_3074, %sub3A_3145 : vector<16xi32>
      %max3A_3147 = arith.constant 0 : i32
      %max3A_3148 = vector.broadcast %max3A_3147 : i32 to vector<16xi32>
      %max3A_3149 = arith.maxsi %sub3A_3146, %max3A_3148 : vector<16xi32>
      %min3A_3150 = arith.constant 1 : i32
      %min3A_3151 = vector.broadcast %min3A_3150 : i32 to vector<16xi32>
      %min3A_3152 = arith.minsi %max3A_3149, %min3A_3151 : vector<16xi32>
      %add3A_3153 = arith.addi %add3A_3143, %min3A_3152 : vector<16xi32>
      %mul3A_3154 = arith.constant 8 : i32
      %mul3A_3155 = arith.muli %scan3A_10, %mul3A_3154 : i32
      %add3A_3156 = arith.constant 7 : i32
      %add3A_3157 = arith.addi %mul3A_3155, %add3A_3156 : i32
      %mul3A_3158 = arith.constant 50 : i32
      %mul3A_3159 = arith.muli %add3A_3157, %mul3A_3158 : i32
      %add3A_3160 = arith.constant 16 : i32
      %add3A_3161 = arith.addi %mul3A_3159, %add3A_3160 : i32
      %swap3A_3162 = arith.index_cast %add3A_3161 : i32 to index
      %swap3A_3163 = tpu.vector_load %arg5[%swap3A_3162] {strides = array<i32>} : memref<25600xi32, #tpu.memory_space<vmem>>, vector<16xi32>,
      %swap3A_3164 = vector.shape_cast %swap3A_3163 : vector<16xi32> to vector<16xi32>
      %swap3A_3165 = vector.shape_cast %add3A_3153 : vector<16xi32> to vector<16xi32>
      tpu.vector_store %arg5[%swap3A_3162], %swap3A_3165 {strides = array<i32>} : memref<25600xi32, #tpu.memory_space<vmem>>, vector<16xi32>,
      %mul3A_3166 = arith.constant 8 : i32
      %mul3A_3167 = arith.muli %scan3A_10, %mul3A_3166 : i32
      %add3A_3168 = arith.constant 7 : i32
      %add3A_3169 = arith.addi %mul3A_3167, %add3A_3168 : i32
      %get3A_3170 = arith.index_cast %add3A_3169 : i32 to index
      %get3A_3171 = arith.constant 32 : index
      %get3A_3172 = tpu.vector_load %arg4[%get3A_3170, %get3A_3171] {strides = array<i32>} : memref<512x50xi32, #tpu.memory_space<vmem>>, vector<1x16xi32>,
      %get3A_3173 = vector.shape_cast %get3A_3172 : vector<1x16xi32> to vector<16xi32>
      %sub3A_3174 = vector.broadcast %add3A_2957 : i32 to vector<16xi32>
      %sub3A_3175 = arith.subi %sub3A_3174, %get3A_3173 : vector<16xi32>
      %max3A_3176 = arith.constant 1 : i32
      %max3A_3177 = vector.broadcast %max3A_3176 : i32 to vector<16xi32>
      %max3A_3178 = arith.maxsi %sub3A_3175, %max3A_3177 : vector<16xi32>
      %sub3A_3179 = arith.constant 1 : i32
      %sub3A_3180 = vector.broadcast %sub3A_3179 : i32 to vector<16xi32>
      %sub3A_3181 = arith.subi %max3A_3178, %sub3A_3180 : vector<16xi32>
      %max3A_3182 = arith.constant 0 : i32
      %max3A_3183 = vector.broadcast %max3A_3182 : i32 to vector<16xi32>
      %max3A_3184 = arith.maxsi %sub3A_3181, %max3A_3183 : vector<16xi32>
      %min3A_3185 = arith.constant 1 : i32
      %min3A_3186 = vector.broadcast %min3A_3185 : i32 to vector<16xi32>
      %min3A_3187 = arith.minsi %max3A_3184, %min3A_3186 : vector<16xi32>
      %sub3A_3188 = arith.constant 2 : i32
      %sub3A_3189 = vector.broadcast %sub3A_3188 : i32 to vector<16xi32>
      %sub3A_3190 = arith.subi %max3A_3178, %sub3A_3189 : vector<16xi32>
      %max3A_3191 = arith.constant 0 : i32
      %max3A_3192 = vector.broadcast %max3A_3191 : i32 to vector<16xi32>
      %max3A_3193 = arith.maxsi %sub3A_3190, %max3A_3192 : vector<16xi32>
      %min3A_3194 = arith.constant 1 : i32
      %min3A_3195 = vector.broadcast %min3A_3194 : i32 to vector<16xi32>
      %min3A_3196 = arith.minsi %max3A_3193, %min3A_3195 : vector<16xi32>
      %add3A_3197 = arith.addi %min3A_3187, %min3A_3196 : vector<16xi32>
      %sub3A_3198 = arith.constant 3 : i32
      %sub3A_3199 = vector.broadcast %sub3A_3198 : i32 to vector<16xi32>
      %sub3A_3200 = arith.subi %max3A_3178, %sub3A_3199 : vector<16xi32>
      %max3A_3201 = arith.constant 0 : i32
      %max3A_3202 = vector.broadcast %max3A_3201 : i32 to vector<16xi32>
      %max3A_3203 = arith.maxsi %sub3A_3200, %max3A_3202 : vector<16xi32>
      %min3A_3204 = arith.constant 1 : i32
      %min3A_3205 = vector.broadcast %min3A_3204 : i32 to vector<16xi32>
      %min3A_3206 = arith.minsi %max3A_3203, %min3A_3205 : vector<16xi32>
      %add3A_3207 = arith.addi %add3A_3197, %min3A_3206 : vector<16xi32>
      %sub3A_3208 = arith.constant 4 : i32
      %sub3A_3209 = vector.broadcast %sub3A_3208 : i32 to vector<16xi32>
      %sub3A_3210 = arith.subi %max3A_3178, %sub3A_3209 : vector<16xi32>
      %max3A_3211 = arith.constant 0 : i32
      %max3A_3212 = vector.broadcast %max3A_3211 : i32 to vector<16xi32>
      %max3A_3213 = arith.maxsi %sub3A_3210, %max3A_3212 : vector<16xi32>
      %min3A_3214 = arith.constant 1 : i32
      %min3A_3215 = vector.broadcast %min3A_3214 : i32 to vector<16xi32>
      %min3A_3216 = arith.minsi %max3A_3213, %min3A_3215 : vector<16xi32>
      %add3A_3217 = arith.addi %add3A_3207, %min3A_3216 : vector<16xi32>
      %sub3A_3218 = arith.constant 7 : i32
      %sub3A_3219 = vector.broadcast %sub3A_3218 : i32 to vector<16xi32>
      %sub3A_3220 = arith.subi %max3A_3178, %sub3A_3219 : vector<16xi32>
      %max3A_3221 = arith.constant 0 : i32
      %max3A_3222 = vector.broadcast %max3A_3221 : i32 to vector<16xi32>
      %max3A_3223 = arith.maxsi %sub3A_3220, %max3A_3222 : vector<16xi32>
      %min3A_3224 = arith.constant 1 : i32
      %min3A_3225 = vector.broadcast %min3A_3224 : i32 to vector<16xi32>
      %min3A_3226 = arith.minsi %max3A_3223, %min3A_3225 : vector<16xi32>
      %add3A_3227 = arith.addi %add3A_3217, %min3A_3226 : vector<16xi32>
      %sub3A_3228 = arith.constant 15 : i32
      %sub3A_3229 = vector.broadcast %sub3A_3228 : i32 to vector<16xi32>
      %sub3A_3230 = arith.subi %max3A_3178, %sub3A_3229 : vector<16xi32>
      %max3A_3231 = arith.constant 0 : i32
      %max3A_3232 = vector.broadcast %max3A_3231 : i32 to vector<16xi32>
      %max3A_3233 = arith.maxsi %sub3A_3230, %max3A_3232 : vector<16xi32>
      %min3A_3234 = arith.constant 1 : i32
      %min3A_3235 = vector.broadcast %min3A_3234 : i32 to vector<16xi32>
      %min3A_3236 = arith.minsi %max3A_3233, %min3A_3235 : vector<16xi32>
      %add3A_3237 = arith.addi %add3A_3227, %min3A_3236 : vector<16xi32>
      %sub3A_3238 = arith.constant 31 : i32
      %sub3A_3239 = vector.broadcast %sub3A_3238 : i32 to vector<16xi32>
      %sub3A_3240 = arith.subi %max3A_3178, %sub3A_3239 : vector<16xi32>
      %max3A_3241 = arith.constant 0 : i32
      %max3A_3242 = vector.broadcast %max3A_3241 : i32 to vector<16xi32>
      %max3A_3243 = arith.maxsi %sub3A_3240, %max3A_3242 : vector<16xi32>
      %min3A_3244 = arith.constant 1 : i32
      %min3A_3245 = vector.broadcast %min3A_3244 : i32 to vector<16xi32>
      %min3A_3246 = arith.minsi %max3A_3243, %min3A_3245 : vector<16xi32>
      %add3A_3247 = arith.addi %add3A_3237, %min3A_3246 : vector<16xi32>
      %sub3A_3248 = arith.constant 63 : i32
      %sub3A_3249 = vector.broadcast %sub3A_3248 : i32 to vector<16xi32>
      %sub3A_3250 = arith.subi %max3A_3178, %sub3A_3249 : vector<16xi32>
      %max3A_3251 = arith.constant 0 : i32
      %max3A_3252 = vector.broadcast %max3A_3251 : i32 to vector<16xi32>
      %max3A_3253 = arith.maxsi %sub3A_3250, %max3A_3252 : vector<16xi32>
      %min3A_3254 = arith.constant 1 : i32
      %min3A_3255 = vector.broadcast %min3A_3254 : i32 to vector<16xi32>
      %min3A_3256 = arith.minsi %max3A_3253, %min3A_3255 : vector<16xi32>
      %add3A_3257 = arith.addi %add3A_3247, %min3A_3256 : vector<16xi32>
      %mul3A_3258 = arith.constant 8 : i32
      %mul3A_3259 = arith.muli %scan3A_10, %mul3A_3258 : i32
      %add3A_3260 = arith.constant 7 : i32
      %add3A_3261 = arith.addi %mul3A_3259, %add3A_3260 : i32
      %mul3A_3262 = arith.constant 50 : i32
      %mul3A_3263 = arith.muli %add3A_3261, %mul3A_3262 : i32
      %add3A_3264 = arith.constant 32 : i32
      %add3A_3265 = arith.addi %mul3A_3263, %add3A_3264 : i32
      %swap3A_3266 = arith.index_cast %add3A_3265 : i32 to index
      %swap3A_3267 = tpu.vector_load %arg5[%swap3A_3266] {strides = array<i32>} : memref<25600xi32, #tpu.memory_space<vmem>>, vector<16xi32>,
      %swap3A_3268 = vector.shape_cast %swap3A_3267 : vector<16xi32> to vector<16xi32>
      %swap3A_3269 = vector.shape_cast %add3A_3257 : vector<16xi32> to vector<16xi32>
      tpu.vector_store %arg5[%swap3A_3266], %swap3A_3269 {strides = array<i32>} : memref<25600xi32, #tpu.memory_space<vmem>>, vector<16xi32>,
      %mul3A_3270 = arith.constant 8 : i32
      %mul3A_3271 = arith.muli %scan3A_10, %mul3A_3270 : i32
      %add3A_3272 = arith.constant 7 : i32
      %add3A_3273 = arith.addi %mul3A_3271, %add3A_3272 : i32
      %get3A_3274 = arith.index_cast %add3A_3273 : i32 to index
      %get3A_3275 = arith.constant 34 : index
      %get3A_3276 = tpu.vector_load %arg4[%get3A_3274, %get3A_3275] {strides = array<i32>} : memref<512x50xi32, #tpu.memory_space<vmem>>, vector<1x16xi32>,
      %get3A_3277 = vector.shape_cast %get3A_3276 : vector<1x16xi32> to vector<16xi32>
      %sub3A_3278 = vector.broadcast %add3A_2957 : i32 to vector<16xi32>
      %sub3A_3279 = arith.subi %sub3A_3278, %get3A_3277 : vector<16xi32>
      %max3A_3280 = arith.constant 1 : i32
      %max3A_3281 = vector.broadcast %max3A_3280 : i32 to vector<16xi32>
      %max3A_3282 = arith.maxsi %sub3A_3279, %max3A_3281 : vector<16xi32>
      %sub3A_3283 = arith.constant 1 : i32
      %sub3A_3284 = vector.broadcast %sub3A_3283 : i32 to vector<16xi32>
      %sub3A_3285 = arith.subi %max3A_3282, %sub3A_3284 : vector<16xi32>
      %max3A_3286 = arith.constant 0 : i32
      %max3A_3287 = vector.broadcast %max3A_3286 : i32 to vector<16xi32>
      %max3A_3288 = arith.maxsi %sub3A_3285, %max3A_3287 : vector<16xi32>
      %min3A_3289 = arith.constant 1 : i32
      %min3A_3290 = vector.broadcast %min3A_3289 : i32 to vector<16xi32>
      %min3A_3291 = arith.minsi %max3A_3288, %min3A_3290 : vector<16xi32>
      %sub3A_3292 = arith.constant 2 : i32
      %sub3A_3293 = vector.broadcast %sub3A_3292 : i32 to vector<16xi32>
      %sub3A_3294 = arith.subi %max3A_3282, %sub3A_3293 : vector<16xi32>
      %max3A_3295 = arith.constant 0 : i32
      %max3A_3296 = vector.broadcast %max3A_3295 : i32 to vector<16xi32>
      %max3A_3297 = arith.maxsi %sub3A_3294, %max3A_3296 : vector<16xi32>
      %min3A_3298 = arith.constant 1 : i32
      %min3A_3299 = vector.broadcast %min3A_3298 : i32 to vector<16xi32>
      %min3A_3300 = arith.minsi %max3A_3297, %min3A_3299 : vector<16xi32>
      %add3A_3301 = arith.addi %min3A_3291, %min3A_3300 : vector<16xi32>
      %sub3A_3302 = arith.constant 3 : i32
      %sub3A_3303 = vector.broadcast %sub3A_3302 : i32 to vector<16xi32>
      %sub3A_3304 = arith.subi %max3A_3282, %sub3A_3303 : vector<16xi32>
      %max3A_3305 = arith.constant 0 : i32
      %max3A_3306 = vector.broadcast %max3A_3305 : i32 to vector<16xi32>
      %max3A_3307 = arith.maxsi %sub3A_3304, %max3A_3306 : vector<16xi32>
      %min3A_3308 = arith.constant 1 : i32
      %min3A_3309 = vector.broadcast %min3A_3308 : i32 to vector<16xi32>
      %min3A_3310 = arith.minsi %max3A_3307, %min3A_3309 : vector<16xi32>
      %add3A_3311 = arith.addi %add3A_3301, %min3A_3310 : vector<16xi32>
      %sub3A_3312 = arith.constant 4 : i32
      %sub3A_3313 = vector.broadcast %sub3A_3312 : i32 to vector<16xi32>
      %sub3A_3314 = arith.subi %max3A_3282, %sub3A_3313 : vector<16xi32>
      %max3A_3315 = arith.constant 0 : i32
      %max3A_3316 = vector.broadcast %max3A_3315 : i32 to vector<16xi32>
      %max3A_3317 = arith.maxsi %sub3A_3314, %max3A_3316 : vector<16xi32>
      %min3A_3318 = arith.constant 1 : i32
      %min3A_3319 = vector.broadcast %min3A_3318 : i32 to vector<16xi32>
      %min3A_3320 = arith.minsi %max3A_3317, %min3A_3319 : vector<16xi32>
      %add3A_3321 = arith.addi %add3A_3311, %min3A_3320 : vector<16xi32>
      %sub3A_3322 = arith.constant 7 : i32
      %sub3A_3323 = vector.broadcast %sub3A_3322 : i32 to vector<16xi32>
      %sub3A_3324 = arith.subi %max3A_3282, %sub3A_3323 : vector<16xi32>
      %max3A_3325 = arith.constant 0 : i32
      %max3A_3326 = vector.broadcast %max3A_3325 : i32 to vector<16xi32>
      %max3A_3327 = arith.maxsi %sub3A_3324, %max3A_3326 : vector<16xi32>
      %min3A_3328 = arith.constant 1 : i32
      %min3A_3329 = vector.broadcast %min3A_3328 : i32 to vector<16xi32>
      %min3A_3330 = arith.minsi %max3A_3327, %min3A_3329 : vector<16xi32>
      %add3A_3331 = arith.addi %add3A_3321, %min3A_3330 : vector<16xi32>
      %sub3A_3332 = arith.constant 15 : i32
      %sub3A_3333 = vector.broadcast %sub3A_3332 : i32 to vector<16xi32>
      %sub3A_3334 = arith.subi %max3A_3282, %sub3A_3333 : vector<16xi32>
      %max3A_3335 = arith.constant 0 : i32
      %max3A_3336 = vector.broadcast %max3A_3335 : i32 to vector<16xi32>
      %max3A_3337 = arith.maxsi %sub3A_3334, %max3A_3336 : vector<16xi32>
      %min3A_3338 = arith.constant 1 : i32
      %min3A_3339 = vector.broadcast %min3A_3338 : i32 to vector<16xi32>
      %min3A_3340 = arith.minsi %max3A_3337, %min3A_3339 : vector<16xi32>
      %add3A_3341 = arith.addi %add3A_3331, %min3A_3340 : vector<16xi32>
      %sub3A_3342 = arith.constant 31 : i32
      %sub3A_3343 = vector.broadcast %sub3A_3342 : i32 to vector<16xi32>
      %sub3A_3344 = arith.subi %max3A_3282, %sub3A_3343 : vector<16xi32>
      %max3A_3345 = arith.constant 0 : i32
      %max3A_3346 = vector.broadcast %max3A_3345 : i32 to vector<16xi32>
      %max3A_3347 = arith.maxsi %sub3A_3344, %max3A_3346 : vector<16xi32>
      %min3A_3348 = arith.constant 1 : i32
      %min3A_3349 = vector.broadcast %min3A_3348 : i32 to vector<16xi32>
      %min3A_3350 = arith.minsi %max3A_3347, %min3A_3349 : vector<16xi32>
      %add3A_3351 = arith.addi %add3A_3341, %min3A_3350 : vector<16xi32>
      %sub3A_3352 = arith.constant 63 : i32
      %sub3A_3353 = vector.broadcast %sub3A_3352 : i32 to vector<16xi32>
      %sub3A_3354 = arith.subi %max3A_3282, %sub3A_3353 : vector<16xi32>
      %max3A_3355 = arith.constant 0 : i32
      %max3A_3356 = vector.broadcast %max3A_3355 : i32 to vector<16xi32>
      %max3A_3357 = arith.maxsi %sub3A_3354, %max3A_3356 : vector<16xi32>
      %min3A_3358 = arith.constant 1 : i32
      %min3A_3359 = vector.broadcast %min3A_3358 : i32 to vector<16xi32>
      %min3A_3360 = arith.minsi %max3A_3357, %min3A_3359 : vector<16xi32>
      %add3A_3361 = arith.addi %add3A_3351, %min3A_3360 : vector<16xi32>
      %mul3A_3362 = arith.constant 8 : i32
      %mul3A_3363 = arith.muli %scan3A_10, %mul3A_3362 : i32
      %add3A_3364 = arith.constant 7 : i32
      %add3A_3365 = arith.addi %mul3A_3363, %add3A_3364 : i32
      %mul3A_3366 = arith.constant 50 : i32
      %mul3A_3367 = arith.muli %add3A_3365, %mul3A_3366 : i32
      %add3A_3368 = arith.constant 34 : i32
      %add3A_3369 = arith.addi %mul3A_3367, %add3A_3368 : i32
      %swap3A_3370 = arith.index_cast %add3A_3369 : i32 to index
      %swap3A_3371 = tpu.vector_load %arg5[%swap3A_3370] {strides = array<i32>} : memref<25600xi32, #tpu.memory_space<vmem>>, vector<16xi32>,
      %swap3A_3372 = vector.shape_cast %swap3A_3371 : vector<16xi32> to vector<16xi32>
      %swap3A_3373 = vector.shape_cast %add3A_3361 : vector<16xi32> to vector<16xi32>
      tpu.vector_store %arg5[%swap3A_3370], %swap3A_3373 {strides = array<i32>} : memref<25600xi32, #tpu.memory_space<vmem>>, vector<16xi32>,
    }
    %scan3A_7 = arith.constant 64 : i32
    %mul3A_8 = arith.constant 50 : i32
    %mul3A_9 = arith.muli %mul3A_2, %mul3A_8 : i32
    "tpu.region"() ({
      %run_scoped3A = tpu.sem_alloc : memref<!tpu.dma_semaphore, #tpu.memory_space<semaphore_mem>>
      %dma_start3A = tpu.memref_slice %arg3[%mul3A_9] : memref<819200xi32, #tpu.memory_space<hbm>> -> memref<25600xi32, #tpu.memory_space<hbm>>
      %dma_start3A_10 = tpu.memref_slice %arg3[%mul3A_9] : memref<819200xi32, #tpu.memory_space<hbm>> -> memref<25600xi32, #tpu.memory_space<hbm>>
      tpu.enqueue_dma source(%arg5 : memref<25600xi32, #tpu.memory_space<vmem>>) target(%dma_start3A_10 : memref<25600xi32, #tpu.memory_space<hbm>>) target_semaphore(%run_scoped3A : memref<!tpu.dma_semaphore, #tpu.memory_space<semaphore_mem>>)
      %dma_wait3A = tpu.memref_slice %arg3[%mul3A_9] : memref<819200xi32, #tpu.memory_space<hbm>> -> memref<25600xi32, #tpu.memory_space<hbm>>
      %dma_wait3A_11 = tpu.memref_slice %arg3[%mul3A_9] : memref<819200xi32, #tpu.memory_space<hbm>> -> memref<25600xi32, #tpu.memory_space<hbm>>
      tpu.wait_dma2 semaphore(%run_scoped3A : memref<!tpu.dma_semaphore, #tpu.memory_space<semaphore_mem>>) src(%arg5 : memref<25600xi32, #tpu.memory_space<vmem>>) dst(%dma_wait3A_11 : memref<25600xi32, #tpu.memory_space<hbm>>)
      tpu.yield
    }) : () -> ()
    return
  }
}

module attributes {stable_mosaic.version = 14 : i64} {
  func.func @_tc_expand_body(%arg0: i32, %arg1: memref<1x1x25600xi32, #tpu.memory_space<vmem>>, %arg2: memref<16x64xf32, #tpu.memory_space<vmem>>, %arg3: memref<25600x64xf32, #tpu.memory_space<vmem>>) attributes {dimension_semantics = [#tpu.dimension_semantics<arbitrary>], iteration_bounds = array<i64: 32>, scalar_prefetch = 0 : i64, scratch_operands = 0 : i64, tpu.core_type = #tpu.core_type<tc>, window_params = [{transform_indices = @transform_0, window_bounds = array<i64: 1, 1, 25600>}, {pipeline_mode = #tpu.pipeline_mode<synchronous>, transform_indices = @transform_1, window_bounds = array<i64: 16, 64>}, {transform_indices = @transform_2, window_bounds = array<i64: 25600, 64>}]} {
    %get3A = arith.constant 0 : index
    %get3A_0 = arith.constant 0 : index
    %get3A_1 = arith.constant 0 : index
    %get3A_2 = vector.load %arg1[%get3A, %get3A_0, %get3A_1] : memref<1x1x25600xi32, #tpu.memory_space<vmem>>, vector<1x1x25600xi32>
    %get3A_3 = vector.shape_cast %get3A_2 : vector<1x1x25600xi32> to vector<25600xi32>
    %broadcast_in_dim3A = vector.shape_cast %get3A_3 : vector<25600xi32> to vector<25600x1xi32>
    %iota3A = tpu.iota {dimensions = array<i32: 1>} : vector<1x16xi32>
    %eq3A = vector.broadcast %broadcast_in_dim3A : vector<25600x1xi32> to vector<25600x16xi32>
    %eq3A_4 = vector.broadcast %iota3A : vector<1x16xi32> to vector<25600x16xi32>
    %eq3A_5 = arith.cmpi eq, %eq3A, %eq3A_4 : vector<25600x16xi32>
    %convert_element_type3A = arith.extui %eq3A_5 : vector<25600x16xi1> to vector<25600x16xi32>
    %convert_element_type3A_6 = arith.sitofp %convert_element_type3A : vector<25600x16xi32> to vector<25600x16xf32>
    %get3A_7 = arith.constant 0 : index
    %get3A_8 = arith.constant 0 : index
    %get3A_9 = vector.load %arg2[%get3A_7, %get3A_8] : memref<16x64xf32, #tpu.memory_space<vmem>>, vector<16x64xf32>
    %dot_general3A = arith.constant dense<0.000000e+00> : vector<25600x64xf32>
    %dot_general3A_10 = tpu.matmul %convert_element_type3A_6, %get3A_9, %dot_general3A {dimension_numbers = #tpu.dot_dimension_numbers<[1], [0], [0], [1], [0, 0, 1, 1], [], []>, transpose_lhs_hint = false} : vector<25600x16xf32>, vector<16x64xf32>, vector<25600x64xf32> -> vector<25600x64xf32>
    %swap3A = arith.constant 0 : index
    %swap3A_11 = arith.constant 0 : index
    %swap3A_12 = vector.load %arg3[%swap3A, %swap3A_11] : memref<25600x64xf32, #tpu.memory_space<vmem>>, vector<25600x64xf32>
    tpu.vector_store %arg3[%swap3A, %swap3A_11], %dot_general3A_10 {strides = array<i32>} : memref<25600x64xf32, #tpu.memory_space<vmem>>, vector<25600x64xf32>,
    return
  }
  func.func @transform_0(%arg0: i32) -> (i32, i32, i32) {
    %c0_i32 = arith.constant 0 : i32
    %c0_i32_0 = arith.constant 0 : i32
    %c0_i32_1 = arith.constant 0 : i32
    return %arg0, %c0_i32, %c0_i32_0 : i32, i32, i32
  }
  func.func @transform_1(%arg0: i32) -> (i32, i32) {
    %c0_i32 = arith.constant 0 : i32
    %c0_i32_0 = arith.constant 0 : i32
    %c0_i32_1 = arith.constant 0 : i32
    return %c0_i32, %c0_i32_0 : i32, i32
  }
  func.func @transform_2(%arg0: i32) -> (i32, i32) {
    %c0_i32 = arith.constant 0 : i32
    %c0_i32_0 = arith.constant 0 : i32
    return %arg0, %c0_i32 : i32, i32
  }
}

</mosaic_0001>

<sc_bundles>
// kernel: _run.4.cloned.1.call-start
scs
__scs_entry_jumppad:
0x0: {  	(pc) =	sbr.rel $0x88, $3  }
0x1: {  	(tag) =	ssettag $0x0;
	lr =	simm.s32 $0x1  }
0x2: {  	[smem:$0x3F9F] =	sst lr;
	_ =	strace $0xD0000000  }
0x3: {  	_ = 	snop  }
0x4: {  	_ = 	snop  }
0x5: {  	_ = 	snop  }
0x6: {  	_ = 	snop  }
0x7: {  	_ = 	snop  }
__scs_overlays_trampoline_lowered:
0x8: {  	[smem:$0x3FAE] =	sst s0  }
0x9: {  	[smem:$0x3FAF] =	sst s1  }
0xa: {  	[smem:$0x3FB0] =	sst s2  }
0xb: {  	[smem:$0x3FB1] =	sst s3  }
0xc: {  	[smem:$0x3FB2] =	sst s4  }
0xd: {  	[smem:$0x3FB3] =	sst s5  }
0xe: {  	[smem:$0x3FB4] =	sst s6  }
0xf: {  	[smem:$0x3FB5] =	sst s7  }
0x10: {  	[smem:$0x3FB6] =	sst s8  }
0x11: {  	[smem:$0x3FB7] =	sst s9;
	s0 =	simm.s32 @!p0 $0x0  }
0x12: {  	s1 =	sld [smem:$0x3F9D];
	s0 =	simm.s32 @p0 $0x1  }
0x13: {  	[smem:$0x3FB8] =	sst s0;
	s0 =	simm.s32 @!p1 $0x0  }
0x14: {  	s2 =	sld [smem:$0x3F9C];
	s0 =	simm.s32 @p1 $0x1  }
0x15: {  	[smem:$0x3FB9] =	sst s0;
	s0 =	simm.s32 @!p2 $0x0  }
0x16: {  	s3 =	sld [smem:$0x3FDB];
	s0 =	simm.s32 @p2 $0x1  }
0x17: {  	s4 =	simm.s32 $0x1BF5;
	[smem:$0x3FBB] =	sst s0  }
0x18: {  	s0 =	sld [smem:$0x3F9E];
	_ =	swait.ge [sflag:s4], $0x0  }
0x19: {  	s7 =	sld [smem:$0x3F9F]  }
0x1a: {  	s8 =	sadd.s32 $0xFFFFE003, lr  }
0x1b: {  	s9 =	sadd.s32 $0xFFFFFEF7, lr;
	s5 =	simm.s32 $0xFFFFFFFF;
	p2 =	slt.u32 s8, $0xFFFFF086  }
0x1c: {  	p1 =	slt.u32 s9, $0xF7A;
	s5 =	simm.s32 @!p2 $0x0  }
0x1d: {  	s5 =	simm.s32 @p1 $0x1;
	p0 =	seq.s32 s7, s2  }
0x1e: {  	s7 =	smul.u32 @!p0 $0xF7A, s2;
	p2 =	seq.s32 @!p0 s5, $0x0  }
0x1f: {  	s9 =	smul.u32 $0xF7A, s1;
	s8 =	simm.s32 @!p0 $0x1BF5;
	p2 =	por !p2, p0  }
0x20: {  	[sflag:s8] =	ssyncset.s32 @!p0 $0xFFFFF086;
	s6 =	sadd.s32 @!p0 s3, s7;
	s7 =	simm.s32 @!p0 $0x108  }
0x21: {  	s3 =	sadd.s32 s3, s9;
	s6 =	sadd.s32 @!p0 $0x88, s6;
	s7 =	simm.s32 @p2 $0x1082  }
0x22: {  	[simem:s7], [sflag:s8] =	dma.local @!p0 [hbm:s6], $0xF7A  }
0x23: {  	s9 =	sor.u32 $0xD0000000, s2;
	s6 =	simm.s32 $0x108;
	_ =	swait.ge @!p0 [sflag:s8], $0x0  }
0x24: {  	s3 =	sadd.s32 $0x88, s3;
	s6 =	simm.s32 @!p1 $0x1082;
	[sflag:s4] =	ssyncset.s32 $0xFFFFF086  }
0x25: {  	[simem:s6], [sflag:s4] =	dma.local [hbm:s3], $0xF7A  }
0x26: {  	[smem:$0x3F9F] =	sst s1;
	(tag) =	ssettag s2;
	_ =	strace s9  }
0x27: {  	s1 =	sld [smem:$0x3FAF]  }
0x28: {  	s2 =	sld [smem:$0x3FB0]  }
0x29: {  	s4 =	sld [smem:$0x3FB2]  }
0x2a: {  	p0 =	seq.s32 s5, $0x0;
	s5 =	sld [smem:$0x3FB3]  }
0x2b: {  	s6 =	sld [smem:$0x3FB4]  }
0x2c: {  	s7 =	sld [smem:$0x3FB5]  }
0x2d: {  	s3 =	simm.s32 $0x108;
	s8 =	sld [smem:$0x3FB6]  }
0x2e: {  	s3 =	simm.s32 @!p0 $0x1082;
	s9 =	sld [smem:$0x3FB7]  }
0x2f: {  	lr =	sadd.s32 s0, s3;
	s0 =	sld [smem:$0x3FAE]  }
0x30: {  	s3 =	sld [smem:$0x3FB1]  }
0x31: {  	[smem:$0x3FBA] =	sst s10  }
0x32: {  	s10 =	sld [smem:$0x3FB8];
	_ =	sdelay $0x3  }
0x33: {  	p0 =	seq.s32 s10, $0x1;
	s10 =	sld [smem:$0x3FBA];
	_ =	sdelay $0x3  }
0x34: {  	[smem:$0x3FBA] =	sst s10  }
0x35: {  	s10 =	sld [smem:$0x3FB9];
	_ =	sdelay $0x3  }
0x36: {  	p1 =	seq.s32 s10, $0x1;
	s10 =	sld [smem:$0x3FBA];
	_ =	sdelay $0x3  }
0x37: {  	[smem:$0x3FBA] =	sst s10  }
0x38: {  	s10 =	sld [smem:$0x3FBB]  }
0x39: {  	_ = 	snop;
	(pc) =	sbr.ind lr, $3  }
0x3a: {  	_ = 	snop  }
0x3b: {  	_ = 	snop  }
0x3c: {  	p2 =	seq.s32 s10, $0x1;
	s10 =	sld [smem:$0x3FBA]  }
0x3d: {  	_ =	shalt  }
0x3e: {  	_ =	shalt  }
0x3f: {  	_ =	shalt  }
0x40: {  	_ =	shalt  }
0x41: {  	_ =	shalt  }
0x42: {  	_ =	shalt  }
0x43: {  	_ =	shalt  }
0x44: {  	_ =	shalt  }
0x45: {  	_ =	shalt  }
0x46: {  	_ =	shalt  }
0x47: {  	_ =	shalt  }
0x48: {  	_ =	shalt  }
0x49: {  	_ =	shalt  }
0x4a: {  	_ =	shalt  }
0x4b: {  	_ =	shalt  }
0x4c: {  	_ =	shalt  }
0x4d: {  	_ =	shalt  }
0x4e: {  	_ =	shalt  }
0x4f: {  	_ =	shalt  }
0x50: {  	_ =	shalt  }
0x51: {  	_ =	shalt  }
0x52: {  	_ =	shalt  }
0x53: {  	_ =	shalt  }
0x54: {  	_ =	shalt  }
0x55: {  	_ =	shalt  }
0x56: {  	_ =	shalt  }
0x57: {  	_ =	shalt  }
0x58: {  	_ =	shalt  }
0x59: {  	_ =	shalt  }
0x5a: {  	_ =	shalt  }
0x5b: {  	_ =	shalt  }
0x5c: {  	_ =	shalt  }
0x5d: {  	_ =	shalt  }
0x5e: {  	_ =	shalt  }
0x5f: {  	_ =	shalt  }
0x60: {  	_ =	shalt  }
0x61: {  	_ =	shalt  }
0x62: {  	_ =	shalt  }
0x63: {  	_ =	shalt  }
0x64: {  	_ =	shalt  }
0x65: {  	_ =	shalt  }
0x66: {  	_ =	shalt  }
0x67: {  	_ =	shalt  }
0x68: {  	_ =	shalt  }
0x69: {  	_ =	shalt  }
0x6a: {  	_ =	shalt  }
0x6b: {  	_ =	shalt  }
0x6c: {  	_ =	shalt  }
0x6d: {  	_ =	shalt  }
0x6e: {  	_ =	shalt  }
0x6f: {  	_ =	shalt  }
0x70: {  	_ =	shalt  }
0x71: {  	_ =	shalt  }
0x72: {  	_ =	shalt  }
0x73: {  	_ =	shalt  }
0x74: {  	_ =	shalt  }
0x75: {  	_ =	shalt  }
0x76: {  	_ =	shalt  }
0x77: {  	_ =	shalt  }
0x78: {  	_ =	shalt  }
0x79: {  	_ =	shalt  }
0x7a: {  	_ =	shalt  }
0x7b: {  	_ =	shalt  }
0x7c: {  	_ =	shalt  }
0x7d: {  	_ =	shalt  }
0x7e: {  	_ =	shalt  }
0x7f: {  	_ =	shalt  }
0x80: {  	_ =	shalt  }
0x81: {  	_ =	shalt  }
0x82: {  	_ =	shalt  }
0x83: {  	_ =	shalt  }
0x84: {  	_ =	shalt  }
0x85: {  	_ =	shalt  }
0x86: {  	_ =	shalt  }
0x87: {  	_ =	shalt  }
.Lfunc_end0:
.L_simem_size_0:
called_computation_lowered:
.L_overlay_start_0:
0x88: {  	s2 =	sld [smem:$0x3FD9]  }
0x89: {  	s3 =	sld [smem:$0x3FFE];
	_ =	sdelay $0x1  }
0x8a: {  	s1 =	srdreg.scid  }
0x8b: {  	s0 =	sand.u32 $0x1, s1  }
0x8c: {  	s17 =	sshll.u32 s0, $0xA;
	s2 =	sadd.s32 s3, s2  }
0x8d: {  	s2 =	sadd.s32 s2, s17  }
0x8e: {  	[smem:$0x3FC6] =	sst s2  }
0x8f: {  	_ = 	snop  }
0x90: {  	s2 =	sld [smem:$0x3FD0];
	(tm) =	ssettm $0x1  }
0x91: {  	s18 =	sld [smem:$0x3FFB];
	_ =	sdelay $0x3  }
0x92: {  	_ =	strace s18  }
0x93: {  	s3 =	sld [smem:$0x3FFC];
	_ =	sdelay $0x3  }
0x94: {  	_ =	strace s3  }
0x95: {  	s3 =	sld [smem:$0x3FFD];
	_ =	sdelay $0x3  }
0x96: {  	_ =	strace s3  }
0x97: {  	_ =	strace $0x8FFFFFFF  }
0x98: {  	s19 =	sld [smem:$0x3FDB];
	_ =	sdelay $0x1  }
0x99: {  	s4 =	simm.s32 $_scs_section_size  }
0x9a: {  	s5 =	simm.s32 $_size__tile_overlayer_lowered;
	s6 =	simm.s32 $_tile_overlayer_lowered  }
0x9b: {  	s22 =	simm.s32 $0x1BFF;
	s21 =	sshll.u32 s6, $0x1;
	s3 =	sadd.s32 s4, s19  }
0x9c: {  	s7 =	simm.s32 $0x0;
	s20 =	sshll.u32 s5, $0x1;
	s5 =	sadd.s32 s21, s3  }
0x9d: {  	[timem:s7], [sflag:s22] =	dma.local [hbm:s5], s20  }
0x9e: {  	_ =	swait.ge [sflag:s22], s20  }
0x9f: {  	s4 =	ssub.s32 $0x0, s20;
	[sflag:s22] =	ssyncset.done $0x0  }
0xa0: {  	[sflag:s22] =	ssyncadd.s32 s4;
	_ =	sdelay $0x1  }
0xa1: {  	s23 =	simm.s32 $0x1B8B  }
0xa2: {  	_ =	swait.ge [sflag:s23], $0x1  }
0xa3: {  	[sflag:s23] =	ssyncset.done $0x0  }
0xa4: {  	s25 =	simm.s32 $0x1B8E;
	s24 =	sld [smem:$0x3FFE];
	[sflag:s23] =	ssyncadd.s32 $0xFFFFFFFF  }
0xa5: {  	s26 =	simm.s32 $execute0_lowered;
	[smem:$0x3FD2] =	sst s25  }
0xa6: {  	s5 =	sshll.u32 s26, $0x1;
	_ =	strace $0x80000046;
	[dreg:$0x1] =	wrdreg $0xFFFFFFFF  }
0xa7: {  	s28 =	simm.s32 $_size_execute0_lowered;
	s3 =	sadd.s32 s3, s5;
	[dreg:$0x0] =	wrdreg $0x0  }
0xa8: {  	s5 =	sshll.u32 s28, $0x1;
	[dreg:$0x2] =	wrdreg s3  }
0xa9: {  	[dreg:$0x3] =	wrdreg s5  }
0xaa: {  	[dreg:$0x4] =	wrdreg $0xC0  }
0xab: {  	_ =	task [dreg:s7], $0x5FFFF  }
0xac: {  	[dreg:$0x1] =	wrdreg $0xFFFFFFFF  }
0xad: {  	[dreg:$0x0] =	wrdreg $0x60  }
0xae: {  	[dreg:$0x2] =	wrdreg s2  }
0xaf: {  	[dreg:$0x3] =	wrdreg s24  }
0xb0: {  	[dreg:$0x4] =	wrdreg $0x9  }
0xb1: {  	_ =	task.clear_ibuf [dreg:s7], $0x5FFFF;
	_ =	strace $0x90000046  }
0xb2: {  	s29 =	simm.s32 $0x9;
	_ =	strace $0x80000048  }
0xb3: {  	_ =	swait.ge [sflag:s29], $0x1  }
0xb4: {  	[sflag:s29] =	ssyncadd.s32 $0xFFFFFFFF  }
0xb5: {  	_ =	strace $0x90000048  }
0xb6: {  	_ =	sfence  }
0xb7: {  	s30 =	sld [smem:$0x0];
	_ =	sdelay $0x2  }
0xb8: {  	s31 =	sshll.u32 s1, $0xD;
	s1 =	sshrl.u32 s1, $0x2  }
0xb9: {  	s3 =	sand.u32 $0x4000, s31;
	s1 =	sadd.s32 s1, s30  }
0xba: {  	s0 =	sor.u32 s3, s0;
	s1 =	sshll.u32 s1, $0x11  }
0xbb: {  	s0 =	sor.u32 s1, s0  }
0xbc: {  	s0 =	sadd.s32 $0x8F2B, s0  }
0xbd: {  	[sflag:s0] =	ssyncadd.remote.s32 $0x1  }
0xbe: {  	_ =	sfence.sel $0xFFFF  }
0xbf: {  	[dreg:$0x0] =	wrdreg $0xFFFFFFFF;
	(pc) =	sbr.abs _section_cstart, $3  }
0xc0: {  	[dreg:$0x1] =	wrdreg $0xFFFFFFFF  }
0xc1: {  	_ =	task.clear_ibuf [dreg:s7], $0x2FFFF;
	_ =	strace $0x9FFFFFFF  }
0xc2: {  	(tm) =	ssettm $0x7FFFFFFF  }
0xc3: {  	_ =	shalt  }
tec
execute0_lowered:
.L_overlay_start_1:
0x0: {  	(tag) =	ssettag $0x1  }
0x1: {  	s3 =	rddreg [dreg:$0x0];
	s1 =	srdreg.scid  }
0x2: {  	s0 =	stileid.u32;
	s4 =	rddreg [dreg:$0x1];
	s2 =	simm.s32 $0x0  }
0x3: {  	s5 =	sand.u32 $0x1, s1;
	s6 =	sshll.u32 s0, $0x1;
	s1 =	rddreg [dreg:$0x2]  }
0x4: {  	[smem:$0x7FF] =	sst s2;
	s30 =	sshll.u32 s0, $0xA;
	s6 =	sor.u32 s5, s6  }
0x5: {  	s8 =	ssub.s32 $0x2, s5;
	_ =	strace $0x80000047;
	s31 =	sshll.u32 s5, $0x9  }
0x6: {  	s7 =	smul.u32 $0xC80, s6;
	s9 =	sshrl.u32 s8, $0x1;
	s6 =	sshll.u32 s6, $0xD  }
0x7: {  	s29 =	ssub.s32 s8, s9;
	s3 =	sadd.s32 s3, s6;
	s6 =	sor.u32 s31, s30  }
0x8: {  	s8 =	simm.s32 $0x10000;
	s9 =	simm.s32 $0x0;
	s4 =	sadd.s32 s7, s4  }
0x9: {  	v0 =	vimm.s32 $0x0;
	s5 =	smax.u32 s29, $0x1;
	s7 =	simm.s32 $0x1;
	s4 =	sadd.s32 $0x800, s4  }
.LBB2_1:
0xa: {  	[tilespmem:s2], [sflag:$0x1] =	stream.linear.gather [hbm4b:s3+s2], $0x10000, $0x38;
	[tilespmem:$0x16400] =	vst v63  }
0xb: {  	_ =	swait.ge [sflag:s7], $0x10000  }
0xc: {  	s10 =	simm.s32 $0x200;
	[sflag:s7] =	ssyncset.done $0x0  }
0xd: {  	s11 =	simm.s32 $0x100C8;
	s12 =	simm.s32 $0x0;
	[sflag:s7] =	ssyncadd.s32 $0xFFFF0000  }
.LBB2_2:
0xe: {  	v1 =	vld [tilespmem:s10+$0xFFFFFE00];
	_ =	sdelay $0x3  }
0xf: {  	s13 =	sadd.s32 s12, s6  }
0x10: {  	v1 =	vsub.s32 s13, v1  }
0x11: {  	vm0 =	vgt.s32 v1, $0x1;
	vm1 =	vgt.s32 v1, $0x2  }
0x12: {  	vm14 =	vgt.s32 v1, $0x3;
	v2 =	vsel vm0, $0x1, v0;
	v3 =	vsel vm1, $0x1, v0  }
0x13: {  	vm15 =	vgt.s32 v1, $0x4;
	v2 =	vadd.s32 v3, v2;
	v3 =	vsel vm14, $0x1, v0  }
0x14: {  	vm4 =	vgt.s32 v1, $0x7;
	v2 =	vadd.s32 v3, v2;
	v3 =	vsel vm15, $0x1, v0  }
0x15: {  	vm5 =	vgt.s32 v1, $0xF;
	v2 =	vadd.s32 v3, v2;
	v3 =	vsel vm4, $0x1, v0  }
0x16: {  	vm6 =	vgt.s32 v1, $0x1F;
	v2 =	vadd.s32 v3, v2;
	v3 =	vsel vm5, $0x1, v0  }
0x17: {  	vm7 =	vgt.s32 v1, $0x3F;
	v2 =	vadd.s32 v3, v2;
	v3 =	vsel vm6, $0x1, v0  }
0x18: {  	v1 =	vadd.s32 v3, v2;
	v2 =	vsel vm7, $0x1, v0  }
0x19: {  	v1 =	vadd.s32 v2, v1  }
0x1a: {  	[tilespmem:s11+$0xFFFFFF38] =	vst v1  }
0x1b: {  	v1 =	vld [tilespmem:s10+$0xFFFFFE10];
	_ =	sdelay $0x4  }
0x1c: {  	v1 =	vsub.s32 s13, v1  }
0x1d: {  	vm8 =	vgt.s32 v1, $0x1;
	vm9 =	vgt.s32 v1, $0x2  }
0x1e: {  	vm10 =	vgt.s32 v1, $0x3;
	v2 =	vsel vm8, $0x1, v0;
	v3 =	vsel vm9, $0x1, v0  }
0x1f: {  	vm11 =	vgt.s32 v1, $0x4;
	v2 =	vadd.s32 v3, v2;
	v3 =	vsel vm10, $0x1, v0  }
0x20: {  	vm12 =	vgt.s32 v1, $0x7;
	v2 =	vadd.s32 v3, v2;
	v3 =	vsel vm11, $0x1, v0  }
0x21: {  	vm13 =	vgt.s32 v1, $0xF;
	v2 =	vadd.s32 v3, v2;
	v3 =	vsel vm12, $0x1, v0  }
0x22: {  	vm14 =	vgt.s32 v1, $0x1F;
	v2 =	vadd.s32 v3, v2;
	v3 =	vsel vm13, $0x1, v0  }
0x23: {  	vm15 =	vgt.s32 v1, $0x3F;
	v2 =	vadd.s32 v3, v2;
	v3 =	vsel vm14, $0x1, v0  }
0x24: {  	v1 =	vadd.s32 v3, v2;
	v2 =	vsel vm15, $0x1, v0  }
0x25: {  	v1 =	vadd.s32 v2, v1  }
0x26: {  	[tilespmem:s11+$0xFFFFFF48] =	vst v1  }
0x27: {  	v1 =	vld [tilespmem:s10+$0xFFFFFE20];
	_ =	sdelay $0x4  }
0x28: {  	v1 =	vsub.s32 s13, v1  }
0x29: {  	vm4 =	vgt.s32 v1, $0x1;
	vm5 =	vgt.s32 v1, $0x2  }
0x2a: {  	vm6 =	vgt.s32 v1, $0x3;
	v2 =	vsel vm4, $0x1, v0;
	v3 =	vsel vm5, $0x1, v0  }
0x2b: {  	vm7 =	vgt.s32 v1, $0x4;
	v2 =	vadd.s32 v3, v2;
	v3 =	vsel vm6, $0x1, v0  }
0x2c: {  	vm8 =	vgt.s32 v1, $0x7;
	v2 =	vadd.s32 v3, v2;
	v3 =	vsel vm7, $0x1, v0  }
0x2d: {  	vm9 =	vgt.s32 v1, $0xF;
	v2 =	vadd.s32 v3, v2;
	v3 =	vsel vm8, $0x1, v0  }
0x2e: {  	vm10 =	vgt.s32 v1, $0x1F;
	v2 =	vadd.s32 v3, v2;
	v3 =	vsel vm9, $0x1, v0  }
0x2f: {  	vm11 =	vgt.s32 v1, $0x3F;
	v2 =	vadd.s32 v3, v2;
	v3 =	vsel vm10, $0x1, v0  }
0x30: {  	v1 =	vadd.s32 v3, v2;
	v2 =	vsel vm11, $0x1, v0  }
0x31: {  	v1 =	vadd.s32 v2, v1  }
0x32: {  	[tilespmem:s11+$0xFFFFFF58] =	vst v1  }
0x33: {  	v1 =	vld [tilespmem:s10+$0xFFFFFE22];
	_ =	sdelay $0x4  }
0x34: {  	v1 =	vsub.s32 s13, v1  }
0x35: {  	vm12 =	vgt.s32 v1, $0x1;
	vm13 =	vgt.s32 v1, $0x2  }
0x36: {  	vm14 =	vgt.s32 v1, $0x3;
	v2 =	vsel vm12, $0x1, v0;
	v3 =	vsel vm13, $0x1, v0  }
0x37: {  	vm15 =	vgt.s32 v1, $0x4;
	v2 =	vadd.s32 v3, v2;
	v3 =	vsel vm14, $0x1, v0  }
0x38: {  	vm4 =	vgt.s32 v1, $0x7;
	v2 =	vadd.s32 v3, v2;
	v3 =	vsel vm15, $0x1, v0  }
0x39: {  	vm5 =	vgt.s32 v1, $0xF;
	v2 =	vadd.s32 v3, v2;
	v3 =	vsel vm4, $0x1, v0  }
0x3a: {  	vm6 =	vgt.s32 v1, $0x1F;
	v2 =	vadd.s32 v3, v2;
	v3 =	vsel vm5, $0x1, v0  }
0x3b: {  	vm7 =	vgt.s32 v1, $0x3F;
	v2 =	vadd.s32 v3, v2;
	v3 =	vsel vm6, $0x1, v0  }
0x3c: {  	v1 =	vadd.s32 v3, v2;
	v2 =	vsel vm7, $0x1, v0  }
0x3d: {  	v1 =	vadd.s32 v2, v1  }
0x3e: {  	[tilespmem:s11+$0xFFFFFF5A] =	vst v1  }
0x3f: {  	v1 =	vld [tilespmem:s10+$0xFFFFFE80];
	_ =	sdelay $0x3  }
0x40: {  	s14 =	sadd.s32 $0x1, s13  }
0x41: {  	v1 =	vsub.s32 s14, v1  }
0x42: {  	vm8 =	vgt.s32 v1, $0x1;
	vm9 =	vgt.s32 v1, $0x2  }
0x43: {  	vm10 =	vgt.s32 v1, $0x3;
	v2 =	vsel vm8, $0x1, v0;
	v3 =	vsel vm9, $0x1, v0  }
0x44: {  	vm11 =	vgt.s32 v1, $0x4;
	v2 =	vadd.s32 v3, v2;
	v3 =	vsel vm10, $0x1, v0  }
0x45: {  	vm12 =	vgt.s32 v1, $0x7;
	v2 =	vadd.s32 v3, v2;
	v3 =	vsel vm11, $0x1, v0  }
0x46: {  	vm13 =	vgt.s32 v1, $0xF;
	v2 =	vadd.s32 v3, v2;
	v3 =	vsel vm12, $0x1, v0  }
0x47: {  	vm14 =	vgt.s32 v1, $0x1F;
	v2 =	vadd.s32 v3, v2;
	v3 =	vsel vm13, $0x1, v0  }
0x48: {  	vm15 =	vgt.s32 v1, $0x3F;
	v2 =	vadd.s32 v3, v2;
	v3 =	vsel vm14, $0x1, v0  }
0x49: {  	v1 =	vadd.s32 v3, v2;
	v2 =	vsel vm15, $0x1, v0  }
0x4a: {  	v1 =	vadd.s32 v2, v1  }
0x4b: {  	[tilespmem:s11+$0xFFFFFF6A] =	vst v1  }
0x4c: {  	v1 =	vld [tilespmem:s10+$0xFFFFFE90];
	_ =	sdelay $0x4  }
0x4d: {  	v1 =	vsub.s32 s14, v1  }
0x4e: {  	vm4 =	vgt.s32 v1, $0x1;
	vm5 =	vgt.s32 v1, $0x2  }
0x4f: {  	vm6 =	vgt.s32 v1, $0x3;
	v2 =	vsel vm4, $0x1, v0;
	v3 =	vsel vm5, $0x1, v0  }
0x50: {  	vm7 =	vgt.s32 v1, $0x4;
	v2 =	vadd.s32 v3, v2;
	v3 =	vsel vm6, $0x1, v0  }
0x51: {  	vm8 =	vgt.s32 v1, $0x7;
	v2 =	vadd.s32 v3, v2;
	v3 =	vsel vm7, $0x1, v0  }
0x52: {  	vm9 =	vgt.s32 v1, $0xF;
	v2 =	vadd.s32 v3, v2;
	v3 =	vsel vm8, $0x1, v0  }
0x53: {  	vm10 =	vgt.s32 v1, $0x1F;
	v2 =	vadd.s32 v3, v2;
	v3 =	vsel vm9, $0x1, v0  }
0x54: {  	vm11 =	vgt.s32 v1, $0x3F;
	v2 =	vadd.s32 v3, v2;
	v3 =	vsel vm10, $0x1, v0  }
0x55: {  	v1 =	vadd.s32 v3, v2;
	v2 =	vsel vm11, $0x1, v0  }
0x56: {  	v1 =	vadd.s32 v2, v1  }
0x57: {  	[tilespmem:s11+$0xFFFFFF7A] =	vst v1  }
0x58: {  	v1 =	vld [tilespmem:s10+$0xFFFFFEA0];
	_ =	sdelay $0x4  }
0x59: {  	v1 =	vsub.s32 s14, v1  }
0x5a: {  	vm12 =	vgt.s32 v1, $0x1;
	vm13 =	vgt.s32 v1, $0x2  }
0x5b: {  	vm14 =	vgt.s32 v1, $0x3;
	v2 =	vsel vm12, $0x1, v0;
	v3 =	vsel vm13, $0x1, v0  }
0x5c: {  	vm15 =	vgt.s32 v1, $0x4;
	v2 =	vadd.s32 v3, v2;
	v3 =	vsel vm14, $0x1, v0  }
0x5d: {  	vm4 =	vgt.s32 v1, $0x7;
	v2 =	vadd.s32 v3, v2;
	v3 =	vsel vm15, $0x1, v0  }
0x5e: {  	vm5 =	vgt.s32 v1, $0xF;
	v2 =	vadd.s32 v3, v2;
	v3 =	vsel vm4, $0x1, v0  }
0x5f: {  	vm6 =	vgt.s32 v1, $0x1F;
	v2 =	vadd.s32 v3, v2;
	v3 =	vsel vm5, $0x1, v0  }
0x60: {  	vm7 =	vgt.s32 v1, $0x3F;
	v2 =	vadd.s32 v3, v2;
	v3 =	vsel vm6, $0x1, v0  }
0x61: {  	v1 =	vadd.s32 v3, v2;
	v2 =	vsel vm7, $0x1, v0  }
0x62: {  	v1 =	vadd.s32 v2, v1  }
0x63: {  	[tilespmem:s11+$0xFFFFFF8A] =	vst v1  }
0x64: {  	v1 =	vld [tilespmem:s10+$0xFFFFFEA2];
	_ =	sdelay $0x4  }
0x65: {  	v1 =	vsub.s32 s14, v1  }
0x66: {  	vm8 =	vgt.s32 v1, $0x1;
	vm9 =	vgt.s32 v1, $0x2  }
0x67: {  	vm10 =	vgt.s32 v1, $0x3;
	v2 =	vsel vm8, $0x1, v0;
	v3 =	vsel vm9, $0x1, v0  }
0x68: {  	vm11 =	vgt.s32 v1, $0x4;
	v2 =	vadd.s32 v3, v2;
	v3 =	vsel vm10, $0x1, v0  }
0x69: {  	vm12 =	vgt.s32 v1, $0x7;
	v2 =	vadd.s32 v3, v2;
	v3 =	vsel vm11, $0x1, v0  }
0x6a: {  	vm13 =	vgt.s32 v1, $0xF;
	v2 =	vadd.s32 v3, v2;
	v3 =	vsel vm12, $0x1, v0  }
0x6b: {  	vm14 =	vgt.s32 v1, $0x1F;
	v2 =	vadd.s32 v3, v2;
	v3 =	vsel vm13, $0x1, v0  }
0x6c: {  	vm15 =	vgt.s32 v1, $0x3F;
	v2 =	vadd.s32 v3, v2;
	v3 =	vsel vm14, $0x1, v0  }
0x6d: {  	v1 =	vadd.s32 v3, v2;
	v2 =	vsel vm15, $0x1, v0  }
0x6e: {  	v1 =	vadd.s32 v2, v1  }
0x6f: {  	[tilespmem:s11+$0xFFFFFF8C] =	vst v1  }
0x70: {  	v1 =	vld [tilespmem:s10+$0xFFFFFF00];
	_ =	sdelay $0x3  }
0x71: {  	s26 =	sadd.s32 $0x2, s13  }
0x72: {  	v1 =	vsub.s32 s26, v1  }
0x73: {  	vm4 =	vgt.s32 v1, $0x1;
	vm5 =	vgt.s32 v1, $0x2  }
0x74: {  	vm6 =	vgt.s32 v1, $0x3;
	v2 =	vsel vm4, $0x1, v0;
	v3 =	vsel vm5, $0x1, v0  }
0x75: {  	vm7 =	vgt.s32 v1, $0x4;
	v2 =	vadd.s32 v3, v2;
	v3 =	vsel vm6, $0x1, v0  }
0x76: {  	vm8 =	vgt.s32 v1, $0x7;
	v2 =	vadd.s32 v3, v2;
	v3 =	vsel vm7, $0x1, v0  }
0x77: {  	vm9 =	vgt.s32 v1, $0xF;
	v2 =	vadd.s32 v3, v2;
	v3 =	vsel vm8, $0x1, v0  }
0x78: {  	vm10 =	vgt.s32 v1, $0x1F;
	v2 =	vadd.s32 v3, v2;
	v3 =	vsel vm9, $0x1, v0  }
0x79: {  	vm11 =	vgt.s32 v1, $0x3F;
	v2 =	vadd.s32 v3, v2;
	v3 =	vsel vm10, $0x1, v0  }
0x7a: {  	v1 =	vadd.s32 v3, v2;
	v2 =	vsel vm11, $0x1, v0  }
0x7b: {  	v1 =	vadd.s32 v2, v1  }
0x7c: {  	[tilespmem:s11+$0xFFFFFF9C] =	vst v1  }
0x7d: {  	v1 =	vld [tilespmem:s10+$0xFFFFFF10];
	_ =	sdelay $0x4  }
0x7e: {  	v1 =	vsub.s32 s26, v1  }
0x7f: {  	vm12 =	vgt.s32 v1, $0x1;
	vm13 =	vgt.s32 v1, $0x2  }
0x80: {  	vm14 =	vgt.s32 v1, $0x3;
	v2 =	vsel vm12, $0x1, v0;
	v3 =	vsel vm13, $0x1, v0  }
0x81: {  	vm15 =	vgt.s32 v1, $0x4;
	v2 =	vadd.s32 v3, v2;
	v3 =	vsel vm14, $0x1, v0  }
0x82: {  	vm4 =	vgt.s32 v1, $0x7;
	v2 =	vadd.s32 v3, v2;
	v3 =	vsel vm15, $0x1, v0  }
0x83: {  	vm5 =	vgt.s32 v1, $0xF;
	v2 =	vadd.s32 v3, v2;
	v3 =	vsel vm4, $0x1, v0  }
0x84: {  	vm6 =	vgt.s32 v1, $0x1F;
	v2 =	vadd.s32 v3, v2;
	v3 =	vsel vm5, $0x1, v0  }
0x85: {  	vm7 =	vgt.s32 v1, $0x3F;
	v2 =	vadd.s32 v3, v2;
	v3 =	vsel vm6, $0x1, v0  }
0x86: {  	v1 =	vadd.s32 v3, v2;
	v2 =	vsel vm7, $0x1, v0  }
0x87: {  	v1 =	vadd.s32 v2, v1  }
0x88: {  	[tilespmem:s11+$0xFFFFFFAC] =	vst v1  }
0x89: {  	v1 =	vld [tilespmem:s10+$0xFFFFFF20];
	_ =	sdelay $0x4  }
0x8a: {  	v1 =	vsub.s32 s26, v1  }
0x8b: {  	vm8 =	vgt.s32 v1, $0x1;
	vm9 =	vgt.s32 v1, $0x2  }
0x8c: {  	vm10 =	vgt.s32 v1, $0x3;
	v2 =	vsel vm8, $0x1, v0;
	v3 =	vsel vm9, $0x1, v0  }
0x8d: {  	vm11 =	vgt.s32 v1, $0x4;
	v2 =	vadd.s32 v3, v2;
	v3 =	vsel vm10, $0x1, v0  }
0x8e: {  	vm12 =	vgt.s32 v1, $0x7;
	v2 =	vadd.s32 v3, v2;
	v3 =	vsel vm11, $0x1, v0  }
0x8f: {  	vm13 =	vgt.s32 v1, $0xF;
	v2 =	vadd.s32 v3, v2;
	v3 =	vsel vm12, $0x1, v0  }
0x90: {  	vm14 =	vgt.s32 v1, $0x1F;
	v2 =	vadd.s32 v3, v2;
	v3 =	vsel vm13, $0x1, v0  }
0x91: {  	vm15 =	vgt.s32 v1, $0x3F;
	v2 =	vadd.s32 v3, v2;
	v3 =	vsel vm14, $0x1, v0  }
0x92: {  	v1 =	vadd.s32 v3, v2;
	v2 =	vsel vm15, $0x1, v0  }
0x93: {  	v1 =	vadd.s32 v2, v1  }
0x94: {  	[tilespmem:s11+$0xFFFFFFBC] =	vst v1  }
0x95: {  	v1 =	vld [tilespmem:s10+$0xFFFFFF22];
	_ =	sdelay $0x4  }
0x96: {  	v1 =	vsub.s32 s26, v1  }
0x97: {  	vm4 =	vgt.s32 v1, $0x1;
	vm5 =	vgt.s32 v1, $0x2  }
0x98: {  	vm6 =	vgt.s32 v1, $0x3;
	v2 =	vsel vm4, $0x1, v0;
	v3 =	vsel vm5, $0x1, v0  }
0x99: {  	vm7 =	vgt.s32 v1, $0x4;
	v2 =	vadd.s32 v3, v2;
	v3 =	vsel vm6, $0x1, v0  }
0x9a: {  	vm8 =	vgt.s32 v1, $0x7;
	v2 =	vadd.s32 v3, v2;
	v3 =	vsel vm7, $0x1, v0  }
0x9b: {  	vm9 =	vgt.s32 v1, $0xF;
	v2 =	vadd.s32 v3, v2;
	v3 =	vsel vm8, $0x1, v0  }
0x9c: {  	vm10 =	vgt.s32 v1, $0x1F;
	v2 =	vadd.s32 v3, v2;
	v3 =	vsel vm9, $0x1, v0  }
0x9d: {  	vm11 =	vgt.s32 v1, $0x3F;
	v2 =	vadd.s32 v3, v2;
	v3 =	vsel vm10, $0x1, v0  }
0x9e: {  	v1 =	vadd.s32 v3, v2;
	v2 =	vsel vm11, $0x1, v0  }
0x9f: {  	v1 =	vadd.s32 v2, v1  }
0xa0: {  	[tilespmem:s11+$0xFFFFFFBE] =	vst v1  }
0xa1: {  	v1 =	vld [tilespmem:s10+$0xFFFFFF80];
	_ =	sdelay $0x3  }
0xa2: {  	s28 =	sadd.s32 $0x3, s13  }
0xa3: {  	v1 =	vsub.s32 s28, v1  }
0xa4: {  	vm12 =	vgt.s32 v1, $0x1;
	vm13 =	vgt.s32 v1, $0x2  }
0xa5: {  	vm14 =	vgt.s32 v1, $0x3;
	v2 =	vsel vm12, $0x1, v0;
	v3 =	vsel vm13, $0x1, v0  }
0xa6: {  	vm15 =	vgt.s32 v1, $0x4;
	v2 =	vadd.s32 v3, v2;
	v3 =	vsel vm14, $0x1, v0  }
0xa7: {  	vm4 =	vgt.s32 v1, $0x7;
	v2 =	vadd.s32 v3, v2;
	v3 =	vsel vm15, $0x1, v0  }
0xa8: {  	vm5 =	vgt.s32 v1, $0xF;
	v2 =	vadd.s32 v3, v2;
	v3 =	vsel vm4, $0x1, v0  }
0xa9: {  	vm6 =	vgt.s32 v1, $0x1F;
	v2 =	vadd.s32 v3, v2;
	v3 =	vsel vm5, $0x1, v0  }
0xaa: {  	vm7 =	vgt.s32 v1, $0x3F;
	v2 =	vadd.s32 v3, v2;
	v3 =	vsel vm6, $0x1, v0  }
0xab: {  	v1 =	vadd.s32 v3, v2;
	v2 =	vsel vm7, $0x1, v0  }
0xac: {  	v1 =	vadd.s32 v2, v1  }
0xad: {  	[tilespmem:s11+$0xFFFFFFCE] =	vst v1  }
0xae: {  	v1 =	vld [tilespmem:s10+$0xFFFFFF90];
	_ =	sdelay $0x4  }
0xaf: {  	v1 =	vsub.s32 s28, v1  }
0xb0: {  	vm8 =	vgt.s32 v1, $0x1;
	vm9 =	vgt.s32 v1, $0x2  }
0xb1: {  	vm10 =	vgt.s32 v1, $0x3;
	v2 =	vsel vm8, $0x1, v0;
	v3 =	vsel vm9, $0x1, v0  }
0xb2: {  	vm11 =	vgt.s32 v1, $0x4;
	v2 =	vadd.s32 v3, v2;
	v3 =	vsel vm10, $0x1, v0  }
0xb3: {  	vm12 =	vgt.s32 v1, $0x7;
	v2 =	vadd.s32 v3, v2;
	v3 =	vsel vm11, $0x1, v0  }
0xb4: {  	vm13 =	vgt.s32 v1, $0xF;
	v2 =	vadd.s32 v3, v2;
	v3 =	vsel vm12, $0x1, v0  }
0xb5: {  	vm14 =	vgt.s32 v1, $0x1F;
	v2 =	vadd.s32 v3, v2;
	v3 =	vsel vm13, $0x1, v0  }
0xb6: {  	vm15 =	vgt.s32 v1, $0x3F;
	v2 =	vadd.s32 v3, v2;
	v3 =	vsel vm14, $0x1, v0  }
0xb7: {  	v1 =	vadd.s32 v3, v2;
	v2 =	vsel vm15, $0x1, v0  }
0xb8: {  	v1 =	vadd.s32 v2, v1  }
0xb9: {  	[tilespmem:s11+$0xFFFFFFDE] =	vst v1  }
0xba: {  	v1 =	vld [tilespmem:s10+$0xFFFFFFA0];
	_ =	sdelay $0x4  }
0xbb: {  	v1 =	vsub.s32 s28, v1  }
0xbc: {  	vm4 =	vgt.s32 v1, $0x1;
	vm5 =	vgt.s32 v1, $0x2  }
0xbd: {  	vm6 =	vgt.s32 v1, $0x3;
	v2 =	vsel vm4, $0x1, v0;
	v3 =	vsel vm5, $0x1, v0  }
0xbe: {  	vm7 =	vgt.s32 v1, $0x4;
	v2 =	vadd.s32 v3, v2;
	v3 =	vsel vm6, $0x1, v0  }
0xbf: {  	vm8 =	vgt.s32 v1, $0x7;
	v2 =	vadd.s32 v3, v2;
	v3 =	vsel vm7, $0x1, v0  }
0xc0: {  	vm9 =	vgt.s32 v1, $0xF;
	v2 =	vadd.s32 v3, v2;
	v3 =	vsel vm8, $0x1, v0  }
0xc1: {  	vm10 =	vgt.s32 v1, $0x1F;
	v2 =	vadd.s32 v3, v2;
	v3 =	vsel vm9, $0x1, v0  }
0xc2: {  	vm11 =	vgt.s32 v1, $0x3F;
	v2 =	vadd.s32 v3, v2;
	v3 =	vsel vm10, $0x1, v0  }
0xc3: {  	v1 =	vadd.s32 v3, v2;
	v2 =	vsel vm11, $0x1, v0  }
0xc4: {  	v1 =	vadd.s32 v2, v1  }
0xc5: {  	[tilespmem:s11+$0xFFFFFFEE] =	vst v1  }
0xc6: {  	v1 =	vld [tilespmem:s10+$0xFFFFFFA2];
	_ =	sdelay $0x4  }
0xc7: {  	v1 =	vsub.s32 s28, v1  }
0xc8: {  	vm12 =	vgt.s32 v1, $0x1;
	vm13 =	vgt.s32 v1, $0x2  }
0xc9: {  	vm14 =	vgt.s32 v1, $0x3;
	v2 =	vsel vm12, $0x1, v0;
	v3 =	vsel vm13, $0x1, v0  }
0xca: {  	vm15 =	vgt.s32 v1, $0x4;
	v2 =	vadd.s32 v3, v2;
	v3 =	vsel vm14, $0x1, v0  }
0xcb: {  	vm4 =	vgt.s32 v1, $0x7;
	v2 =	vadd.s32 v3, v2;
	v3 =	vsel vm15, $0x1, v0  }
0xcc: {  	vm5 =	vgt.s32 v1, $0xF;
	v2 =	vadd.s32 v3, v2;
	v3 =	vsel vm4, $0x1, v0  }
0xcd: {  	vm6 =	vgt.s32 v1, $0x1F;
	v2 =	vadd.s32 v3, v2;
	v3 =	vsel vm5, $0x1, v0  }
0xce: {  	vm7 =	vgt.s32 v1, $0x3F;
	v2 =	vadd.s32 v3, v2;
	v3 =	vsel vm6, $0x1, v0  }
0xcf: {  	v1 =	vadd.s32 v3, v2;
	v2 =	vsel vm7, $0x1, v0  }
0xd0: {  	v1 =	vadd.s32 v2, v1  }
0xd1: {  	[tilespmem:s11+$0xFFFFFFF0] =	vst v1  }
0xd2: {  	v1 =	vld [tilespmem:s10+$0x0];
	_ =	sdelay $0x3  }
0xd3: {  	s29 =	sadd.s32 $0x4, s13  }
0xd4: {  	v1 =	vsub.s32 s29, v1  }
0xd5: {  	vm8 =	vgt.s32 v1, $0x1;
	vm9 =	vgt.s32 v1, $0x2  }
0xd6: {  	vm10 =	vgt.s32 v1, $0x3;
	v2 =	vsel vm8, $0x1, v0;
	v3 =	vsel vm9, $0x1, v0  }
0xd7: {  	vm11 =	vgt.s32 v1, $0x4;
	v2 =	vadd.s32 v3, v2;
	v3 =	vsel vm10, $0x1, v0  }
0xd8: {  	vm12 =	vgt.s32 v1, $0x7;
	v2 =	vadd.s32 v3, v2;
	v3 =	vsel vm11, $0x1, v0  }
0xd9: {  	vm13 =	vgt.s32 v1, $0xF;
	v2 =	vadd.s32 v3, v2;
	v3 =	vsel vm12, $0x1, v0  }
0xda: {  	vm14 =	vgt.s32 v1, $0x1F;
	v2 =	vadd.s32 v3, v2;
	v3 =	vsel vm13, $0x1, v0  }
0xdb: {  	vm15 =	vgt.s32 v1, $0x3F;
	v2 =	vadd.s32 v3, v2;
	v3 =	vsel vm14, $0x1, v0  }
0xdc: {  	v1 =	vadd.s32 v3, v2;
	v2 =	vsel vm15, $0x1, v0  }
0xdd: {  	v1 =	vadd.s32 v2, v1  }
0xde: {  	[tilespmem:s11+$0x0] =	vst v1  }
0xdf: {  	v1 =	vld [tilespmem:s10+$0x10];
	_ =	sdelay $0x4  }
0xe0: {  	v1 =	vsub.s32 s29, v1  }
0xe1: {  	vm4 =	vgt.s32 v1, $0x1;
	vm5 =	vgt.s32 v1, $0x2  }
0xe2: {  	vm6 =	vgt.s32 v1, $0x3;
	v2 =	vsel vm4, $0x1, v0;
	v3 =	vsel vm5, $0x1, v0  }
0xe3: {  	vm7 =	vgt.s32 v1, $0x4;
	v2 =	vadd.s32 v3, v2;
	v3 =	vsel vm6, $0x1, v0  }
0xe4: {  	vm8 =	vgt.s32 v1, $0x7;
	v2 =	vadd.s32 v3, v2;
	v3 =	vsel vm7, $0x1, v0  }
0xe5: {  	vm9 =	vgt.s32 v1, $0xF;
	v2 =	vadd.s32 v3, v2;
	v3 =	vsel vm8, $0x1, v0  }
0xe6: {  	vm10 =	vgt.s32 v1, $0x1F;
	v2 =	vadd.s32 v3, v2;
	v3 =	vsel vm9, $0x1, v0  }
0xe7: {  	vm11 =	vgt.s32 v1, $0x3F;
	v2 =	vadd.s32 v3, v2;
	v3 =	vsel vm10, $0x1, v0  }
0xe8: {  	v1 =	vadd.s32 v3, v2;
	v2 =	vsel vm11, $0x1, v0  }
0xe9: {  	v1 =	vadd.s32 v2, v1  }
0xea: {  	[tilespmem:s11+$0x10] =	vst v1  }
0xeb: {  	v1 =	vld [tilespmem:s10+$0x20];
	_ =	sdelay $0x4  }
0xec: {  	v1 =	vsub.s32 s29, v1  }
0xed: {  	vm12 =	vgt.s32 v1, $0x1;
	vm13 =	vgt.s32 v1, $0x2  }
0xee: {  	vm14 =	vgt.s32 v1, $0x3;
	v2 =	vsel vm12, $0x1, v0;
	v3 =	vsel vm13, $0x1, v0  }
0xef: {  	vm15 =	vgt.s32 v1, $0x4;
	v2 =	vadd.s32 v3, v2;
	v3 =	vsel vm14, $0x1, v0  }
0xf0: {  	vm4 =	vgt.s32 v1, $0x7;
	v2 =	vadd.s32 v3, v2;
	v3 =	vsel vm15, $0x1, v0  }
0xf1: {  	vm5 =	vgt.s32 v1, $0xF;
	v2 =	vadd.s32 v3, v2;
	v3 =	vsel vm4, $0x1, v0  }
0xf2: {  	vm6 =	vgt.s32 v1, $0x1F;
	v2 =	vadd.s32 v3, v2;
	v3 =	vsel vm5, $0x1, v0  }
0xf3: {  	vm7 =	vgt.s32 v1, $0x3F;
	v2 =	vadd.s32 v3, v2;
	v3 =	vsel vm6, $0x1, v0  }
0xf4: {  	v1 =	vadd.s32 v3, v2;
	v2 =	vsel vm7, $0x1, v0  }
0xf5: {  	v1 =	vadd.s32 v2, v1  }
0xf6: {  	[tilespmem:s11+$0x20] =	vst v1  }
0xf7: {  	v1 =	vld [tilespmem:s10+$0x22];
	_ =	sdelay $0x4  }
0xf8: {  	v1 =	vsub.s32 s29, v1  }
0xf9: {  	vm8 =	vgt.s32 v1, $0x1;
	vm9 =	vgt.s32 v1, $0x2  }
0xfa: {  	vm10 =	vgt.s32 v1, $0x3;
	v2 =	vsel vm8, $0x1, v0;
	v3 =	vsel vm9, $0x1, v0  }
0xfb: {  	vm11 =	vgt.s32 v1, $0x4;
	v2 =	vadd.s32 v3, v2;
	v3 =	vsel vm10, $0x1, v0  }
0xfc: {  	vm12 =	vgt.s32 v1, $0x7;
	v2 =	vadd.s32 v3, v2;
	v3 =	vsel vm11, $0x1, v0  }
0xfd: {  	vm13 =	vgt.s32 v1, $0xF;
	v2 =	vadd.s32 v3, v2;
	v3 =	vsel vm12, $0x1, v0  }
0xfe: {  	vm14 =	vgt.s32 v1, $0x1F;
	v2 =	vadd.s32 v3, v2;
	v3 =	vsel vm13, $0x1, v0  }
0xff: {  	vm15 =	vgt.s32 v1, $0x3F;
	v2 =	vadd.s32 v3, v2;
	v3 =	vsel vm14, $0x1, v0  }
0x100: {  	v1 =	vadd.s32 v3, v2;
	v2 =	vsel vm15, $0x1, v0  }
0x101: {  	v1 =	vadd.s32 v2, v1  }
0x102: {  	[tilespmem:s11+$0x22] =	vst v1  }
0x103: {  	v1 =	vld [tilespmem:s10+$0x80];
	_ =	sdelay $0x3  }
0x104: {  	s30 =	sadd.s32 $0x5, s13  }
0x105: {  	v1 =	vsub.s32 s30, v1  }
0x106: {  	vm4 =	vgt.s32 v1, $0x1;
	vm5 =	vgt.s32 v1, $0x2  }
0x107: {  	vm6 =	vgt.s32 v1, $0x3;
	v2 =	vsel vm4, $0x1, v0;
	v3 =	vsel vm5, $0x1, v0  }
0x108: {  	vm7 =	vgt.s32 v1, $0x4;
	v2 =	vadd.s32 v3, v2;
	v3 =	vsel vm6, $0x1, v0  }
0x109: {  	vm8 =	vgt.s32 v1, $0x7;
	v2 =	vadd.s32 v3, v2;
	v3 =	vsel vm7, $0x1, v0  }
0x10a: {  	vm9 =	vgt.s32 v1, $0xF;
	v2 =	vadd.s32 v3, v2;
	v3 =	vsel vm8, $0x1, v0  }
0x10b: {  	vm10 =	vgt.s32 v1, $0x1F;
	v2 =	vadd.s32 v3, v2;
	v3 =	vsel vm9, $0x1, v0  }
0x10c: {  	vm11 =	vgt.s32 v1, $0x3F;
	v2 =	vadd.s32 v3, v2;
	v3 =	vsel vm10, $0x1, v0  }
0x10d: {  	v1 =	vadd.s32 v3, v2;
	v2 =	vsel vm11, $0x1, v0  }
0x10e: {  	v1 =	vadd.s32 v2, v1  }
0x10f: {  	[tilespmem:s11+$0x32] =	vst v1  }
0x110: {  	v1 =	vld [tilespmem:s10+$0x90];
	_ =	sdelay $0x4  }
0x111: {  	v1 =	vsub.s32 s30, v1  }
0x112: {  	vm12 =	vgt.s32 v1, $0x1;
	vm13 =	vgt.s32 v1, $0x2  }
0x113: {  	vm14 =	vgt.s32 v1, $0x3;
	v2 =	vsel vm12, $0x1, v0;
	v3 =	vsel vm13, $0x1, v0  }
0x114: {  	vm15 =	vgt.s32 v1, $0x4;
	v2 =	vadd.s32 v3, v2;
	v3 =	vsel vm14, $0x1, v0  }
0x115: {  	vm4 =	vgt.s32 v1, $0x7;
	v2 =	vadd.s32 v3, v2;
	v3 =	vsel vm15, $0x1, v0  }
0x116: {  	vm5 =	vgt.s32 v1, $0xF;
	v2 =	vadd.s32 v3, v2;
	v3 =	vsel vm4, $0x1, v0  }
0x117: {  	vm6 =	vgt.s32 v1, $0x1F;
	v2 =	vadd.s32 v3, v2;
	v3 =	vsel vm5, $0x1, v0  }
0x118: {  	vm7 =	vgt.s32 v1, $0x3F;
	v2 =	vadd.s32 v3, v2;
	v3 =	vsel vm6, $0x1, v0  }
0x119: {  	v1 =	vadd.s32 v3, v2;
	v2 =	vsel vm7, $0x1, v0  }
0x11a: {  	v1 =	vadd.s32 v2, v1  }
0x11b: {  	[tilespmem:s11+$0x42] =	vst v1  }
0x11c: {  	v1 =	vld [tilespmem:s10+$0xA0];
	_ =	sdelay $0x4  }
0x11d: {  	v1 =	vsub.s32 s30, v1  }
0x11e: {  	vm8 =	vgt.s32 v1, $0x1;
	vm9 =	vgt.s32 v1, $0x2  }
0x11f: {  	vm10 =	vgt.s32 v1, $0x3;
	v2 =	vsel vm8, $0x1, v0;
	v3 =	vsel vm9, $0x1, v0  }
0x120: {  	vm11 =	vgt.s32 v1, $0x4;
	v2 =	vadd.s32 v3, v2;
	v3 =	vsel vm10, $0x1, v0  }
0x121: {  	vm12 =	vgt.s32 v1, $0x7;
	v2 =	vadd.s32 v3, v2;
	v3 =	vsel vm11, $0x1, v0  }
0x122: {  	vm13 =	vgt.s32 v1, $0xF;
	v2 =	vadd.s32 v3, v2;
	v3 =	vsel vm12, $0x1, v0  }
0x123: {  	vm14 =	vgt.s32 v1, $0x1F;
	v2 =	vadd.s32 v3, v2;
	v3 =	vsel vm13, $0x1, v0  }
0x124: {  	vm15 =	vgt.s32 v1, $0x3F;
	v2 =	vadd.s32 v3, v2;
	v3 =	vsel vm14, $0x1, v0  }
0x125: {  	v1 =	vadd.s32 v3, v2;
	v2 =	vsel vm15, $0x1, v0  }
0x126: {  	v1 =	vadd.s32 v2, v1  }
0x127: {  	[tilespmem:s11+$0x52] =	vst v1  }
0x128: {  	v1 =	vld [tilespmem:s10+$0xA2];
	_ =	sdelay $0x4  }
0x129: {  	v1 =	vsub.s32 s30, v1  }
0x12a: {  	vm4 =	vgt.s32 v1, $0x1;
	vm5 =	vgt.s32 v1, $0x2  }
0x12b: {  	vm6 =	vgt.s32 v1, $0x3;
	v2 =	vsel vm4, $0x1, v0;
	v3 =	vsel vm5, $0x1, v0  }
0x12c: {  	vm7 =	vgt.s32 v1, $0x4;
	v2 =	vadd.s32 v3, v2;
	v3 =	vsel vm6, $0x1, v0  }
0x12d: {  	vm8 =	vgt.s32 v1, $0x7;
	v2 =	vadd.s32 v3, v2;
	v3 =	vsel vm7, $0x1, v0  }
0x12e: {  	vm9 =	vgt.s32 v1, $0xF;
	v2 =	vadd.s32 v3, v2;
	v3 =	vsel vm8, $0x1, v0  }
0x12f: {  	vm10 =	vgt.s32 v1, $0x1F;
	v2 =	vadd.s32 v3, v2;
	v3 =	vsel vm9, $0x1, v0  }
0x130: {  	vm11 =	vgt.s32 v1, $0x3F;
	v2 =	vadd.s32 v3, v2;
	v3 =	vsel vm10, $0x1, v0  }
0x131: {  	v1 =	vadd.s32 v3, v2;
	v2 =	vsel vm11, $0x1, v0  }
0x132: {  	v1 =	vadd.s32 v2, v1  }
0x133: {  	[tilespmem:s11+$0x54] =	vst v1  }
0x134: {  	v1 =	vld [tilespmem:s10+$0x100];
	_ =	sdelay $0x3  }
0x135: {  	s31 =	sadd.s32 $0x6, s13  }
0x136: {  	v1 =	vsub.s32 s31, v1  }
0x137: {  	vm12 =	vgt.s32 v1, $0x1;
	vm13 =	vgt.s32 v1, $0x2  }
0x138: {  	vm14 =	vgt.s32 v1, $0x3;
	v2 =	vsel vm12, $0x1, v0;
	v3 =	vsel vm13, $0x1, v0  }
0x139: {  	vm15 =	vgt.s32 v1, $0x4;
	v2 =	vadd.s32 v3, v2;
	v3 =	vsel vm14, $0x1, v0  }
0x13a: {  	vm4 =	vgt.s32 v1, $0x7;
	v2 =	vadd.s32 v3, v2;
	v3 =	vsel vm15, $0x1, v0  }
0x13b: {  	vm5 =	vgt.s32 v1, $0xF;
	v2 =	vadd.s32 v3, v2;
	v3 =	vsel vm4, $0x1, v0  }
0x13c: {  	vm6 =	vgt.s32 v1, $0x1F;
	v2 =	vadd.s32 v3, v2;
	v3 =	vsel vm5, $0x1, v0  }
0x13d: {  	vm7 =	vgt.s32 v1, $0x3F;
	v2 =	vadd.s32 v3, v2;
	v3 =	vsel vm6, $0x1, v0  }
0x13e: {  	v1 =	vadd.s32 v3, v2;
	v2 =	vsel vm7, $0x1, v0  }
0x13f: {  	v1 =	vadd.s32 v2, v1  }
0x140: {  	[tilespmem:s11+$0x64] =	vst v1  }
0x141: {  	v1 =	vld [tilespmem:s10+$0x110];
	_ =	sdelay $0x4  }
0x142: {  	v1 =	vsub.s32 s31, v1  }
0x143: {  	vm8 =	vgt.s32 v1, $0x1;
	vm9 =	vgt.s32 v1, $0x2  }
0x144: {  	vm10 =	vgt.s32 v1, $0x3;
	v2 =	vsel vm8, $0x1, v0;
	v3 =	vsel vm9, $0x1, v0  }
0x145: {  	vm11 =	vgt.s32 v1, $0x4;
	v2 =	vadd.s32 v3, v2;
	v3 =	vsel vm10, $0x1, v0  }
0x146: {  	vm12 =	vgt.s32 v1, $0x7;
	v2 =	vadd.s32 v3, v2;
	v3 =	vsel vm11, $0x1, v0  }
0x147: {  	vm13 =	vgt.s32 v1, $0xF;
	v2 =	vadd.s32 v3, v2;
	v3 =	vsel vm12, $0x1, v0  }
0x148: {  	vm14 =	vgt.s32 v1, $0x1F;
	v2 =	vadd.s32 v3, v2;
	v3 =	vsel vm13, $0x1, v0  }
0x149: {  	vm15 =	vgt.s32 v1, $0x3F;
	v2 =	vadd.s32 v3, v2;
	v3 =	vsel vm14, $0x1, v0  }
0x14a: {  	v1 =	vadd.s32 v3, v2;
	v2 =	vsel vm15, $0x1, v0  }
0x14b: {  	v1 =	vadd.s32 v2, v1  }
0x14c: {  	[tilespmem:s11+$0x74] =	vst v1  }
0x14d: {  	v1 =	vld [tilespmem:s10+$0x120];
	_ =	sdelay $0x4  }
0x14e: {  	v1 =	vsub.s32 s31, v1  }
0x14f: {  	vm4 =	vgt.s32 v1, $0x1;
	vm5 =	vgt.s32 v1, $0x2  }
0x150: {  	vm6 =	vgt.s32 v1, $0x3;
	v2 =	vsel vm4, $0x1, v0;
	v3 =	vsel vm5, $0x1, v0  }
0x151: {  	vm7 =	vgt.s32 v1, $0x4;
	v2 =	vadd.s32 v3, v2;
	v3 =	vsel vm6, $0x1, v0  }
0x152: {  	vm8 =	vgt.s32 v1, $0x7;
	v2 =	vadd.s32 v3, v2;
	v3 =	vsel vm7, $0x1, v0  }
0x153: {  	vm9 =	vgt.s32 v1, $0xF;
	v2 =	vadd.s32 v3, v2;
	v3 =	vsel vm8, $0x1, v0  }
0x154: {  	vm10 =	vgt.s32 v1, $0x1F;
	v2 =	vadd.s32 v3, v2;
	v3 =	vsel vm9, $0x1, v0  }
0x155: {  	vm11 =	vgt.s32 v1, $0x3F;
	v2 =	vadd.s32 v3, v2;
	v3 =	vsel vm10, $0x1, v0  }
0x156: {  	v1 =	vadd.s32 v3, v2;
	v2 =	vsel vm11, $0x1, v0  }
0x157: {  	v1 =	vadd.s32 v2, v1  }
0x158: {  	[tilespmem:s11+$0x84] =	vst v1  }
0x159: {  	v1 =	vld [tilespmem:s10+$0x122];
	_ =	sdelay $0x4  }
0x15a: {  	v1 =	vsub.s32 s31, v1  }
0x15b: {  	vm12 =	vgt.s32 v1, $0x1;
	vm13 =	vgt.s32 v1, $0x2  }
0x15c: {  	vm14 =	vgt.s32 v1, $0x3;
	v2 =	vsel vm12, $0x1, v0;
	v3 =	vsel vm13, $0x1, v0  }
0x15d: {  	vm15 =	vgt.s32 v1, $0x4;
	v2 =	vadd.s32 v3, v2;
	v3 =	vsel vm14, $0x1, v0  }
0x15e: {  	vm4 =	vgt.s32 v1, $0x7;
	v2 =	vadd.s32 v3, v2;
	v3 =	vsel vm15, $0x1, v0  }
0x15f: {  	vm5 =	vgt.s32 v1, $0xF;
	v2 =	vadd.s32 v3, v2;
	v3 =	vsel vm4, $0x1, v0  }
0x160: {  	vm6 =	vgt.s32 v1, $0x1F;
	v2 =	vadd.s32 v3, v2;
	v3 =	vsel vm5, $0x1, v0  }
0x161: {  	vm7 =	vgt.s32 v1, $0x3F;
	v2 =	vadd.s32 v3, v2;
	v3 =	vsel vm6, $0x1, v0  }
0x162: {  	v1 =	vadd.s32 v3, v2;
	v2 =	vsel vm7, $0x1, v0  }
0x163: {  	v1 =	vadd.s32 v2, v1  }
0x164: {  	[tilespmem:s11+$0x86] =	vst v1  }
0x165: {  	v1 =	vld [tilespmem:s10+$0x180];
	_ =	sdelay $0x3  }
0x166: {  	s13 =	sadd.s32 $0x7, s13  }
0x167: {  	v1 =	vsub.s32 s13, v1  }
0x168: {  	vm8 =	vgt.s32 v1, $0x1;
	vm9 =	vgt.s32 v1, $0x2  }
0x169: {  	vm10 =	vgt.s32 v1, $0x3;
	v2 =	vsel vm8, $0x1, v0;
	v3 =	vsel vm9, $0x1, v0  }
0x16a: {  	vm11 =	vgt.s32 v1, $0x4;
	v2 =	vadd.s32 v3, v2;
	v3 =	vsel vm10, $0x1, v0  }
0x16b: {  	vm12 =	vgt.s32 v1, $0x7;
	v2 =	vadd.s32 v3, v2;
	v3 =	vsel vm11, $0x1, v0  }
0x16c: {  	vm13 =	vgt.s32 v1, $0xF;
	v2 =	vadd.s32 v3, v2;
	v3 =	vsel vm12, $0x1, v0  }
0x16d: {  	vm14 =	vgt.s32 v1, $0x1F;
	v2 =	vadd.s32 v3, v2;
	v3 =	vsel vm13, $0x1, v0  }
0x16e: {  	vm15 =	vgt.s32 v1, $0x3F;
	v2 =	vadd.s32 v3, v2;
	v3 =	vsel vm14, $0x1, v0  }
0x16f: {  	v1 =	vadd.s32 v3, v2;
	v2 =	vsel vm15, $0x1, v0  }
0x170: {  	v1 =	vadd.s32 v2, v1  }
0x171: {  	[tilespmem:s11+$0x96] =	vst v1  }
0x172: {  	v1 =	vld [tilespmem:s10+$0x190];
	_ =	sdelay $0x4  }
0x173: {  	v1 =	vsub.s32 s13, v1  }
0x174: {  	vm4 =	vgt.s32 v1, $0x1;
	vm5 =	vgt.s32 v1, $0x2  }
0x175: {  	vm6 =	vgt.s32 v1, $0x3;
	v2 =	vsel vm4, $0x1, v0;
	v3 =	vsel vm5, $0x1, v0  }
0x176: {  	vm7 =	vgt.s32 v1, $0x4;
	v2 =	vadd.s32 v3, v2;
	v3 =	vsel vm6, $0x1, v0  }
0x177: {  	vm8 =	vgt.s32 v1, $0x7;
	v2 =	vadd.s32 v3, v2;
	v3 =	vsel vm7, $0x1, v0  }
0x178: {  	vm9 =	vgt.s32 v1, $0xF;
	v2 =	vadd.s32 v3, v2;
	v3 =	vsel vm8, $0x1, v0  }
0x179: {  	vm10 =	vgt.s32 v1, $0x1F;
	v2 =	vadd.s32 v3, v2;
	v3 =	vsel vm9, $0x1, v0  }
0x17a: {  	vm11 =	vgt.s32 v1, $0x3F;
	v2 =	vadd.s32 v3, v2;
	v3 =	vsel vm10, $0x1, v0  }
0x17b: {  	v1 =	vadd.s32 v3, v2;
	v2 =	vsel vm11, $0x1, v0  }
0x17c: {  	v1 =	vadd.s32 v2, v1  }
0x17d: {  	[tilespmem:s11+$0xA6] =	vst v1  }
0x17e: {  	v1 =	vld [tilespmem:s10+$0x1A0];
	_ =	sdelay $0x4  }
0x17f: {  	v1 =	vsub.s32 s13, v1  }
0x180: {  	vm12 =	vgt.s32 v1, $0x1;
	vm13 =	vgt.s32 v1, $0x2  }
0x181: {  	vm14 =	vgt.s32 v1, $0x3;
	v2 =	vsel vm12, $0x1, v0;
	v3 =	vsel vm13, $0x1, v0  }
0x182: {  	vm15 =	vgt.s32 v1, $0x4;
	v2 =	vadd.s32 v3, v2;
	v3 =	vsel vm14, $0x1, v0  }
0x183: {  	vm4 =	vgt.s32 v1, $0x7;
	v2 =	vadd.s32 v3, v2;
	v3 =	vsel vm15, $0x1, v0  }
0x184: {  	vm5 =	vgt.s32 v1, $0xF;
	v2 =	vadd.s32 v3, v2;
	v3 =	vsel vm4, $0x1, v0  }
0x185: {  	vm6 =	vgt.s32 v1, $0x1F;
	v2 =	vadd.s32 v3, v2;
	v3 =	vsel vm5, $0x1, v0  }
0x186: {  	vm7 =	vgt.s32 v1, $0x3F;
	v2 =	vadd.s32 v3, v2;
	v3 =	vsel vm6, $0x1, v0  }
0x187: {  	v1 =	vadd.s32 v3, v2;
	v2 =	vsel vm7, $0x1, v0  }
0x188: {  	v1 =	vadd.s32 v2, v1  }
0x189: {  	[tilespmem:s11+$0xB6] =	vst v1  }
0x18a: {  	v1 =	vld [tilespmem:s10+$0x1A2];
	_ =	sdelay $0x4  }
0x18b: {  	v1 =	vsub.s32 s13, v1  }
0x18c: {  	vm8 =	vgt.s32 v1, $0x1;
	vm9 =	vgt.s32 v1, $0x2  }
0x18d: {  	vm10 =	vgt.s32 v1, $0x3;
	v2 =	vsel vm8, $0x1, v0;
	v3 =	vsel vm9, $0x1, v0  }
0x18e: {  	vm11 =	vgt.s32 v1, $0x4;
	v2 =	vadd.s32 v3, v2;
	v3 =	vsel vm10, $0x1, v0  }
0x18f: {  	vm12 =	vgt.s32 v1, $0x7;
	v2 =	vadd.s32 v3, v2;
	v3 =	vsel vm11, $0x1, v0  }
0x190: {  	p0 =	sne.s32 s12, $0x1F8;
	vm13 =	vgt.s32 v1, $0xF;
	v2 =	vadd.s32 v3, v2;
	v3 =	vsel vm12, $0x1, v0  }
.Ltmp0:
0x191: {  	vm14 =	vgt.s32 v1, $0x1F;
	v2 =	vadd.s32 v3, v2;
	v3 =	vsel vm13, $0x1, v0;
	(pc) =	sbr.rel @p0 .LBB2_2-.Ltmp0, $4  }
0x192: {  	vm15 =	vgt.s32 v1, $0x3F;
	v2 =	vadd.s32 v3, v2;
	v3 =	vsel vm14, $0x1, v0  }
0x193: {  	v1 =	vadd.s32 v3, v2;
	v2 =	vsel vm15, $0x1, v0  }
0x194: {  	v1 =	vadd.s32 v2, v1  }
0x195: {  	s12 =	sadd.s32 $0x8, s12;
	s10 =	sadd.s32 $0x400, s10;
	[tilespmem:s11+$0xB8] =	vst v1;
	s11 =	sadd.s32 $0x190, s11  }
0x196: {  	s9 =	sadd.s32 $0x1, s9  }
0x197: {  	p0 =	sne.s32 s9, s5  }
.Ltmp1:
0x198: {  	_ = 	snop;
	(pc) =	sbr.rel @p0 .LBB2_1-.Ltmp1, $4  }
0x199: {  	[hbm4b:s4+s2] =	stream.linear.scatter [tilespmem:s8], [sflag:$0x1], $0x6400, $0x38;
	[tilespmem:$0x16400] =	vst v63  }
0x19a: {  	_ =	swait.ge [sflag:s7], $0x6400  }
0x19b: {  	[sflag:s7] =	ssyncset.done $0x0  }
0x19c: {  	[sflag:s7] =	ssyncadd.s32 $0xFFFF9C00  }
0x19d: {  	_ =	sfence.sel $0x180000  }
0x19e: {  	[bflag:$0x0] =	sbarrier.arrive $0xFFFF  }
0x19f: {  	p0 =	sne.s32 s0, $0x0;
	_ =	strace $0x90000047  }
0x1a0: {  	s0 =	sadd.s32 @!p0 $0x100000, s1;
	[bflag:$0x2] =	sbarrier.arrive $0xFFFF  }
0x1a1: {  	[sflag:s0] =	ssyncadd.tile.s32 @!p0 $0x1;
	_ =	shalt  }
.Lfunc_end2:
_tile_overlayer_lowered:
.L_overlay_start_2:
0x1a2: {  	(tag) =	ssettag $0x2  }
0x1a3: {  	s0 =	rddreg [dreg:$0x0];
	s2 =	stileid.u32  }
0x1a4: {  	s1 =	rddreg [dreg:$0x1];
	p0 =	sne.s32 s2, $0x0  }
0x1a5: {  	s3 =	rddreg [dreg:$0x2];
	[bflag:$0x3] =	sbarrier.arrive $0xFFFF;
	s2 =	simm.s32 @!p0 $0x1C01  }
0x1a6: {  	[timem:s3], [sflag:s2] =	dma.local @!p0 [hbm:s0], s1  }
0x1a7: {  	s0 =	simm.s32 @!p0 $0x1  }
0x1a8: {  	_ =	swait.ge @!p0 [sflag:s0], s1  }
0x1a9: {  	s1 =	ssub.s32 @!p0 $0x0, s1;
	[sflag:s0] =	ssyncset.done @!p0 $0x0  }
0x1aa: {  	[sflag:s0] =	ssyncadd.s32 @!p0 s1  }
0x1ab: {  	[bflag:$0x3] =	sbarrier.arrive $0xFFFF  }
0x1ac: {  	_ =	shalt  }

</sc_bundles>
